<compile_context>
chip_gen: v7x
topology: tpu7x:2x2x1
jax: 0.10.2.dev20260603
libtpu: 0.0.44.dev20260713+nightly
codegen_flags: <defaults>
</compile_context>

<pallas_src>
import functools

import jax
import jax.numpy as jnp
from jax import lax
from jax.experimental import pallas as pl
from jax.experimental.pallas import tpu as pltpu
from jax.experimental.pallas import tpu_sc as plsc

_D = 768
_H = 3072
_E = 8
_N = 2048
_K = 2
_BLK = 256
_NB = _N * _K // _BLK + _E
_PPAD = _NB * _BLK
_EPS = 1e-6
_SQRT2 = 1.4142135623730951


def _gelu(h):
    return 0.5 * h * (1.0 + lax.erf(h / _SQRT2))


def _rms(h, n):
    return h * lax.rsqrt(jnp.mean(h * h, axis=-1, keepdims=True) + _EPS) * n




def _router_body(x_ref, gw_ref, dest_ref, gates_ref, meta_ref):
    x = x_ref[...]
    gw = gw_ref[...]
    logits = lax.dot_general(
        x.astype(jnp.bfloat16), gw.astype(jnp.bfloat16), (((1,), (1,)), ((), ())),
        preferred_element_type=jnp.float32)

    ecol = lax.broadcasted_iota(jnp.int32, (_N, _E), 1)
    l0 = jnp.max(logits, axis=1, keepdims=True)
    i0 = jnp.min(jnp.where(logits >= l0, ecol, _E), axis=1, keepdims=True)
    masked = jnp.where(ecol == i0, -jnp.inf, logits)
    l1 = jnp.max(masked, axis=1, keepdims=True)
    i1 = jnp.min(jnp.where(masked >= l1, ecol, _E), axis=1, keepdims=True)

    e1 = jnp.exp(l1 - l0)
    g0 = 1.0 / (1.0 + e1)
    g1 = e1 / (1.0 + e1)
    gates_ref[...] = jnp.concatenate(
        [jnp.broadcast_to(g0, (_N, 16)), jnp.broadcast_to(g1, (_N, 16))], axis=1)

    m0 = (ecol == i0).astype(jnp.float32)
    m1 = (ecol == i1).astype(jnp.float32)
    rt = m0 + m1

    r_io = lax.broadcasted_iota(jnp.int32, (_N, _N), 0)
    c_io = lax.broadcasted_iota(jnp.int32, (_N, _N), 1)
    tril = (r_io >= c_io).astype(jnp.float32)
    incl = lax.dot_general(
        tril, rt, (((1,), (0,)), ((), ())),
        preferred_element_type=jnp.float32)
    excl = incl - rt

    counts = jnp.sum(rt, axis=0, keepdims=True)
    padded = jnp.ceil(counts / _BLK) * _BLK
    e_r = lax.broadcasted_iota(jnp.int32, (_E, _E), 0)
    e_c = lax.broadcasted_iota(jnp.int32, (_E, _E), 1)
    tse = (e_r < e_c).astype(jnp.float32)
    offs = lax.dot_general(
        padded, tse, (((1,), (0,)), ((), ())),
        preferred_element_type=jnp.float32)

    slot = excl + offs
    d0 = jnp.sum(m0 * slot, axis=1, keepdims=True)
    d1 = jnp.sum(m1 * (slot + m0), axis=1, keepdims=True)
    dest_ref[...] = jnp.concatenate([d0, d1], axis=1).astype(jnp.int32)

    blk = lax.broadcasted_iota(jnp.int32, (1, 128), 1).astype(jnp.float32) * _BLK
    acc = jnp.zeros((1, 128), jnp.float32)
    for e in range(_E):
        acc = acc + (blk >= offs[0:1, e:e + 1]).astype(jnp.float32)
    be = acc - 1.0
    n_active = (offs[0:1, _E - 1:_E] + padded[0:1, _E - 1:_E]) / _BLK
    lane = lax.broadcasted_iota(jnp.int32, (1, 128), 1)
    meta = jnp.where(lane == 120, n_active, be)
    meta_ref[...] = meta.astype(jnp.int32)


def _router(x2d, gate_w):
    return pl.pallas_call(
        _router_body,
        out_shape=(
            jax.ShapeDtypeStruct((_N, _K), jnp.int32),
            jax.ShapeDtypeStruct((_N, 32), jnp.float32),
            jax.ShapeDtypeStruct((1, 128), jnp.int32),
        ),
        compiler_params=pltpu.CompilerParams(
            vmem_limit_bytes=100 * 1024 * 1024),
    )(x2d, gate_w)




def _sc_dispatch(x2d, d0, d1):
    info = plsc.get_sparse_core_info()
    nw = info.num_cores * info.num_subcores
    tpw = _N // nw

    @functools.partial(
        pl.kernel,
        out_type=jax.ShapeDtypeStruct((_PPAD, _D), jnp.float32),
        mesh=plsc.VectorSubcoreMesh(core_axis_name="c", subcore_axis_name="s"),
        scratch_types=[
            pltpu.VMEM((tpw,), jnp.int32),
            pltpu.VMEM((tpw,), jnp.int32),
            pltpu.VMEM((tpw, _D), jnp.float32),
            pltpu.SemaphoreType.DMA,
        ],
    )
    def disp(x_hbm, d0_hbm, d1_hbm, xd_hbm, i0_v, i1_v, rows_v, sem):
        wid = lax.axis_index("s") * info.num_cores + lax.axis_index("c")
        base = wid * tpw
        pltpu.sync_copy(x_hbm.at[pl.ds(base, tpw)], rows_v)
        pltpu.sync_copy(d0_hbm.at[pl.ds(base, tpw)], i0_v)
        pltpu.sync_copy(d1_hbm.at[pl.ds(base, tpw)], i1_v)
        pltpu.async_copy(rows_v, xd_hbm.at[i0_v], sem).wait()
        pltpu.async_copy(rows_v, xd_hbm.at[i1_v], sem).wait()

    return disp(x2d, d0, d1)


def _sc_combine(yd, d0, d1, gb):
    info = plsc.get_sparse_core_info()
    nw = info.num_cores * info.num_subcores
    tpw = _N // nw
    nl = 16

    @functools.partial(
        pl.kernel,
        out_type=jax.ShapeDtypeStruct((_N, _D), jnp.float32),
        mesh=plsc.VectorSubcoreMesh(core_axis_name="c", subcore_axis_name="s"),
        scratch_types=[
            pltpu.VMEM((tpw,), jnp.int32),
            pltpu.VMEM((tpw,), jnp.int32),
            pltpu.VMEM((tpw, 2 * nl), jnp.float32),
            pltpu.VMEM((tpw, _D), jnp.float32),
            pltpu.VMEM((tpw, _D), jnp.float32),
            pltpu.SemaphoreType.DMA,
            pltpu.SemaphoreType.DMA,
        ],
    )
    def comb(yd_hbm, d0_hbm, d1_hbm, gb_hbm, o_hbm,
             i0_v, i1_v, gb_v, r0_v, r1_v, sem0, sem1):
        wid = lax.axis_index("s") * info.num_cores + lax.axis_index("c")
        base = wid * tpw
        pltpu.sync_copy(d0_hbm.at[pl.ds(base, tpw)], i0_v)
        pltpu.sync_copy(d1_hbm.at[pl.ds(base, tpw)], i1_v)
        pltpu.sync_copy(gb_hbm.at[pl.ds(base, tpw)], gb_v)
        cp0 = pltpu.async_copy(yd_hbm.at[i0_v], r0_v, sem0)
        cp1 = pltpu.async_copy(yd_hbm.at[i1_v], r1_v, sem1)
        cp0.wait()
        cp1.wait()

        def body(t, carry):
            ga = gb_v[t, pl.ds(0, nl)]
            gb16 = gb_v[t, pl.ds(nl, nl)]
            for c in range(_D // nl):
                sl = pl.ds(c * nl, nl)
                r0_v[t, sl] = ga * r0_v[t, sl] + gb16 * r1_v[t, sl]
            return carry

        lax.fori_loop(0, tpw, body, 0)
        pltpu.sync_copy(r0_v, o_hbm.at[pl.ds(base, tpw)])

    return comb(yd, d0, d1, gb)




def _ffn_body(be_ref, na_ref, xd_ref, w1_ref, w2_ref, w3_ref, n1_ref, n2_ref,
              y_ref):
    g = pl.program_id(0)

    @pl.when(g < na_ref[0])
    def _():
        xb = xd_ref[...]
        h1 = lax.dot_general(
            xb, w1_ref[0], (((1,), (1,)), ((), ())),
            preferred_element_type=jnp.float32)
        h1 = _rms(_gelu(h1), n1_ref[0, 0, :])
        h2 = lax.dot_general(
            h1, w2_ref[0], (((1,), (1,)), ((), ())),
            preferred_element_type=jnp.float32)
        h2 = _rms(_gelu(h2), n2_ref[0, 0, :])
        y_ref[...] = lax.dot_general(
            h1 + h2, w3_ref[0], (((1,), (1,)), ((), ())),
            preferred_element_type=jnp.float32)


def _ffn(xd, w1b, w2b, w3b, n1, n2, be, na):
    grid_spec = pltpu.PrefetchScalarGridSpec(
        num_scalar_prefetch=2,
        grid=(_NB,),
        in_specs=[
            pl.BlockSpec((_BLK, _D), lambda g, be, na: (g, 0)),
            pl.BlockSpec((1, _H, _D), lambda g, be, na: (be[g], 0, 0),
                         pipeline_mode=pl.Buffered(buffer_count=1)),
            pl.BlockSpec((1, _H, _H), lambda g, be, na: (be[g], 0, 0),
                         pipeline_mode=pl.Buffered(buffer_count=1)),
            pl.BlockSpec((1, _D, _H), lambda g, be, na: (be[g], 0, 0),
                         pipeline_mode=pl.Buffered(buffer_count=1)),
            pl.BlockSpec((1, 1, _H), lambda g, be, na: (be[g], 0, 0)),
            pl.BlockSpec((1, 1, _H), lambda g, be, na: (be[g], 0, 0)),
        ],
        out_specs=pl.BlockSpec((_BLK, _D), lambda g, be, na: (g, 0)),
    )
    return pl.pallas_call(
        _ffn_body,
        grid_spec=grid_spec,
        out_shape=jax.ShapeDtypeStruct((_PPAD, _D), jnp.float32),
        compiler_params=pltpu.CompilerParams(
            dimension_semantics=("arbitrary",),
            vmem_limit_bytes=128 * 1024 * 1024),
    )(be, na, xd, w1b, w2b, w3b, n1, n2)


def kernel(x, gate_w, w1, w2, w3, n1, n2):
    x2d = x.reshape(_N, _D)
    dest, gates, meta = _router(x2d, gate_w)
    be = meta[0, :_NB]
    na = meta[0, 120:121]
    xd = _sc_dispatch(x2d, dest[:, 0], dest[:, 1])
    yd = _ffn(xd, w1, w2, w3, n1.reshape(_E, 1, _H),
              n2.reshape(_E, 1, _H), be, na)
    out = _sc_combine(yd, dest[:, 0], dest[:, 1], gates)
    return out.reshape(1, _N, _D)

# --- scband reference (transcript-rebuilt; emitter-appended) ---
"""Pipeline reference for scband-fusion-layer-43430709297782 (READ-ONLY COPY).

The authoritative reference and input builder live on the scoring server;
editing this copy changes nothing except your own understanding.
"""

import jax, jax.numpy as jnp
import numpy as np

DIM = 768
HID = 3072
E = 8
TOPK = 2
B = 1
T = 2048
EPS = 1e-6


def setup_inputs(seed: int = 0) -> dict:
    key = jax.random.key(seed)
    ks = jax.random.split(key, 8)
    x = jax.random.normal(ks[0], (B, T, DIM), dtype=jnp.float32)
    # torch Linear weights are [out_features, in_features]
    gate_w = jax.random.normal(ks[1], (E, DIM), dtype=jnp.float32) / np.sqrt(DIM)
    w1 = jax.random.normal(ks[2], (E, HID, DIM), dtype=jnp.float32) * 0.02
    w2 = jax.random.normal(ks[3], (E, HID, HID), dtype=jnp.float32) * 0.02
    w3 = jax.random.normal(ks[4], (E, DIM, HID), dtype=jnp.float32) * 0.02
    n1 = jnp.ones((E, HID), dtype=jnp.float32)
    n2 = jnp.ones((E, HID), dtype=jnp.float32)
    return {"x": x, "gate_w": gate_w, "w1": w1, "w2": w2, "w3": w3, "n1": n1, "n2": n2}


def _rmsnorm(h, w):
    return h * jax.lax.rsqrt(jnp.mean(h * h, axis=-1, keepdims=True) + EPS) * w


def _expert(xf, w1_e, w2_e, w3_e, n1_e, n2_e):
    h1 = jax.nn.gelu(xf @ w1_e.T, approximate=False)
    h1 = _rmsnorm(h1, n1_e)
    h2 = jax.nn.gelu(h1 @ w2_e.T, approximate=False)
    h2 = _rmsnorm(h2, n2_e)
    # dropout is identity in eval mode
    return (h2 + h1) @ w3_e.T


def reference(x, gate_w, w1, w2, w3, n1, n2):
    Bd, Td, D = x.shape
    x_flat = x.reshape(-1, D)
    gate_logits = x_flat @ gate_w.T  # [N, E] (eval mode: no noise)
    top_k_logits, top_k_indices = jax.lax.top_k(gate_logits, TOPK)
    top_k_gates = jax.nn.softmax(top_k_logits, axis=-1)
    # load balancing loss is computed but only stored as a module attribute in torch;
    # forward returns only the mixed output
    expert_outs = []
    for e in range(E):
        expert_outs.append(_expert(x_flat, w1[e], w2[e], w3[e], n1[e], n2[e]))
    expert_outputs = jnp.stack(expert_outs, axis=1)  # [N, E, D]
    final_output = jnp.zeros_like(x_flat)
    for i in range(TOPK):
        idx = top_k_indices[:, i]
        gate_weight = top_k_gates[:, i][:, None]
        selected = jnp.take_along_axis(expert_outputs, idx[:, None, None], axis=1)[:, 0, :]
        final_output = final_output + gate_weight * selected
    return final_output.reshape(Bd, Td, D)

if __name__ == "__main__":
    import jax
    _d = setup_inputs()
    print(jax.jit(kernel)(*tuple(_d.values())))

</pallas_src>

<mosaic_0001>
#map = affine_map<(d0, d1) -> (0, 0)>
#map1 = affine_map<(d0, d1) -> (0)>
module attributes {stable_mosaic.version = 14 : i64} {
  func.func @disp(%arg0: i32, %arg1: i32, %arg2: memref<2048x768xf32, #tpu.memory_space<hbm>>, %arg3: memref<2048xi32, #tpu.memory_space<hbm>>, %arg4: memref<2048xi32, #tpu.memory_space<hbm>>, %arg5: memref<6144x768xf32, #tpu.memory_space<hbm>>, %arg6: memref<64xi32, #tpu.memory_space<vmem>>, %arg7: memref<64xi32, #tpu.memory_space<vmem>>, %arg8: memref<64x768xf32, #tpu.memory_space<vmem>>, %arg9: memref<!tpu.dma_semaphore, #tpu.memory_space<semaphore_mem>>) attributes {dimension_semantics = [#tpu.dimension_semantics<core_parallel>, #tpu.dimension_semantics<subcore_parallel>], iteration_bounds = array<i64: 2, 16>, scalar_prefetch = 0 : i64, scratch_operands = 4 : i64, tpu.core_type = #tpu.core_type<sc_vector_subcore>, window_params = [{transform_indices = #map}, {transform_indices = #map1}, {transform_indices = #map1}, {transform_indices = #map}]} {
    %mul3A = arith.constant 2 : i32
    %mul3A_0 = arith.muli %arg1, %mul3A : i32
    %add3A = arith.addi %mul3A_0, %arg0 : i32
    %mul3A_1 = arith.constant 64 : i32
    %mul3A_2 = arith.muli %add3A, %mul3A_1 : i32
    "tpu.region"() ({
      %run_scoped3A = tpu.sem_alloc : memref<!tpu.dma_semaphore, #tpu.memory_space<semaphore_mem>>
      %dma_start3A_13 = arith.constant 0 : i32
      %dma_start3A_14 = tpu.memref_slice %arg2[%mul3A_2, %dma_start3A_13] : memref<2048x768xf32, #tpu.memory_space<hbm>> -> memref<64x768xf32, #tpu.memory_space<hbm>>
      %dma_start3A_15 = arith.constant 0 : i32
      %dma_start3A_16 = tpu.memref_slice %arg2[%mul3A_2, %dma_start3A_15] : memref<2048x768xf32, #tpu.memory_space<hbm>> -> memref<64x768xf32, #tpu.memory_space<hbm>>
      tpu.enqueue_dma source(%dma_start3A_16 : memref<64x768xf32, #tpu.memory_space<hbm>>) target(%arg8 : memref<64x768xf32, #tpu.memory_space<vmem>>) target_semaphore(%run_scoped3A : memref<!tpu.dma_semaphore, #tpu.memory_space<semaphore_mem>>)
      %dma_wait3A_17 = arith.constant 0 : i32
      %dma_wait3A_18 = tpu.memref_slice %arg2[%mul3A_2, %dma_wait3A_17] : memref<2048x768xf32, #tpu.memory_space<hbm>> -> memref<64x768xf32, #tpu.memory_space<hbm>>
      %dma_wait3A_19 = arith.constant 0 : i32
      %dma_wait3A_20 = tpu.memref_slice %arg2[%mul3A_2, %dma_wait3A_19] : memref<2048x768xf32, #tpu.memory_space<hbm>> -> memref<64x768xf32, #tpu.memory_space<hbm>>
      tpu.wait_dma2 semaphore(%run_scoped3A : memref<!tpu.dma_semaphore, #tpu.memory_space<semaphore_mem>>) src(%dma_wait3A_20 : memref<64x768xf32, #tpu.memory_space<hbm>>) dst(%arg8 : memref<64x768xf32, #tpu.memory_space<vmem>>)
      tpu.yield
    }) : () -> ()
    "tpu.region"() ({
      %run_scoped3A = tpu.sem_alloc : memref<!tpu.dma_semaphore, #tpu.memory_space<semaphore_mem>>
      %dma_start3A_13 = tpu.memref_slice %arg3[%mul3A_2] : memref<2048xi32, #tpu.memory_space<hbm>> -> memref<64xi32, #tpu.memory_space<hbm>>
      %dma_start3A_14 = tpu.memref_slice %arg3[%mul3A_2] : memref<2048xi32, #tpu.memory_space<hbm>> -> memref<64xi32, #tpu.memory_space<hbm>>
      tpu.enqueue_dma source(%dma_start3A_14 : memref<64xi32, #tpu.memory_space<hbm>>) target(%arg6 : memref<64xi32, #tpu.memory_space<vmem>>) target_semaphore(%run_scoped3A : memref<!tpu.dma_semaphore, #tpu.memory_space<semaphore_mem>>)
      %dma_wait3A_15 = tpu.memref_slice %arg3[%mul3A_2] : memref<2048xi32, #tpu.memory_space<hbm>> -> memref<64xi32, #tpu.memory_space<hbm>>
      %dma_wait3A_16 = tpu.memref_slice %arg3[%mul3A_2] : memref<2048xi32, #tpu.memory_space<hbm>> -> memref<64xi32, #tpu.memory_space<hbm>>
      tpu.wait_dma2 semaphore(%run_scoped3A : memref<!tpu.dma_semaphore, #tpu.memory_space<semaphore_mem>>) src(%dma_wait3A_16 : memref<64xi32, #tpu.memory_space<hbm>>) dst(%arg6 : memref<64xi32, #tpu.memory_space<vmem>>)
      tpu.yield
    }) : () -> ()
    "tpu.region"() ({
      %run_scoped3A = tpu.sem_alloc : memref<!tpu.dma_semaphore, #tpu.memory_space<semaphore_mem>>
      %dma_start3A_13 = tpu.memref_slice %arg4[%mul3A_2] : memref<2048xi32, #tpu.memory_space<hbm>> -> memref<64xi32, #tpu.memory_space<hbm>>
      %dma_start3A_14 = tpu.memref_slice %arg4[%mul3A_2] : memref<2048xi32, #tpu.memory_space<hbm>> -> memref<64xi32, #tpu.memory_space<hbm>>
      tpu.enqueue_dma source(%dma_start3A_14 : memref<64xi32, #tpu.memory_space<hbm>>) target(%arg7 : memref<64xi32, #tpu.memory_space<vmem>>) target_semaphore(%run_scoped3A : memref<!tpu.dma_semaphore, #tpu.memory_space<semaphore_mem>>)
      %dma_wait3A_15 = tpu.memref_slice %arg4[%mul3A_2] : memref<2048xi32, #tpu.memory_space<hbm>> -> memref<64xi32, #tpu.memory_space<hbm>>
      %dma_wait3A_16 = tpu.memref_slice %arg4[%mul3A_2] : memref<2048xi32, #tpu.memory_space<hbm>> -> memref<64xi32, #tpu.memory_space<hbm>>
      tpu.wait_dma2 semaphore(%run_scoped3A : memref<!tpu.dma_semaphore, #tpu.memory_space<semaphore_mem>>) src(%dma_wait3A_16 : memref<64xi32, #tpu.memory_space<hbm>>) dst(%arg7 : memref<64xi32, #tpu.memory_space<vmem>>)
      tpu.yield
    }) : () -> ()
    %dma_start3A = arith.constant 0 : i32
    %dma_start3A_3 = arith.constant 0 : i32
    %dma_start3A_4 = tpu.memref_slice %arg5[%dma_start3A, %dma_start3A_3] : memref<6144x768xf32, #tpu.memory_space<hbm>> -> memref<6144x768xf32, #tpu.memory_space<hbm>>
    tpu.enqueue_indirect_dma source(%arg8 : memref<64x768xf32, #tpu.memory_space<vmem>>) target(%dma_start3A_4 : memref<6144x768xf32, #tpu.memory_space<hbm>>) offsets(%arg6 : memref<64xi32, #tpu.memory_space<vmem>>) semaphore(%arg9 : memref<!tpu.dma_semaphore, #tpu.memory_space<semaphore_mem>>)
    %dma_wait3A = arith.constant 0 : i32
    %dma_wait3A_5 = arith.constant 0 : i32
    %dma_wait3A_6 = tpu.memref_slice %arg5[%dma_wait3A, %dma_wait3A_5] : memref<6144x768xf32, #tpu.memory_space<hbm>> -> memref<6144x768xf32, #tpu.memory_space<hbm>>
    tpu.wait_indirect_dma semaphore(%arg9 : memref<!tpu.dma_semaphore, #tpu.memory_space<semaphore_mem>>) src(%arg8 : memref<64x768xf32, #tpu.memory_space<vmem>>) dst(%dma_wait3A_6 : memref<6144x768xf32, #tpu.memory_space<hbm>>)
    %dma_start3A_7 = arith.constant 0 : i32
    %dma_start3A_8 = arith.constant 0 : i32
    %dma_start3A_9 = tpu.memref_slice %arg5[%dma_start3A_7, %dma_start3A_8] : memref<6144x768xf32, #tpu.memory_space<hbm>> -> memref<6144x768xf32, #tpu.memory_space<hbm>>
    tpu.enqueue_indirect_dma source(%arg8 : memref<64x768xf32, #tpu.memory_space<vmem>>) target(%dma_start3A_9 : memref<6144x768xf32, #tpu.memory_space<hbm>>) offsets(%arg7 : memref<64xi32, #tpu.memory_space<vmem>>) semaphore(%arg9 : memref<!tpu.dma_semaphore, #tpu.memory_space<semaphore_mem>>)
    %dma_wait3A_10 = arith.constant 0 : i32
    %dma_wait3A_11 = arith.constant 0 : i32
    %dma_wait3A_12 = tpu.memref_slice %arg5[%dma_wait3A_10, %dma_wait3A_11] : memref<6144x768xf32, #tpu.memory_space<hbm>> -> memref<6144x768xf32, #tpu.memory_space<hbm>>
    tpu.wait_indirect_dma semaphore(%arg9 : memref<!tpu.dma_semaphore, #tpu.memory_space<semaphore_mem>>) src(%arg8 : memref<64x768xf32, #tpu.memory_space<vmem>>) dst(%dma_wait3A_12 : memref<6144x768xf32, #tpu.memory_space<hbm>>)
    return
  }
}

#map = affine_map<(d0, d1) -> (0, 0)>
#map1 = affine_map<(d0, d1) -> (0)>
module attributes {stable_mosaic.version = 14 : i64} {
  func.func @comb(%arg0: i32, %arg1: i32, %arg2: memref<6144x768xf32, #tpu.memory_space<hbm>>, %arg3: memref<2048xi32, #tpu.memory_space<hbm>>, %arg4: memref<2048xi32, #tpu.memory_space<hbm>>, %arg5: memref<2048x32xf32, #tpu.memory_space<hbm>>, %arg6: memref<2048x768xf32, #tpu.memory_space<hbm>>, %arg7: memref<64xi32, #tpu.memory_space<vmem>>, %arg8: memref<64xi32, #tpu.memory_space<vmem>>, %arg9: memref<64x32xf32, #tpu.memory_space<vmem>>, %arg10: memref<64x768xf32, #tpu.memory_space<vmem>>, %arg11: memref<64x768xf32, #tpu.memory_space<vmem>>, %arg12: memref<!tpu.dma_semaphore, #tpu.memory_space<semaphore_mem>>, %arg13: memref<!tpu.dma_semaphore, #tpu.memory_space<semaphore_mem>>) attributes {dimension_semantics = [#tpu.dimension_semantics<core_parallel>, #tpu.dimension_semantics<subcore_parallel>], iteration_bounds = array<i64: 2, 16>, scalar_prefetch = 0 : i64, scratch_operands = 7 : i64, tpu.core_type = #tpu.core_type<sc_vector_subcore>, window_params = [{transform_indices = #map}, {transform_indices = #map1}, {transform_indices = #map1}, {transform_indices = #map}, {transform_indices = #map}]} {
    %mul3A = arith.constant 2 : i32
    %mul3A_0 = arith.muli %arg1, %mul3A : i32
    %add3A = arith.addi %mul3A_0, %arg0 : i32
    %mul3A_1 = arith.constant 64 : i32
    %mul3A_2 = arith.muli %add3A, %mul3A_1 : i32
    "tpu.region"() ({
      %run_scoped3A = tpu.sem_alloc : memref<!tpu.dma_semaphore, #tpu.memory_space<semaphore_mem>>
      %dma_start3A_18 = tpu.memref_slice %arg3[%mul3A_2] : memref<2048xi32, #tpu.memory_space<hbm>> -> memref<64xi32, #tpu.memory_space<hbm>>
      %dma_start3A_19 = tpu.memref_slice %arg3[%mul3A_2] : memref<2048xi32, #tpu.memory_space<hbm>> -> memref<64xi32, #tpu.memory_space<hbm>>
      tpu.enqueue_dma source(%dma_start3A_19 : memref<64xi32, #tpu.memory_space<hbm>>) target(%arg7 : memref<64xi32, #tpu.memory_space<vmem>>) target_semaphore(%run_scoped3A : memref<!tpu.dma_semaphore, #tpu.memory_space<semaphore_mem>>)
      %dma_wait3A_20 = tpu.memref_slice %arg3[%mul3A_2] : memref<2048xi32, #tpu.memory_space<hbm>> -> memref<64xi32, #tpu.memory_space<hbm>>
      %dma_wait3A_21 = tpu.memref_slice %arg3[%mul3A_2] : memref<2048xi32, #tpu.memory_space<hbm>> -> memref<64xi32, #tpu.memory_space<hbm>>
      tpu.wait_dma2 semaphore(%run_scoped3A : memref<!tpu.dma_semaphore, #tpu.memory_space<semaphore_mem>>) src(%dma_wait3A_21 : memref<64xi32, #tpu.memory_space<hbm>>) dst(%arg7 : memref<64xi32, #tpu.memory_space<vmem>>)
      tpu.yield
    }) : () -> ()
    "tpu.region"() ({
      %run_scoped3A = tpu.sem_alloc : memref<!tpu.dma_semaphore, #tpu.memory_space<semaphore_mem>>
      %dma_start3A_18 = tpu.memref_slice %arg4[%mul3A_2] : memref<2048xi32, #tpu.memory_space<hbm>> -> memref<64xi32, #tpu.memory_space<hbm>>
      %dma_start3A_19 = tpu.memref_slice %arg4[%mul3A_2] : memref<2048xi32, #tpu.memory_space<hbm>> -> memref<64xi32, #tpu.memory_space<hbm>>
      tpu.enqueue_dma source(%dma_start3A_19 : memref<64xi32, #tpu.memory_space<hbm>>) target(%arg8 : memref<64xi32, #tpu.memory_space<vmem>>) target_semaphore(%run_scoped3A : memref<!tpu.dma_semaphore, #tpu.memory_space<semaphore_mem>>)
      %dma_wait3A_20 = tpu.memref_slice %arg4[%mul3A_2] : memref<2048xi32, #tpu.memory_space<hbm>> -> memref<64xi32, #tpu.memory_space<hbm>>
      %dma_wait3A_21 = tpu.memref_slice %arg4[%mul3A_2] : memref<2048xi32, #tpu.memory_space<hbm>> -> memref<64xi32, #tpu.memory_space<hbm>>
      tpu.wait_dma2 semaphore(%run_scoped3A : memref<!tpu.dma_semaphore, #tpu.memory_space<semaphore_mem>>) src(%dma_wait3A_21 : memref<64xi32, #tpu.memory_space<hbm>>) dst(%arg8 : memref<64xi32, #tpu.memory_space<vmem>>)
      tpu.yield
    }) : () -> ()
    "tpu.region"() ({
      %run_scoped3A = tpu.sem_alloc : memref<!tpu.dma_semaphore, #tpu.memory_space<semaphore_mem>>
      %dma_start3A_18 = arith.constant 0 : i32
      %dma_start3A_19 = tpu.memref_slice %arg5[%mul3A_2, %dma_start3A_18] : memref<2048x32xf32, #tpu.memory_space<hbm>> -> memref<64x32xf32, #tpu.memory_space<hbm>>
      %dma_start3A_20 = arith.constant 0 : i32
      %dma_start3A_21 = tpu.memref_slice %arg5[%mul3A_2, %dma_start3A_20] : memref<2048x32xf32, #tpu.memory_space<hbm>> -> memref<64x32xf32, #tpu.memory_space<hbm>>
      tpu.enqueue_dma source(%dma_start3A_21 : memref<64x32xf32, #tpu.memory_space<hbm>>) target(%arg9 : memref<64x32xf32, #tpu.memory_space<vmem>>) target_semaphore(%run_scoped3A : memref<!tpu.dma_semaphore, #tpu.memory_space<semaphore_mem>>)
      %dma_wait3A_22 = arith.constant 0 : i32
      %dma_wait3A_23 = tpu.memref_slice %arg5[%mul3A_2, %dma_wait3A_22] : memref<2048x32xf32, #tpu.memory_space<hbm>> -> memref<64x32xf32, #tpu.memory_space<hbm>>
      %dma_wait3A_24 = arith.constant 0 : i32
      %dma_wait3A_25 = tpu.memref_slice %arg5[%mul3A_2, %dma_wait3A_24] : memref<2048x32xf32, #tpu.memory_space<hbm>> -> memref<64x32xf32, #tpu.memory_space<hbm>>
      tpu.wait_dma2 semaphore(%run_scoped3A : memref<!tpu.dma_semaphore, #tpu.memory_space<semaphore_mem>>) src(%dma_wait3A_25 : memref<64x32xf32, #tpu.memory_space<hbm>>) dst(%arg9 : memref<64x32xf32, #tpu.memory_space<vmem>>)
      tpu.yield
    }) : () -> ()
    %dma_start3A = arith.constant 0 : i32
    %dma_start3A_3 = arith.constant 0 : i32
    %dma_start3A_4 = tpu.memref_slice %arg2[%dma_start3A, %dma_start3A_3] : memref<6144x768xf32, #tpu.memory_space<hbm>> -> memref<6144x768xf32, #tpu.memory_space<hbm>>
    tpu.enqueue_indirect_dma source(%dma_start3A_4 : memref<6144x768xf32, #tpu.memory_space<hbm>>) target(%arg10 : memref<64x768xf32, #tpu.memory_space<vmem>>) offsets(%arg7 : memref<64xi32, #tpu.memory_space<vmem>>) semaphore(%arg12 : memref<!tpu.dma_semaphore, #tpu.memory_space<semaphore_mem>>)
    %dma_start3A_5 = arith.constant 0 : i32
    %dma_start3A_6 = arith.constant 0 : i32
    %dma_start3A_7 = tpu.memref_slice %arg2[%dma_start3A_5, %dma_start3A_6] : memref<6144x768xf32, #tpu.memory_space<hbm>> -> memref<6144x768xf32, #tpu.memory_space<hbm>>
    tpu.enqueue_indirect_dma source(%dma_start3A_7 : memref<6144x768xf32, #tpu.memory_space<hbm>>) target(%arg11 : memref<64x768xf32, #tpu.memory_space<vmem>>) offsets(%arg8 : memref<64xi32, #tpu.memory_space<vmem>>) semaphore(%arg13 : memref<!tpu.dma_semaphore, #tpu.memory_space<semaphore_mem>>)
    %dma_wait3A = arith.constant 0 : i32
    %dma_wait3A_8 = arith.constant 0 : i32
    %dma_wait3A_9 = tpu.memref_slice %arg2[%dma_wait3A, %dma_wait3A_8] : memref<6144x768xf32, #tpu.memory_space<hbm>> -> memref<6144x768xf32, #tpu.memory_space<hbm>>
    tpu.wait_indirect_dma semaphore(%arg12 : memref<!tpu.dma_semaphore, #tpu.memory_space<semaphore_mem>>) src(%dma_wait3A_9 : memref<6144x768xf32, #tpu.memory_space<hbm>>) dst(%arg10 : memref<64x768xf32, #tpu.memory_space<vmem>>)
    %dma_wait3A_10 = arith.constant 0 : i32
    %dma_wait3A_11 = arith.constant 0 : i32
    %dma_wait3A_12 = tpu.memref_slice %arg2[%dma_wait3A_10, %dma_wait3A_11] : memref<6144x768xf32, #tpu.memory_space<hbm>> -> memref<6144x768xf32, #tpu.memory_space<hbm>>
    tpu.wait_indirect_dma semaphore(%arg13 : memref<!tpu.dma_semaphore, #tpu.memory_space<semaphore_mem>>) src(%dma_wait3A_12 : memref<6144x768xf32, #tpu.memory_space<hbm>>) dst(%arg11 : memref<64x768xf32, #tpu.memory_space<vmem>>)
    %scan3A = arith.constant 0 : i32
    %scan3A_13 = arith.constant 0 : i32
    %scan3A_14 = arith.constant 64 : i32
    %scan3A_15 = arith.addi %scan3A_13, %scan3A_14 : i32
    %scan3A_16 = arith.constant 1 : i32
    scf.for %scan3A_18 = %scan3A_13 to %scan3A_15 step %scan3A_16  : i32 {
      %get3A = arith.index_cast %scan3A_18 : i32 to index
      %get3A_19 = arith.constant 0 : index
      %get3A_20 = tpu.vector_load %arg9[%get3A, %get3A_19] {strides = array<i32>} : memref<64x32xf32, #tpu.memory_space<vmem>>, vector<1x16xf32>,
      %get3A_21 = vector.shape_cast %get3A_20 : vector<1x16xf32> to vector<16xf32>
      %get3A_22 = arith.index_cast %scan3A_18 : i32 to index
      %get3A_23 = arith.constant 16 : index
      %get3A_24 = tpu.vector_load %arg9[%get3A_22, %get3A_23] {strides = array<i32>} : memref<64x32xf32, #tpu.memory_space<vmem>>, vector<1x16xf32>,
      %get3A_25 = vector.shape_cast %get3A_24 : vector<1x16xf32> to vector<16xf32>
      %get3A_26 = arith.index_cast %scan3A_18 : i32 to index
      %get3A_27 = arith.constant 0 : index
      %get3A_28 = tpu.vector_load %arg10[%get3A_26, %get3A_27] {strides = array<i32>} : memref<64x768xf32, #tpu.memory_space<vmem>>, vector<1x16xf32>,
      %get3A_29 = vector.shape_cast %get3A_28 : vector<1x16xf32> to vector<16xf32>
      %mul3A_30 = arith.mulf %get3A_21, %get3A_29 : vector<16xf32>
      %get3A_31 = arith.index_cast %scan3A_18 : i32 to index
      %get3A_32 = arith.constant 0 : index
      %get3A_33 = tpu.vector_load %arg11[%get3A_31, %get3A_32] {strides = array<i32>} : memref<64x768xf32, #tpu.memory_space<vmem>>, vector<1x16xf32>,
      %get3A_34 = vector.shape_cast %get3A_33 : vector<1x16xf32> to vector<16xf32>
      %mul3A_35 = arith.mulf %get3A_25, %get3A_34 : vector<16xf32>
      %add3A_36 = arith.addf %mul3A_30, %mul3A_35 : vector<16xf32>
      %swap3A = arith.index_cast %scan3A_18 : i32 to index
      %swap3A_37 = arith.constant 0 : index
      %swap3A_38 = tpu.vector_load %arg10[%swap3A, %swap3A_37] {strides = array<i32>} : memref<64x768xf32, #tpu.memory_space<vmem>>, vector<1x16xf32>,
      %swap3A_39 = vector.shape_cast %swap3A_38 : vector<1x16xf32> to vector<16xf32>
      %swap3A_40 = vector.shape_cast %add3A_36 : vector<16xf32> to vector<1x16xf32>
      tpu.vector_store %arg10[%swap3A, %swap3A_37], %swap3A_40 {strides = array<i32>} : memref<64x768xf32, #tpu.memory_space<vmem>>, vector<1x16xf32>,
      %get3A_41 = arith.index_cast %scan3A_18 : i32 to index
      %get3A_42 = arith.constant 16 : index
      %get3A_43 = tpu.vector_load %arg10[%get3A_41, %get3A_42] {strides = array<i32>} : memref<64x768xf32, #tpu.memory_space<vmem>>, vector<1x16xf32>,
      %get3A_44 = vector.shape_cast %get3A_43 : vector<1x16xf32> to vector<16xf32>
      %mul3A_45 = arith.mulf %get3A_21, %get3A_44 : vector<16xf32>
      %get3A_46 = arith.index_cast %scan3A_18 : i32 to index
      %get3A_47 = arith.constant 16 : index
      %get3A_48 = tpu.vector_load %arg11[%get3A_46, %get3A_47] {strides = array<i32>} : memref<64x768xf32, #tpu.memory_space<vmem>>, vector<1x16xf32>,
      %get3A_49 = vector.shape_cast %get3A_48 : vector<1x16xf32> to vector<16xf32>
      %mul3A_50 = arith.mulf %get3A_25, %get3A_49 : vector<16xf32>
      %add3A_51 = arith.addf %mul3A_45, %mul3A_50 : vector<16xf32>
      %swap3A_52 = arith.index_cast %scan3A_18 : i32 to index
      %swap3A_53 = arith.constant 16 : index
      %swap3A_54 = tpu.vector_load %arg10[%swap3A_52, %swap3A_53] {strides = array<i32>} : memref<64x768xf32, #tpu.memory_space<vmem>>, vector<1x16xf32>,
      %swap3A_55 = vector.shape_cast %swap3A_54 : vector<1x16xf32> to vector<16xf32>
      %swap3A_56 = vector.shape_cast %add3A_51 : vector<16xf32> to vector<1x16xf32>
      tpu.vector_store %arg10[%swap3A_52, %swap3A_53], %swap3A_56 {strides = array<i32>} : memref<64x768xf32, #tpu.memory_space<vmem>>, vector<1x16xf32>,
      %get3A_57 = arith.index_cast %scan3A_18 : i32 to index
      %get3A_58 = arith.constant 32 : index
      %get3A_59 = tpu.vector_load %arg10[%get3A_57, %get3A_58] {strides = array<i32>} : memref<64x768xf32, #tpu.memory_space<vmem>>, vector<1x16xf32>,
      %get3A_60 = vector.shape_cast %get3A_59 : vector<1x16xf32> to vector<16xf32>
      %mul3A_61 = arith.mulf %get3A_21, %get3A_60 : vector<16xf32>
      %get3A_62 = arith.index_cast %scan3A_18 : i32 to index
      %get3A_63 = arith.constant 32 : index
      %get3A_64 = tpu.vector_load %arg11[%get3A_62, %get3A_63] {strides = array<i32>} : memref<64x768xf32, #tpu.memory_space<vmem>>, vector<1x16xf32>,
      %get3A_65 = vector.shape_cast %get3A_64 : vector<1x16xf32> to vector<16xf32>
      %mul3A_66 = arith.mulf %get3A_25, %get3A_65 : vector<16xf32>
      %add3A_67 = arith.addf %mul3A_61, %mul3A_66 : vector<16xf32>
      %swap3A_68 = arith.index_cast %scan3A_18 : i32 to index
      %swap3A_69 = arith.constant 32 : index
      %swap3A_70 = tpu.vector_load %arg10[%swap3A_68, %swap3A_69] {strides = array<i32>} : memref<64x768xf32, #tpu.memory_space<vmem>>, vector<1x16xf32>,
      %swap3A_71 = vector.shape_cast %swap3A_70 : vector<1x16xf32> to vector<16xf32>
      %swap3A_72 = vector.shape_cast %add3A_67 : vector<16xf32> to vector<1x16xf32>
      tpu.vector_store %arg10[%swap3A_68, %swap3A_69], %swap3A_72 {strides = array<i32>} : memref<64x768xf32, #tpu.memory_space<vmem>>, vector<1x16xf32>,
      %get3A_73 = arith.index_cast %scan3A_18 : i32 to index
      %get3A_74 = arith.constant 48 : index
      %get3A_75 = tpu.vector_load %arg10[%get3A_73, %get3A_74] {strides = array<i32>} : memref<64x768xf32, #tpu.memory_space<vmem>>, vector<1x16xf32>,
      %get3A_76 = vector.shape_cast %get3A_75 : vector<1x16xf32> to vector<16xf32>
      %mul3A_77 = arith.mulf %get3A_21, %get3A_76 : vector<16xf32>
      %get3A_78 = arith.index_cast %scan3A_18 : i32 to index
      %get3A_79 = arith.constant 48 : index
      %get3A_80 = tpu.vector_load %arg11[%get3A_78, %get3A_79] {strides = array<i32>} : memref<64x768xf32, #tpu.memory_space<vmem>>, vector<1x16xf32>,
      %get3A_81 = vector.shape_cast %get3A_80 : vector<1x16xf32> to vector<16xf32>
      %mul3A_82 = arith.mulf %get3A_25, %get3A_81 : vector<16xf32>
      %add3A_83 = arith.addf %mul3A_77, %mul3A_82 : vector<16xf32>
      %swap3A_84 = arith.index_cast %scan3A_18 : i32 to index
      %swap3A_85 = arith.constant 48 : index
      %swap3A_86 = tpu.vector_load %arg10[%swap3A_84, %swap3A_85] {strides = array<i32>} : memref<64x768xf32, #tpu.memory_space<vmem>>, vector<1x16xf32>,
      %swap3A_87 = vector.shape_cast %swap3A_86 : vector<1x16xf32> to vector<16xf32>
      %swap3A_88 = vector.shape_cast %add3A_83 : vector<16xf32> to vector<1x16xf32>
      tpu.vector_store %arg10[%swap3A_84, %swap3A_85], %swap3A_88 {strides = array<i32>} : memref<64x768xf32, #tpu.memory_space<vmem>>, vector<1x16xf32>,
      %get3A_89 = arith.index_cast %scan3A_18 : i32 to index
      %get3A_90 = arith.constant 64 : index
      %get3A_91 = tpu.vector_load %arg10[%get3A_89, %get3A_90] {strides = array<i32>} : memref<64x768xf32, #tpu.memory_space<vmem>>, vector<1x16xf32>,
      %get3A_92 = vector.shape_cast %get3A_91 : vector<1x16xf32> to vector<16xf32>
      %mul3A_93 = arith.mulf %get3A_21, %get3A_92 : vector<16xf32>
      %get3A_94 = arith.index_cast %scan3A_18 : i32 to index
      %get3A_95 = arith.constant 64 : index
      %get3A_96 = tpu.vector_load %arg11[%get3A_94, %get3A_95] {strides = array<i32>} : memref<64x768xf32, #tpu.memory_space<vmem>>, vector<1x16xf32>,
      %get3A_97 = vector.shape_cast %get3A_96 : vector<1x16xf32> to vector<16xf32>
      %mul3A_98 = arith.mulf %get3A_25, %get3A_97 : vector<16xf32>
      %add3A_99 = arith.addf %mul3A_93, %mul3A_98 : vector<16xf32>
      %swap3A_100 = arith.index_cast %scan3A_18 : i32 to index
      %swap3A_101 = arith.constant 64 : index
      %swap3A_102 = tpu.vector_load %arg10[%swap3A_100, %swap3A_101] {strides = array<i32>} : memref<64x768xf32, #tpu.memory_space<vmem>>, vector<1x16xf32>,
      %swap3A_103 = vector.shape_cast %swap3A_102 : vector<1x16xf32> to vector<16xf32>
      %swap3A_104 = vector.shape_cast %add3A_99 : vector<16xf32> to vector<1x16xf32>
      tpu.vector_store %arg10[%swap3A_100, %swap3A_101], %swap3A_104 {strides = array<i32>} : memref<64x768xf32, #tpu.memory_space<vmem>>, vector<1x16xf32>,
      %get3A_105 = arith.index_cast %scan3A_18 : i32 to index
      %get3A_106 = arith.constant 80 : index
      %get3A_107 = tpu.vector_load %arg10[%get3A_105, %get3A_106] {strides = array<i32>} : memref<64x768xf32, #tpu.memory_space<vmem>>, vector<1x16xf32>,
      %get3A_108 = vector.shape_cast %get3A_107 : vector<1x16xf32> to vector<16xf32>
      %mul3A_109 = arith.mulf %get3A_21, %get3A_108 : vector<16xf32>
      %get3A_110 = arith.index_cast %scan3A_18 : i32 to index
      %get3A_111 = arith.constant 80 : index
      %get3A_112 = tpu.vector_load %arg11[%get3A_110, %get3A_111] {strides = array<i32>} : memref<64x768xf32, #tpu.memory_space<vmem>>, vector<1x16xf32>,
      %get3A_113 = vector.shape_cast %get3A_112 : vector<1x16xf32> to vector<16xf32>
      %mul3A_114 = arith.mulf %get3A_25, %get3A_113 : vector<16xf32>
      %add3A_115 = arith.addf %mul3A_109, %mul3A_114 : vector<16xf32>
      %swap3A_116 = arith.index_cast %scan3A_18 : i32 to index
      %swap3A_117 = arith.constant 80 : index
      %swap3A_118 = tpu.vector_load %arg10[%swap3A_116, %swap3A_117] {strides = array<i32>} : memref<64x768xf32, #tpu.memory_space<vmem>>, vector<1x16xf32>,
      %swap3A_119 = vector.shape_cast %swap3A_118 : vector<1x16xf32> to vector<16xf32>
      %swap3A_120 = vector.shape_cast %add3A_115 : vector<16xf32> to vector<1x16xf32>
      tpu.vector_store %arg10[%swap3A_116, %swap3A_117], %swap3A_120 {strides = array<i32>} : memref<64x768xf32, #tpu.memory_space<vmem>>, vector<1x16xf32>,
      %get3A_121 = arith.index_cast %scan3A_18 : i32 to index
      %get3A_122 = arith.constant 96 : index
      %get3A_123 = tpu.vector_load %arg10[%get3A_121, %get3A_122] {strides = array<i32>} : memref<64x768xf32, #tpu.memory_space<vmem>>, vector<1x16xf32>,
      %get3A_124 = vector.shape_cast %get3A_123 : vector<1x16xf32> to vector<16xf32>
      %mul3A_125 = arith.mulf %get3A_21, %get3A_124 : vector<16xf32>
      %get3A_126 = arith.index_cast %scan3A_18 : i32 to index
      %get3A_127 = arith.constant 96 : index
      %get3A_128 = tpu.vector_load %arg11[%get3A_126, %get3A_127] {strides = array<i32>} : memref<64x768xf32, #tpu.memory_space<vmem>>, vector<1x16xf32>,
      %get3A_129 = vector.shape_cast %get3A_128 : vector<1x16xf32> to vector<16xf32>
      %mul3A_130 = arith.mulf %get3A_25, %get3A_129 : vector<16xf32>
      %add3A_131 = arith.addf %mul3A_125, %mul3A_130 : vector<16xf32>
      %swap3A_132 = arith.index_cast %scan3A_18 : i32 to index
      %swap3A_133 = arith.constant 96 : index
      %swap3A_134 = tpu.vector_load %arg10[%swap3A_132, %swap3A_133] {strides = array<i32>} : memref<64x768xf32, #tpu.memory_space<vmem>>, vector<1x16xf32>,
      %swap3A_135 = vector.shape_cast %swap3A_134 : vector<1x16xf32> to vector<16xf32>
      %swap3A_136 = vector.shape_cast %add3A_131 : vector<16xf32> to vector<1x16xf32>
      tpu.vector_store %arg10[%swap3A_132, %swap3A_133], %swap3A_136 {strides = array<i32>} : memref<64x768xf32, #tpu.memory_space<vmem>>, vector<1x16xf32>,
      %get3A_137 = arith.index_cast %scan3A_18 : i32 to index
      %get3A_138 = arith.constant 112 : index
      %get3A_139 = tpu.vector_load %arg10[%get3A_137, %get3A_138] {strides = array<i32>} : memref<64x768xf32, #tpu.memory_space<vmem>>, vector<1x16xf32>,
      %get3A_140 = vector.shape_cast %get3A_139 : vector<1x16xf32> to vector<16xf32>
      %mul3A_141 = arith.mulf %get3A_21, %get3A_140 : vector<16xf32>
      %get3A_142 = arith.index_cast %scan3A_18 : i32 to index
      %get3A_143 = arith.constant 112 : index
      %get3A_144 = tpu.vector_load %arg11[%get3A_142, %get3A_143] {strides = array<i32>} : memref<64x768xf32, #tpu.memory_space<vmem>>, vector<1x16xf32>,
      %get3A_145 = vector.shape_cast %get3A_144 : vector<1x16xf32> to vector<16xf32>
      %mul3A_146 = arith.mulf %get3A_25, %get3A_145 : vector<16xf32>
      %add3A_147 = arith.addf %mul3A_141, %mul3A_146 : vector<16xf32>
      %swap3A_148 = arith.index_cast %scan3A_18 : i32 to index
      %swap3A_149 = arith.constant 112 : index
      %swap3A_150 = tpu.vector_load %arg10[%swap3A_148, %swap3A_149] {strides = array<i32>} : memref<64x768xf32, #tpu.memory_space<vmem>>, vector<1x16xf32>,
      %swap3A_151 = vector.shape_cast %swap3A_150 : vector<1x16xf32> to vector<16xf32>
      %swap3A_152 = vector.shape_cast %add3A_147 : vector<16xf32> to vector<1x16xf32>
      tpu.vector_store %arg10[%swap3A_148, %swap3A_149], %swap3A_152 {strides = array<i32>} : memref<64x768xf32, #tpu.memory_space<vmem>>, vector<1x16xf32>,
      %get3A_153 = arith.index_cast %scan3A_18 : i32 to index
      %get3A_154 = arith.constant 128 : index
      %get3A_155 = tpu.vector_load %arg10[%get3A_153, %get3A_154] {strides = array<i32>} : memref<64x768xf32, #tpu.memory_space<vmem>>, vector<1x16xf32>,
      %get3A_156 = vector.shape_cast %get3A_155 : vector<1x16xf32> to vector<16xf32>
      %mul3A_157 = arith.mulf %get3A_21, %get3A_156 : vector<16xf32>
      %get3A_158 = arith.index_cast %scan3A_18 : i32 to index
      %get3A_159 = arith.constant 128 : index
      %get3A_160 = tpu.vector_load %arg11[%get3A_158, %get3A_159] {strides = array<i32>} : memref<64x768xf32, #tpu.memory_space<vmem>>, vector<1x16xf32>,
      %get3A_161 = vector.shape_cast %get3A_160 : vector<1x16xf32> to vector<16xf32>
      %mul3A_162 = arith.mulf %get3A_25, %get3A_161 : vector<16xf32>
      %add3A_163 = arith.addf %mul3A_157, %mul3A_162 : vector<16xf32>
      %swap3A_164 = arith.index_cast %scan3A_18 : i32 to index
      %swap3A_165 = arith.constant 128 : index
      %swap3A_166 = tpu.vector_load %arg10[%swap3A_164, %swap3A_165] {strides = array<i32>} : memref<64x768xf32, #tpu.memory_space<vmem>>, vector<1x16xf32>,
      %swap3A_167 = vector.shape_cast %swap3A_166 : vector<1x16xf32> to vector<16xf32>
      %swap3A_168 = vector.shape_cast %add3A_163 : vector<16xf32> to vector<1x16xf32>
      tpu.vector_store %arg10[%swap3A_164, %swap3A_165], %swap3A_168 {strides = array<i32>} : memref<64x768xf32, #tpu.memory_space<vmem>>, vector<1x16xf32>,
      %get3A_169 = arith.index_cast %scan3A_18 : i32 to index
      %get3A_170 = arith.constant 144 : index
      %get3A_171 = tpu.vector_load %arg10[%get3A_169, %get3A_170] {strides = array<i32>} : memref<64x768xf32, #tpu.memory_space<vmem>>, vector<1x16xf32>,
      %get3A_172 = vector.shape_cast %get3A_171 : vector<1x16xf32> to vector<16xf32>
      %mul3A_173 = arith.mulf %get3A_21, %get3A_172 : vector<16xf32>
      %get3A_174 = arith.index_cast %scan3A_18 : i32 to index
      %get3A_175 = arith.constant 144 : index
      %get3A_176 = tpu.vector_load %arg11[%get3A_174, %get3A_175] {strides = array<i32>} : memref<64x768xf32, #tpu.memory_space<vmem>>, vector<1x16xf32>,
      %get3A_177 = vector.shape_cast %get3A_176 : vector<1x16xf32> to vector<16xf32>
      %mul3A_178 = arith.mulf %get3A_25, %get3A_177 : vector<16xf32>
      %add3A_179 = arith.addf %mul3A_173, %mul3A_178 : vector<16xf32>
      %swap3A_180 = arith.index_cast %scan3A_18 : i32 to index
      %swap3A_181 = arith.constant 144 : index
      %swap3A_182 = tpu.vector_load %arg10[%swap3A_180, %swap3A_181] {strides = array<i32>} : memref<64x768xf32, #tpu.memory_space<vmem>>, vector<1x16xf32>,
      %swap3A_183 = vector.shape_cast %swap3A_182 : vector<1x16xf32> to vector<16xf32>
      %swap3A_184 = vector.shape_cast %add3A_179 : vector<16xf32> to vector<1x16xf32>
      tpu.vector_store %arg10[%swap3A_180, %swap3A_181], %swap3A_184 {strides = array<i32>} : memref<64x768xf32, #tpu.memory_space<vmem>>, vector<1x16xf32>,
      %get3A_185 = arith.index_cast %scan3A_18 : i32 to index
      %get3A_186 = arith.constant 160 : index
      %get3A_187 = tpu.vector_load %arg10[%get3A_185, %get3A_186] {strides = array<i32>} : memref<64x768xf32, #tpu.memory_space<vmem>>, vector<1x16xf32>,
      %get3A_188 = vector.shape_cast %get3A_187 : vector<1x16xf32> to vector<16xf32>
      %mul3A_189 = arith.mulf %get3A_21, %get3A_188 : vector<16xf32>
      %get3A_190 = arith.index_cast %scan3A_18 : i32 to index
      %get3A_191 = arith.constant 160 : index
      %get3A_192 = tpu.vector_load %arg11[%get3A_190, %get3A_191] {strides = array<i32>} : memref<64x768xf32, #tpu.memory_space<vmem>>, vector<1x16xf32>,
      %get3A_193 = vector.shape_cast %get3A_192 : vector<1x16xf32> to vector<16xf32>
      %mul3A_194 = arith.mulf %get3A_25, %get3A_193 : vector<16xf32>
      %add3A_195 = arith.addf %mul3A_189, %mul3A_194 : vector<16xf32>
      %swap3A_196 = arith.index_cast %scan3A_18 : i32 to index
      %swap3A_197 = arith.constant 160 : index
      %swap3A_198 = tpu.vector_load %arg10[%swap3A_196, %swap3A_197] {strides = array<i32>} : memref<64x768xf32, #tpu.memory_space<vmem>>, vector<1x16xf32>,
      %swap3A_199 = vector.shape_cast %swap3A_198 : vector<1x16xf32> to vector<16xf32>
      %swap3A_200 = vector.shape_cast %add3A_195 : vector<16xf32> to vector<1x16xf32>
      tpu.vector_store %arg10[%swap3A_196, %swap3A_197], %swap3A_200 {strides = array<i32>} : memref<64x768xf32, #tpu.memory_space<vmem>>, vector<1x16xf32>,
      %get3A_201 = arith.index_cast %scan3A_18 : i32 to index
      %get3A_202 = arith.constant 176 : index
      %get3A_203 = tpu.vector_load %arg10[%get3A_201, %get3A_202] {strides = array<i32>} : memref<64x768xf32, #tpu.memory_space<vmem>>, vector<1x16xf32>,
      %get3A_204 = vector.shape_cast %get3A_203 : vector<1x16xf32> to vector<16xf32>
      %mul3A_205 = arith.mulf %get3A_21, %get3A_204 : vector<16xf32>
      %get3A_206 = arith.index_cast %scan3A_18 : i32 to index
      %get3A_207 = arith.constant 176 : index
      %get3A_208 = tpu.vector_load %arg11[%get3A_206, %get3A_207] {strides = array<i32>} : memref<64x768xf32, #tpu.memory_space<vmem>>, vector<1x16xf32>,
      %get3A_209 = vector.shape_cast %get3A_208 : vector<1x16xf32> to vector<16xf32>
      %mul3A_210 = arith.mulf %get3A_25, %get3A_209 : vector<16xf32>
      %add3A_211 = arith.addf %mul3A_205, %mul3A_210 : vector<16xf32>
      %swap3A_212 = arith.index_cast %scan3A_18 : i32 to index
      %swap3A_213 = arith.constant 176 : index
      %swap3A_214 = tpu.vector_load %arg10[%swap3A_212, %swap3A_213] {strides = array<i32>} : memref<64x768xf32, #tpu.memory_space<vmem>>, vector<1x16xf32>,
      %swap3A_215 = vector.shape_cast %swap3A_214 : vector<1x16xf32> to vector<16xf32>
      %swap3A_216 = vector.shape_cast %add3A_211 : vector<16xf32> to vector<1x16xf32>
      tpu.vector_store %arg10[%swap3A_212, %swap3A_213], %swap3A_216 {strides = array<i32>} : memref<64x768xf32, #tpu.memory_space<vmem>>, vector<1x16xf32>,
      %get3A_217 = arith.index_cast %scan3A_18 : i32 to index
      %get3A_218 = arith.constant 192 : index
      %get3A_219 = tpu.vector_load %arg10[%get3A_217, %get3A_218] {strides = array<i32>} : memref<64x768xf32, #tpu.memory_space<vmem>>, vector<1x16xf32>,
      %get3A_220 = vector.shape_cast %get3A_219 : vector<1x16xf32> to vector<16xf32>
      %mul3A_221 = arith.mulf %get3A_21, %get3A_220 : vector<16xf32>
      %get3A_222 = arith.index_cast %scan3A_18 : i32 to index
      %get3A_223 = arith.constant 192 : index
      %get3A_224 = tpu.vector_load %arg11[%get3A_222, %get3A_223] {strides = array<i32>} : memref<64x768xf32, #tpu.memory_space<vmem>>, vector<1x16xf32>,
      %get3A_225 = vector.shape_cast %get3A_224 : vector<1x16xf32> to vector<16xf32>
      %mul3A_226 = arith.mulf %get3A_25, %get3A_225 : vector<16xf32>
      %add3A_227 = arith.addf %mul3A_221, %mul3A_226 : vector<16xf32>
      %swap3A_228 = arith.index_cast %scan3A_18 : i32 to index
      %swap3A_229 = arith.constant 192 : index
      %swap3A_230 = tpu.vector_load %arg10[%swap3A_228, %swap3A_229] {strides = array<i32>} : memref<64x768xf32, #tpu.memory_space<vmem>>, vector<1x16xf32>,
      %swap3A_231 = vector.shape_cast %swap3A_230 : vector<1x16xf32> to vector<16xf32>
      %swap3A_232 = vector.shape_cast %add3A_227 : vector<16xf32> to vector<1x16xf32>
      tpu.vector_store %arg10[%swap3A_228, %swap3A_229], %swap3A_232 {strides = array<i32>} : memref<64x768xf32, #tpu.memory_space<vmem>>, vector<1x16xf32>,
      %get3A_233 = arith.index_cast %scan3A_18 : i32 to index
      %get3A_234 = arith.constant 208 : index
      %get3A_235 = tpu.vector_load %arg10[%get3A_233, %get3A_234] {strides = array<i32>} : memref<64x768xf32, #tpu.memory_space<vmem>>, vector<1x16xf32>,
      %get3A_236 = vector.shape_cast %get3A_235 : vector<1x16xf32> to vector<16xf32>
      %mul3A_237 = arith.mulf %get3A_21, %get3A_236 : vector<16xf32>
      %get3A_238 = arith.index_cast %scan3A_18 : i32 to index
      %get3A_239 = arith.constant 208 : index
      %get3A_240 = tpu.vector_load %arg11[%get3A_238, %get3A_239] {strides = array<i32>} : memref<64x768xf32, #tpu.memory_space<vmem>>, vector<1x16xf32>,
      %get3A_241 = vector.shape_cast %get3A_240 : vector<1x16xf32> to vector<16xf32>
      %mul3A_242 = arith.mulf %get3A_25, %get3A_241 : vector<16xf32>
      %add3A_243 = arith.addf %mul3A_237, %mul3A_242 : vector<16xf32>
      %swap3A_244 = arith.index_cast %scan3A_18 : i32 to index
      %swap3A_245 = arith.constant 208 : index
      %swap3A_246 = tpu.vector_load %arg10[%swap3A_244, %swap3A_245] {strides = array<i32>} : memref<64x768xf32, #tpu.memory_space<vmem>>, vector<1x16xf32>,
      %swap3A_247 = vector.shape_cast %swap3A_246 : vector<1x16xf32> to vector<16xf32>
      %swap3A_248 = vector.shape_cast %add3A_243 : vector<16xf32> to vector<1x16xf32>
      tpu.vector_store %arg10[%swap3A_244, %swap3A_245], %swap3A_248 {strides = array<i32>} : memref<64x768xf32, #tpu.memory_space<vmem>>, vector<1x16xf32>,
      %get3A_249 = arith.index_cast %scan3A_18 : i32 to index
      %get3A_250 = arith.constant 224 : index
      %get3A_251 = tpu.vector_load %arg10[%get3A_249, %get3A_250] {strides = array<i32>} : memref<64x768xf32, #tpu.memory_space<vmem>>, vector<1x16xf32>,
      %get3A_252 = vector.shape_cast %get3A_251 : vector<1x16xf32> to vector<16xf32>
      %mul3A_253 = arith.mulf %get3A_21, %get3A_252 : vector<16xf32>
      %get3A_254 = arith.index_cast %scan3A_18 : i32 to index
      %get3A_255 = arith.constant 224 : index
      %get3A_256 = tpu.vector_load %arg11[%get3A_254, %get3A_255] {strides = array<i32>} : memref<64x768xf32, #tpu.memory_space<vmem>>, vector<1x16xf32>,
      %get3A_257 = vector.shape_cast %get3A_256 : vector<1x16xf32> to vector<16xf32>
      %mul3A_258 = arith.mulf %get3A_25, %get3A_257 : vector<16xf32>
      %add3A_259 = arith.addf %mul3A_253, %mul3A_258 : vector<16xf32>
      %swap3A_260 = arith.index_cast %scan3A_18 : i32 to index
      %swap3A_261 = arith.constant 224 : index
      %swap3A_262 = tpu.vector_load %arg10[%swap3A_260, %swap3A_261] {strides = array<i32>} : memref<64x768xf32, #tpu.memory_space<vmem>>, vector<1x16xf32>,
      %swap3A_263 = vector.shape_cast %swap3A_262 : vector<1x16xf32> to vector<16xf32>
      %swap3A_264 = vector.shape_cast %add3A_259 : vector<16xf32> to vector<1x16xf32>
      tpu.vector_store %arg10[%swap3A_260, %swap3A_261], %swap3A_264 {strides = array<i32>} : memref<64x768xf32, #tpu.memory_space<vmem>>, vector<1x16xf32>,
      %get3A_265 = arith.index_cast %scan3A_18 : i32 to index
      %get3A_266 = arith.constant 240 : index
      %get3A_267 = tpu.vector_load %arg10[%get3A_265, %get3A_266] {strides = array<i32>} : memref<64x768xf32, #tpu.memory_space<vmem>>, vector<1x16xf32>,
      %get3A_268 = vector.shape_cast %get3A_267 : vector<1x16xf32> to vector<16xf32>
      %mul3A_269 = arith.mulf %get3A_21, %get3A_268 : vector<16xf32>
      %get3A_270 = arith.index_cast %scan3A_18 : i32 to index
      %get3A_271 = arith.constant 240 : index
      %get3A_272 = tpu.vector_load %arg11[%get3A_270, %get3A_271] {strides = array<i32>} : memref<64x768xf32, #tpu.memory_space<vmem>>, vector<1x16xf32>,
      %get3A_273 = vector.shape_cast %get3A_272 : vector<1x16xf32> to vector<16xf32>
      %mul3A_274 = arith.mulf %get3A_25, %get3A_273 : vector<16xf32>
      %add3A_275 = arith.addf %mul3A_269, %mul3A_274 : vector<16xf32>
      %swap3A_276 = arith.index_cast %scan3A_18 : i32 to index
      %swap3A_277 = arith.constant 240 : index
      %swap3A_278 = tpu.vector_load %arg10[%swap3A_276, %swap3A_277] {strides = array<i32>} : memref<64x768xf32, #tpu.memory_space<vmem>>, vector<1x16xf32>,
      %swap3A_279 = vector.shape_cast %swap3A_278 : vector<1x16xf32> to vector<16xf32>
      %swap3A_280 = vector.shape_cast %add3A_275 : vector<16xf32> to vector<1x16xf32>
      tpu.vector_store %arg10[%swap3A_276, %swap3A_277], %swap3A_280 {strides = array<i32>} : memref<64x768xf32, #tpu.memory_space<vmem>>, vector<1x16xf32>,
      %get3A_281 = arith.index_cast %scan3A_18 : i32 to index
      %get3A_282 = arith.constant 256 : index
      %get3A_283 = tpu.vector_load %arg10[%get3A_281, %get3A_282] {strides = array<i32>} : memref<64x768xf32, #tpu.memory_space<vmem>>, vector<1x16xf32>,
      %get3A_284 = vector.shape_cast %get3A_283 : vector<1x16xf32> to vector<16xf32>
      %mul3A_285 = arith.mulf %get3A_21, %get3A_284 : vector<16xf32>
      %get3A_286 = arith.index_cast %scan3A_18 : i32 to index
      %get3A_287 = arith.constant 256 : index
      %get3A_288 = tpu.vector_load %arg11[%get3A_286, %get3A_287] {strides = array<i32>} : memref<64x768xf32, #tpu.memory_space<vmem>>, vector<1x16xf32>,
      %get3A_289 = vector.shape_cast %get3A_288 : vector<1x16xf32> to vector<16xf32>
      %mul3A_290 = arith.mulf %get3A_25, %get3A_289 : vector<16xf32>
      %add3A_291 = arith.addf %mul3A_285, %mul3A_290 : vector<16xf32>
      %swap3A_292 = arith.index_cast %scan3A_18 : i32 to index
      %swap3A_293 = arith.constant 256 : index
      %swap3A_294 = tpu.vector_load %arg10[%swap3A_292, %swap3A_293] {strides = array<i32>} : memref<64x768xf32, #tpu.memory_space<vmem>>, vector<1x16xf32>,
      %swap3A_295 = vector.shape_cast %swap3A_294 : vector<1x16xf32> to vector<16xf32>
      %swap3A_296 = vector.shape_cast %add3A_291 : vector<16xf32> to vector<1x16xf32>
      tpu.vector_store %arg10[%swap3A_292, %swap3A_293], %swap3A_296 {strides = array<i32>} : memref<64x768xf32, #tpu.memory_space<vmem>>, vector<1x16xf32>,
      %get3A_297 = arith.index_cast %scan3A_18 : i32 to index
      %get3A_298 = arith.constant 272 : index
      %get3A_299 = tpu.vector_load %arg10[%get3A_297, %get3A_298] {strides = array<i32>} : memref<64x768xf32, #tpu.memory_space<vmem>>, vector<1x16xf32>,
      %get3A_300 = vector.shape_cast %get3A_299 : vector<1x16xf32> to vector<16xf32>
      %mul3A_301 = arith.mulf %get3A_21, %get3A_300 : vector<16xf32>
      %get3A_302 = arith.index_cast %scan3A_18 : i32 to index
      %get3A_303 = arith.constant 272 : index
      %get3A_304 = tpu.vector_load %arg11[%get3A_302, %get3A_303] {strides = array<i32>} : memref<64x768xf32, #tpu.memory_space<vmem>>, vector<1x16xf32>,
      %get3A_305 = vector.shape_cast %get3A_304 : vector<1x16xf32> to vector<16xf32>
      %mul3A_306 = arith.mulf %get3A_25, %get3A_305 : vector<16xf32>
      %add3A_307 = arith.addf %mul3A_301, %mul3A_306 : vector<16xf32>
      %swap3A_308 = arith.index_cast %scan3A_18 : i32 to index
      %swap3A_309 = arith.constant 272 : index
      %swap3A_310 = tpu.vector_load %arg10[%swap3A_308, %swap3A_309] {strides = array<i32>} : memref<64x768xf32, #tpu.memory_space<vmem>>, vector<1x16xf32>,
      %swap3A_311 = vector.shape_cast %swap3A_310 : vector<1x16xf32> to vector<16xf32>
      %swap3A_312 = vector.shape_cast %add3A_307 : vector<16xf32> to vector<1x16xf32>
      tpu.vector_store %arg10[%swap3A_308, %swap3A_309], %swap3A_312 {strides = array<i32>} : memref<64x768xf32, #tpu.memory_space<vmem>>, vector<1x16xf32>,
      %get3A_313 = arith.index_cast %scan3A_18 : i32 to index
      %get3A_314 = arith.constant 288 : index
      %get3A_315 = tpu.vector_load %arg10[%get3A_313, %get3A_314] {strides = array<i32>} : memref<64x768xf32, #tpu.memory_space<vmem>>, vector<1x16xf32>,
      %get3A_316 = vector.shape_cast %get3A_315 : vector<1x16xf32> to vector<16xf32>
      %mul3A_317 = arith.mulf %get3A_21, %get3A_316 : vector<16xf32>
      %get3A_318 = arith.index_cast %scan3A_18 : i32 to index
      %get3A_319 = arith.constant 288 : index
      %get3A_320 = tpu.vector_load %arg11[%get3A_318, %get3A_319] {strides = array<i32>} : memref<64x768xf32, #tpu.memory_space<vmem>>, vector<1x16xf32>,
      %get3A_321 = vector.shape_cast %get3A_320 : vector<1x16xf32> to vector<16xf32>
      %mul3A_322 = arith.mulf %get3A_25, %get3A_321 : vector<16xf32>
      %add3A_323 = arith.addf %mul3A_317, %mul3A_322 : vector<16xf32>
      %swap3A_324 = arith.index_cast %scan3A_18 : i32 to index
      %swap3A_325 = arith.constant 288 : index
      %swap3A_326 = tpu.vector_load %arg10[%swap3A_324, %swap3A_325] {strides = array<i32>} : memref<64x768xf32, #tpu.memory_space<vmem>>, vector<1x16xf32>,
      %swap3A_327 = vector.shape_cast %swap3A_326 : vector<1x16xf32> to vector<16xf32>
      %swap3A_328 = vector.shape_cast %add3A_323 : vector<16xf32> to vector<1x16xf32>
      tpu.vector_store %arg10[%swap3A_324, %swap3A_325], %swap3A_328 {strides = array<i32>} : memref<64x768xf32, #tpu.memory_space<vmem>>, vector<1x16xf32>,
      %get3A_329 = arith.index_cast %scan3A_18 : i32 to index
      %get3A_330 = arith.constant 304 : index
      %get3A_331 = tpu.vector_load %arg10[%get3A_329, %get3A_330] {strides = array<i32>} : memref<64x768xf32, #tpu.memory_space<vmem>>, vector<1x16xf32>,
      %get3A_332 = vector.shape_cast %get3A_331 : vector<1x16xf32> to vector<16xf32>
      %mul3A_333 = arith.mulf %get3A_21, %get3A_332 : vector<16xf32>
      %get3A_334 = arith.index_cast %scan3A_18 : i32 to index
      %get3A_335 = arith.constant 304 : index
      %get3A_336 = tpu.vector_load %arg11[%get3A_334, %get3A_335] {strides = array<i32>} : memref<64x768xf32, #tpu.memory_space<vmem>>, vector<1x16xf32>,
      %get3A_337 = vector.shape_cast %get3A_336 : vector<1x16xf32> to vector<16xf32>
      %mul3A_338 = arith.mulf %get3A_25, %get3A_337 : vector<16xf32>
      %add3A_339 = arith.addf %mul3A_333, %mul3A_338 : vector<16xf32>
      %swap3A_340 = arith.index_cast %scan3A_18 : i32 to index
      %swap3A_341 = arith.constant 304 : index
      %swap3A_342 = tpu.vector_load %arg10[%swap3A_340, %swap3A_341] {strides = array<i32>} : memref<64x768xf32, #tpu.memory_space<vmem>>, vector<1x16xf32>,
      %swap3A_343 = vector.shape_cast %swap3A_342 : vector<1x16xf32> to vector<16xf32>
      %swap3A_344 = vector.shape_cast %add3A_339 : vector<16xf32> to vector<1x16xf32>
      tpu.vector_store %arg10[%swap3A_340, %swap3A_341], %swap3A_344 {strides = array<i32>} : memref<64x768xf32, #tpu.memory_space<vmem>>, vector<1x16xf32>,
      %get3A_345 = arith.index_cast %scan3A_18 : i32 to index
      %get3A_346 = arith.constant 320 : index
      %get3A_347 = tpu.vector_load %arg10[%get3A_345, %get3A_346] {strides = array<i32>} : memref<64x768xf32, #tpu.memory_space<vmem>>, vector<1x16xf32>,
      %get3A_348 = vector.shape_cast %get3A_347 : vector<1x16xf32> to vector<16xf32>
      %mul3A_349 = arith.mulf %get3A_21, %get3A_348 : vector<16xf32>
      %get3A_350 = arith.index_cast %scan3A_18 : i32 to index
      %get3A_351 = arith.constant 320 : index
      %get3A_352 = tpu.vector_load %arg11[%get3A_350, %get3A_351] {strides = array<i32>} : memref<64x768xf32, #tpu.memory_space<vmem>>, vector<1x16xf32>,
      %get3A_353 = vector.shape_cast %get3A_352 : vector<1x16xf32> to vector<16xf32>
      %mul3A_354 = arith.mulf %get3A_25, %get3A_353 : vector<16xf32>
      %add3A_355 = arith.addf %mul3A_349, %mul3A_354 : vector<16xf32>
      %swap3A_356 = arith.index_cast %scan3A_18 : i32 to index
      %swap3A_357 = arith.constant 320 : index
      %swap3A_358 = tpu.vector_load %arg10[%swap3A_356, %swap3A_357] {strides = array<i32>} : memref<64x768xf32, #tpu.memory_space<vmem>>, vector<1x16xf32>,
      %swap3A_359 = vector.shape_cast %swap3A_358 : vector<1x16xf32> to vector<16xf32>
      %swap3A_360 = vector.shape_cast %add3A_355 : vector<16xf32> to vector<1x16xf32>
      tpu.vector_store %arg10[%swap3A_356, %swap3A_357], %swap3A_360 {strides = array<i32>} : memref<64x768xf32, #tpu.memory_space<vmem>>, vector<1x16xf32>,
      %get3A_361 = arith.index_cast %scan3A_18 : i32 to index
      %get3A_362 = arith.constant 336 : index
      %get3A_363 = tpu.vector_load %arg10[%get3A_361, %get3A_362] {strides = array<i32>} : memref<64x768xf32, #tpu.memory_space<vmem>>, vector<1x16xf32>,
      %get3A_364 = vector.shape_cast %get3A_363 : vector<1x16xf32> to vector<16xf32>
      %mul3A_365 = arith.mulf %get3A_21, %get3A_364 : vector<16xf32>
      %get3A_366 = arith.index_cast %scan3A_18 : i32 to index
      %get3A_367 = arith.constant 336 : index
      %get3A_368 = tpu.vector_load %arg11[%get3A_366, %get3A_367] {strides = array<i32>} : memref<64x768xf32, #tpu.memory_space<vmem>>, vector<1x16xf32>,
      %get3A_369 = vector.shape_cast %get3A_368 : vector<1x16xf32> to vector<16xf32>
      %mul3A_370 = arith.mulf %get3A_25, %get3A_369 : vector<16xf32>
      %add3A_371 = arith.addf %mul3A_365, %mul3A_370 : vector<16xf32>
      %swap3A_372 = arith.index_cast %scan3A_18 : i32 to index
      %swap3A_373 = arith.constant 336 : index
      %swap3A_374 = tpu.vector_load %arg10[%swap3A_372, %swap3A_373] {strides = array<i32>} : memref<64x768xf32, #tpu.memory_space<vmem>>, vector<1x16xf32>,
      %swap3A_375 = vector.shape_cast %swap3A_374 : vector<1x16xf32> to vector<16xf32>
      %swap3A_376 = vector.shape_cast %add3A_371 : vector<16xf32> to vector<1x16xf32>
      tpu.vector_store %arg10[%swap3A_372, %swap3A_373], %swap3A_376 {strides = array<i32>} : memref<64x768xf32, #tpu.memory_space<vmem>>, vector<1x16xf32>,
      %get3A_377 = arith.index_cast %scan3A_18 : i32 to index
      %get3A_378 = arith.constant 352 : index
      %get3A_379 = tpu.vector_load %arg10[%get3A_377, %get3A_378] {strides = array<i32>} : memref<64x768xf32, #tpu.memory_space<vmem>>, vector<1x16xf32>,
      %get3A_380 = vector.shape_cast %get3A_379 : vector<1x16xf32> to vector<16xf32>
      %mul3A_381 = arith.mulf %get3A_21, %get3A_380 : vector<16xf32>
      %get3A_382 = arith.index_cast %scan3A_18 : i32 to index
      %get3A_383 = arith.constant 352 : index
      %get3A_384 = tpu.vector_load %arg11[%get3A_382, %get3A_383] {strides = array<i32>} : memref<64x768xf32, #tpu.memory_space<vmem>>, vector<1x16xf32>,
      %get3A_385 = vector.shape_cast %get3A_384 : vector<1x16xf32> to vector<16xf32>
      %mul3A_386 = arith.mulf %get3A_25, %get3A_385 : vector<16xf32>
      %add3A_387 = arith.addf %mul3A_381, %mul3A_386 : vector<16xf32>
      %swap3A_388 = arith.index_cast %scan3A_18 : i32 to index
      %swap3A_389 = arith.constant 352 : index
      %swap3A_390 = tpu.vector_load %arg10[%swap3A_388, %swap3A_389] {strides = array<i32>} : memref<64x768xf32, #tpu.memory_space<vmem>>, vector<1x16xf32>,
      %swap3A_391 = vector.shape_cast %swap3A_390 : vector<1x16xf32> to vector<16xf32>
      %swap3A_392 = vector.shape_cast %add3A_387 : vector<16xf32> to vector<1x16xf32>
      tpu.vector_store %arg10[%swap3A_388, %swap3A_389], %swap3A_392 {strides = array<i32>} : memref<64x768xf32, #tpu.memory_space<vmem>>, vector<1x16xf32>,
      %get3A_393 = arith.index_cast %scan3A_18 : i32 to index
      %get3A_394 = arith.constant 368 : index
      %get3A_395 = tpu.vector_load %arg10[%get3A_393, %get3A_394] {strides = array<i32>} : memref<64x768xf32, #tpu.memory_space<vmem>>, vector<1x16xf32>,
      %get3A_396 = vector.shape_cast %get3A_395 : vector<1x16xf32> to vector<16xf32>
      %mul3A_397 = arith.mulf %get3A_21, %get3A_396 : vector<16xf32>
      %get3A_398 = arith.index_cast %scan3A_18 : i32 to index
      %get3A_399 = arith.constant 368 : index
      %get3A_400 = tpu.vector_load %arg11[%get3A_398, %get3A_399] {strides = array<i32>} : memref<64x768xf32, #tpu.memory_space<vmem>>, vector<1x16xf32>,
      %get3A_401 = vector.shape_cast %get3A_400 : vector<1x16xf32> to vector<16xf32>
      %mul3A_402 = arith.mulf %get3A_25, %get3A_401 : vector<16xf32>
      %add3A_403 = arith.addf %mul3A_397, %mul3A_402 : vector<16xf32>
      %swap3A_404 = arith.index_cast %scan3A_18 : i32 to index
      %swap3A_405 = arith.constant 368 : index
      %swap3A_406 = tpu.vector_load %arg10[%swap3A_404, %swap3A_405] {strides = array<i32>} : memref<64x768xf32, #tpu.memory_space<vmem>>, vector<1x16xf32>,
      %swap3A_407 = vector.shape_cast %swap3A_406 : vector<1x16xf32> to vector<16xf32>
      %swap3A_408 = vector.shape_cast %add3A_403 : vector<16xf32> to vector<1x16xf32>
      tpu.vector_store %arg10[%swap3A_404, %swap3A_405], %swap3A_408 {strides = array<i32>} : memref<64x768xf32, #tpu.memory_space<vmem>>, vector<1x16xf32>,
      %get3A_409 = arith.index_cast %scan3A_18 : i32 to index
      %get3A_410 = arith.constant 384 : index
      %get3A_411 = tpu.vector_load %arg10[%get3A_409, %get3A_410] {strides = array<i32>} : memref<64x768xf32, #tpu.memory_space<vmem>>, vector<1x16xf32>,
      %get3A_412 = vector.shape_cast %get3A_411 : vector<1x16xf32> to vector<16xf32>
      %mul3A_413 = arith.mulf %get3A_21, %get3A_412 : vector<16xf32>
      %get3A_414 = arith.index_cast %scan3A_18 : i32 to index
      %get3A_415 = arith.constant 384 : index
      %get3A_416 = tpu.vector_load %arg11[%get3A_414, %get3A_415] {strides = array<i32>} : memref<64x768xf32, #tpu.memory_space<vmem>>, vector<1x16xf32>,
      %get3A_417 = vector.shape_cast %get3A_416 : vector<1x16xf32> to vector<16xf32>
      %mul3A_418 = arith.mulf %get3A_25, %get3A_417 : vector<16xf32>
      %add3A_419 = arith.addf %mul3A_413, %mul3A_418 : vector<16xf32>
      %swap3A_420 = arith.index_cast %scan3A_18 : i32 to index
      %swap3A_421 = arith.constant 384 : index
      %swap3A_422 = tpu.vector_load %arg10[%swap3A_420, %swap3A_421] {strides = array<i32>} : memref<64x768xf32, #tpu.memory_space<vmem>>, vector<1x16xf32>,
      %swap3A_423 = vector.shape_cast %swap3A_422 : vector<1x16xf32> to vector<16xf32>
      %swap3A_424 = vector.shape_cast %add3A_419 : vector<16xf32> to vector<1x16xf32>
      tpu.vector_store %arg10[%swap3A_420, %swap3A_421], %swap3A_424 {strides = array<i32>} : memref<64x768xf32, #tpu.memory_space<vmem>>, vector<1x16xf32>,
      %get3A_425 = arith.index_cast %scan3A_18 : i32 to index
      %get3A_426 = arith.constant 400 : index
      %get3A_427 = tpu.vector_load %arg10[%get3A_425, %get3A_426] {strides = array<i32>} : memref<64x768xf32, #tpu.memory_space<vmem>>, vector<1x16xf32>,
      %get3A_428 = vector.shape_cast %get3A_427 : vector<1x16xf32> to vector<16xf32>
      %mul3A_429 = arith.mulf %get3A_21, %get3A_428 : vector<16xf32>
      %get3A_430 = arith.index_cast %scan3A_18 : i32 to index
      %get3A_431 = arith.constant 400 : index
      %get3A_432 = tpu.vector_load %arg11[%get3A_430, %get3A_431] {strides = array<i32>} : memref<64x768xf32, #tpu.memory_space<vmem>>, vector<1x16xf32>,
      %get3A_433 = vector.shape_cast %get3A_432 : vector<1x16xf32> to vector<16xf32>
      %mul3A_434 = arith.mulf %get3A_25, %get3A_433 : vector<16xf32>
      %add3A_435 = arith.addf %mul3A_429, %mul3A_434 : vector<16xf32>
      %swap3A_436 = arith.index_cast %scan3A_18 : i32 to index
      %swap3A_437 = arith.constant 400 : index
      %swap3A_438 = tpu.vector_load %arg10[%swap3A_436, %swap3A_437] {strides = array<i32>} : memref<64x768xf32, #tpu.memory_space<vmem>>, vector<1x16xf32>,
      %swap3A_439 = vector.shape_cast %swap3A_438 : vector<1x16xf32> to vector<16xf32>
      %swap3A_440 = vector.shape_cast %add3A_435 : vector<16xf32> to vector<1x16xf32>
      tpu.vector_store %arg10[%swap3A_436, %swap3A_437], %swap3A_440 {strides = array<i32>} : memref<64x768xf32, #tpu.memory_space<vmem>>, vector<1x16xf32>,
      %get3A_441 = arith.index_cast %scan3A_18 : i32 to index
      %get3A_442 = arith.constant 416 : index
      %get3A_443 = tpu.vector_load %arg10[%get3A_441, %get3A_442] {strides = array<i32>} : memref<64x768xf32, #tpu.memory_space<vmem>>, vector<1x16xf32>,
      %get3A_444 = vector.shape_cast %get3A_443 : vector<1x16xf32> to vector<16xf32>
      %mul3A_445 = arith.mulf %get3A_21, %get3A_444 : vector<16xf32>
      %get3A_446 = arith.index_cast %scan3A_18 : i32 to index
      %get3A_447 = arith.constant 416 : index
      %get3A_448 = tpu.vector_load %arg11[%get3A_446, %get3A_447] {strides = array<i32>} : memref<64x768xf32, #tpu.memory_space<vmem>>, vector<1x16xf32>,
      %get3A_449 = vector.shape_cast %get3A_448 : vector<1x16xf32> to vector<16xf32>
      %mul3A_450 = arith.mulf %get3A_25, %get3A_449 : vector<16xf32>
      %add3A_451 = arith.addf %mul3A_445, %mul3A_450 : vector<16xf32>
      %swap3A_452 = arith.index_cast %scan3A_18 : i32 to index
      %swap3A_453 = arith.constant 416 : index
      %swap3A_454 = tpu.vector_load %arg10[%swap3A_452, %swap3A_453] {strides = array<i32>} : memref<64x768xf32, #tpu.memory_space<vmem>>, vector<1x16xf32>,
      %swap3A_455 = vector.shape_cast %swap3A_454 : vector<1x16xf32> to vector<16xf32>
      %swap3A_456 = vector.shape_cast %add3A_451 : vector<16xf32> to vector<1x16xf32>
      tpu.vector_store %arg10[%swap3A_452, %swap3A_453], %swap3A_456 {strides = array<i32>} : memref<64x768xf32, #tpu.memory_space<vmem>>, vector<1x16xf32>,
      %get3A_457 = arith.index_cast %scan3A_18 : i32 to index
      %get3A_458 = arith.constant 432 : index
      %get3A_459 = tpu.vector_load %arg10[%get3A_457, %get3A_458] {strides = array<i32>} : memref<64x768xf32, #tpu.memory_space<vmem>>, vector<1x16xf32>,
      %get3A_460 = vector.shape_cast %get3A_459 : vector<1x16xf32> to vector<16xf32>
      %mul3A_461 = arith.mulf %get3A_21, %get3A_460 : vector<16xf32>
      %get3A_462 = arith.index_cast %scan3A_18 : i32 to index
      %get3A_463 = arith.constant 432 : index
      %get3A_464 = tpu.vector_load %arg11[%get3A_462, %get3A_463] {strides = array<i32>} : memref<64x768xf32, #tpu.memory_space<vmem>>, vector<1x16xf32>,
      %get3A_465 = vector.shape_cast %get3A_464 : vector<1x16xf32> to vector<16xf32>
      %mul3A_466 = arith.mulf %get3A_25, %get3A_465 : vector<16xf32>
      %add3A_467 = arith.addf %mul3A_461, %mul3A_466 : vector<16xf32>
      %swap3A_468 = arith.index_cast %scan3A_18 : i32 to index
      %swap3A_469 = arith.constant 432 : index
      %swap3A_470 = tpu.vector_load %arg10[%swap3A_468, %swap3A_469] {strides = array<i32>} : memref<64x768xf32, #tpu.memory_space<vmem>>, vector<1x16xf32>,
      %swap3A_471 = vector.shape_cast %swap3A_470 : vector<1x16xf32> to vector<16xf32>
      %swap3A_472 = vector.shape_cast %add3A_467 : vector<16xf32> to vector<1x16xf32>
      tpu.vector_store %arg10[%swap3A_468, %swap3A_469], %swap3A_472 {strides = array<i32>} : memref<64x768xf32, #tpu.memory_space<vmem>>, vector<1x16xf32>,
      %get3A_473 = arith.index_cast %scan3A_18 : i32 to index
      %get3A_474 = arith.constant 448 : index
      %get3A_475 = tpu.vector_load %arg10[%get3A_473, %get3A_474] {strides = array<i32>} : memref<64x768xf32, #tpu.memory_space<vmem>>, vector<1x16xf32>,
      %get3A_476 = vector.shape_cast %get3A_475 : vector<1x16xf32> to vector<16xf32>
      %mul3A_477 = arith.mulf %get3A_21, %get3A_476 : vector<16xf32>
      %get3A_478 = arith.index_cast %scan3A_18 : i32 to index
      %get3A_479 = arith.constant 448 : index
      %get3A_480 = tpu.vector_load %arg11[%get3A_478, %get3A_479] {strides = array<i32>} : memref<64x768xf32, #tpu.memory_space<vmem>>, vector<1x16xf32>,
      %get3A_481 = vector.shape_cast %get3A_480 : vector<1x16xf32> to vector<16xf32>
      %mul3A_482 = arith.mulf %get3A_25, %get3A_481 : vector<16xf32>
      %add3A_483 = arith.addf %mul3A_477, %mul3A_482 : vector<16xf32>
      %swap3A_484 = arith.index_cast %scan3A_18 : i32 to index
      %swap3A_485 = arith.constant 448 : index
      %swap3A_486 = tpu.vector_load %arg10[%swap3A_484, %swap3A_485] {strides = array<i32>} : memref<64x768xf32, #tpu.memory_space<vmem>>, vector<1x16xf32>,
      %swap3A_487 = vector.shape_cast %swap3A_486 : vector<1x16xf32> to vector<16xf32>
      %swap3A_488 = vector.shape_cast %add3A_483 : vector<16xf32> to vector<1x16xf32>
      tpu.vector_store %arg10[%swap3A_484, %swap3A_485], %swap3A_488 {strides = array<i32>} : memref<64x768xf32, #tpu.memory_space<vmem>>, vector<1x16xf32>,
      %get3A_489 = arith.index_cast %scan3A_18 : i32 to index
      %get3A_490 = arith.constant 464 : index
      %get3A_491 = tpu.vector_load %arg10[%get3A_489, %get3A_490] {strides = array<i32>} : memref<64x768xf32, #tpu.memory_space<vmem>>, vector<1x16xf32>,
      %get3A_492 = vector.shape_cast %get3A_491 : vector<1x16xf32> to vector<16xf32>
      %mul3A_493 = arith.mulf %get3A_21, %get3A_492 : vector<16xf32>
      %get3A_494 = arith.index_cast %scan3A_18 : i32 to index
      %get3A_495 = arith.constant 464 : index
      %get3A_496 = tpu.vector_load %arg11[%get3A_494, %get3A_495] {strides = array<i32>} : memref<64x768xf32, #tpu.memory_space<vmem>>, vector<1x16xf32>,
      %get3A_497 = vector.shape_cast %get3A_496 : vector<1x16xf32> to vector<16xf32>
      %mul3A_498 = arith.mulf %get3A_25, %get3A_497 : vector<16xf32>
      %add3A_499 = arith.addf %mul3A_493, %mul3A_498 : vector<16xf32>
      %swap3A_500 = arith.index_cast %scan3A_18 : i32 to index
      %swap3A_501 = arith.constant 464 : index
      %swap3A_502 = tpu.vector_load %arg10[%swap3A_500, %swap3A_501] {strides = array<i32>} : memref<64x768xf32, #tpu.memory_space<vmem>>, vector<1x16xf32>,
      %swap3A_503 = vector.shape_cast %swap3A_502 : vector<1x16xf32> to vector<16xf32>
      %swap3A_504 = vector.shape_cast %add3A_499 : vector<16xf32> to vector<1x16xf32>
      tpu.vector_store %arg10[%swap3A_500, %swap3A_501], %swap3A_504 {strides = array<i32>} : memref<64x768xf32, #tpu.memory_space<vmem>>, vector<1x16xf32>,
      %get3A_505 = arith.index_cast %scan3A_18 : i32 to index
      %get3A_506 = arith.constant 480 : index
      %get3A_507 = tpu.vector_load %arg10[%get3A_505, %get3A_506] {strides = array<i32>} : memref<64x768xf32, #tpu.memory_space<vmem>>, vector<1x16xf32>,
      %get3A_508 = vector.shape_cast %get3A_507 : vector<1x16xf32> to vector<16xf32>
      %mul3A_509 = arith.mulf %get3A_21, %get3A_508 : vector<16xf32>
      %get3A_510 = arith.index_cast %scan3A_18 : i32 to index
      %get3A_511 = arith.constant 480 : index
      %get3A_512 = tpu.vector_load %arg11[%get3A_510, %get3A_511] {strides = array<i32>} : memref<64x768xf32, #tpu.memory_space<vmem>>, vector<1x16xf32>,
      %get3A_513 = vector.shape_cast %get3A_512 : vector<1x16xf32> to vector<16xf32>
      %mul3A_514 = arith.mulf %get3A_25, %get3A_513 : vector<16xf32>
      %add3A_515 = arith.addf %mul3A_509, %mul3A_514 : vector<16xf32>
      %swap3A_516 = arith.index_cast %scan3A_18 : i32 to index
      %swap3A_517 = arith.constant 480 : index
      %swap3A_518 = tpu.vector_load %arg10[%swap3A_516, %swap3A_517] {strides = array<i32>} : memref<64x768xf32, #tpu.memory_space<vmem>>, vector<1x16xf32>,
      %swap3A_519 = vector.shape_cast %swap3A_518 : vector<1x16xf32> to vector<16xf32>
      %swap3A_520 = vector.shape_cast %add3A_515 : vector<16xf32> to vector<1x16xf32>
      tpu.vector_store %arg10[%swap3A_516, %swap3A_517], %swap3A_520 {strides = array<i32>} : memref<64x768xf32, #tpu.memory_space<vmem>>, vector<1x16xf32>,
      %get3A_521 = arith.index_cast %scan3A_18 : i32 to index
      %get3A_522 = arith.constant 496 : index
      %get3A_523 = tpu.vector_load %arg10[%get3A_521, %get3A_522] {strides = array<i32>} : memref<64x768xf32, #tpu.memory_space<vmem>>, vector<1x16xf32>,
      %get3A_524 = vector.shape_cast %get3A_523 : vector<1x16xf32> to vector<16xf32>
      %mul3A_525 = arith.mulf %get3A_21, %get3A_524 : vector<16xf32>
      %get3A_526 = arith.index_cast %scan3A_18 : i32 to index
      %get3A_527 = arith.constant 496 : index
      %get3A_528 = tpu.vector_load %arg11[%get3A_526, %get3A_527] {strides = array<i32>} : memref<64x768xf32, #tpu.memory_space<vmem>>, vector<1x16xf32>,
      %get3A_529 = vector.shape_cast %get3A_528 : vector<1x16xf32> to vector<16xf32>
      %mul3A_530 = arith.mulf %get3A_25, %get3A_529 : vector<16xf32>
      %add3A_531 = arith.addf %mul3A_525, %mul3A_530 : vector<16xf32>
      %swap3A_532 = arith.index_cast %scan3A_18 : i32 to index
      %swap3A_533 = arith.constant 496 : index
      %swap3A_534 = tpu.vector_load %arg10[%swap3A_532, %swap3A_533] {strides = array<i32>} : memref<64x768xf32, #tpu.memory_space<vmem>>, vector<1x16xf32>,
      %swap3A_535 = vector.shape_cast %swap3A_534 : vector<1x16xf32> to vector<16xf32>
      %swap3A_536 = vector.shape_cast %add3A_531 : vector<16xf32> to vector<1x16xf32>
      tpu.vector_store %arg10[%swap3A_532, %swap3A_533], %swap3A_536 {strides = array<i32>} : memref<64x768xf32, #tpu.memory_space<vmem>>, vector<1x16xf32>,
      %get3A_537 = arith.index_cast %scan3A_18 : i32 to index
      %get3A_538 = arith.constant 512 : index
      %get3A_539 = tpu.vector_load %arg10[%get3A_537, %get3A_538] {strides = array<i32>} : memref<64x768xf32, #tpu.memory_space<vmem>>, vector<1x16xf32>,
      %get3A_540 = vector.shape_cast %get3A_539 : vector<1x16xf32> to vector<16xf32>
      %mul3A_541 = arith.mulf %get3A_21, %get3A_540 : vector<16xf32>
      %get3A_542 = arith.index_cast %scan3A_18 : i32 to index
      %get3A_543 = arith.constant 512 : index
      %get3A_544 = tpu.vector_load %arg11[%get3A_542, %get3A_543] {strides = array<i32>} : memref<64x768xf32, #tpu.memory_space<vmem>>, vector<1x16xf32>,
      %get3A_545 = vector.shape_cast %get3A_544 : vector<1x16xf32> to vector<16xf32>
      %mul3A_546 = arith.mulf %get3A_25, %get3A_545 : vector<16xf32>
      %add3A_547 = arith.addf %mul3A_541, %mul3A_546 : vector<16xf32>
      %swap3A_548 = arith.index_cast %scan3A_18 : i32 to index
      %swap3A_549 = arith.constant 512 : index
      %swap3A_550 = tpu.vector_load %arg10[%swap3A_548, %swap3A_549] {strides = array<i32>} : memref<64x768xf32, #tpu.memory_space<vmem>>, vector<1x16xf32>,
      %swap3A_551 = vector.shape_cast %swap3A_550 : vector<1x16xf32> to vector<16xf32>
      %swap3A_552 = vector.shape_cast %add3A_547 : vector<16xf32> to vector<1x16xf32>
      tpu.vector_store %arg10[%swap3A_548, %swap3A_549], %swap3A_552 {strides = array<i32>} : memref<64x768xf32, #tpu.memory_space<vmem>>, vector<1x16xf32>,
      %get3A_553 = arith.index_cast %scan3A_18 : i32 to index
      %get3A_554 = arith.constant 528 : index
      %get3A_555 = tpu.vector_load %arg10[%get3A_553, %get3A_554] {strides = array<i32>} : memref<64x768xf32, #tpu.memory_space<vmem>>, vector<1x16xf32>,
      %get3A_556 = vector.shape_cast %get3A_555 : vector<1x16xf32> to vector<16xf32>
      %mul3A_557 = arith.mulf %get3A_21, %get3A_556 : vector<16xf32>
      %get3A_558 = arith.index_cast %scan3A_18 : i32 to index
      %get3A_559 = arith.constant 528 : index
      %get3A_560 = tpu.vector_load %arg11[%get3A_558, %get3A_559] {strides = array<i32>} : memref<64x768xf32, #tpu.memory_space<vmem>>, vector<1x16xf32>,
      %get3A_561 = vector.shape_cast %get3A_560 : vector<1x16xf32> to vector<16xf32>
      %mul3A_562 = arith.mulf %get3A_25, %get3A_561 : vector<16xf32>
      %add3A_563 = arith.addf %mul3A_557, %mul3A_562 : vector<16xf32>
      %swap3A_564 = arith.index_cast %scan3A_18 : i32 to index
      %swap3A_565 = arith.constant 528 : index
      %swap3A_566 = tpu.vector_load %arg10[%swap3A_564, %swap3A_565] {strides = array<i32>} : memref<64x768xf32, #tpu.memory_space<vmem>>, vector<1x16xf32>,
      %swap3A_567 = vector.shape_cast %swap3A_566 : vector<1x16xf32> to vector<16xf32>
      %swap3A_568 = vector.shape_cast %add3A_563 : vector<16xf32> to vector<1x16xf32>
      tpu.vector_store %arg10[%swap3A_564, %swap3A_565], %swap3A_568 {strides = array<i32>} : memref<64x768xf32, #tpu.memory_space<vmem>>, vector<1x16xf32>,
      %get3A_569 = arith.index_cast %scan3A_18 : i32 to index
      %get3A_570 = arith.constant 544 : index
      %get3A_571 = tpu.vector_load %arg10[%get3A_569, %get3A_570] {strides = array<i32>} : memref<64x768xf32, #tpu.memory_space<vmem>>, vector<1x16xf32>,
      %get3A_572 = vector.shape_cast %get3A_571 : vector<1x16xf32> to vector<16xf32>
      %mul3A_573 = arith.mulf %get3A_21, %get3A_572 : vector<16xf32>
      %get3A_574 = arith.index_cast %scan3A_18 : i32 to index
      %get3A_575 = arith.constant 544 : index
      %get3A_576 = tpu.vector_load %arg11[%get3A_574, %get3A_575] {strides = array<i32>} : memref<64x768xf32, #tpu.memory_space<vmem>>, vector<1x16xf32>,
      %get3A_577 = vector.shape_cast %get3A_576 : vector<1x16xf32> to vector<16xf32>
      %mul3A_578 = arith.mulf %get3A_25, %get3A_577 : vector<16xf32>
      %add3A_579 = arith.addf %mul3A_573, %mul3A_578 : vector<16xf32>
      %swap3A_580 = arith.index_cast %scan3A_18 : i32 to index
      %swap3A_581 = arith.constant 544 : index
      %swap3A_582 = tpu.vector_load %arg10[%swap3A_580, %swap3A_581] {strides = array<i32>} : memref<64x768xf32, #tpu.memory_space<vmem>>, vector<1x16xf32>,
      %swap3A_583 = vector.shape_cast %swap3A_582 : vector<1x16xf32> to vector<16xf32>
      %swap3A_584 = vector.shape_cast %add3A_579 : vector<16xf32> to vector<1x16xf32>
      tpu.vector_store %arg10[%swap3A_580, %swap3A_581], %swap3A_584 {strides = array<i32>} : memref<64x768xf32, #tpu.memory_space<vmem>>, vector<1x16xf32>,
      %get3A_585 = arith.index_cast %scan3A_18 : i32 to index
      %get3A_586 = arith.constant 560 : index
      %get3A_587 = tpu.vector_load %arg10[%get3A_585, %get3A_586] {strides = array<i32>} : memref<64x768xf32, #tpu.memory_space<vmem>>, vector<1x16xf32>,
      %get3A_588 = vector.shape_cast %get3A_587 : vector<1x16xf32> to vector<16xf32>
      %mul3A_589 = arith.mulf %get3A_21, %get3A_588 : vector<16xf32>
      %get3A_590 = arith.index_cast %scan3A_18 : i32 to index
      %get3A_591 = arith.constant 560 : index
      %get3A_592 = tpu.vector_load %arg11[%get3A_590, %get3A_591] {strides = array<i32>} : memref<64x768xf32, #tpu.memory_space<vmem>>, vector<1x16xf32>,
      %get3A_593 = vector.shape_cast %get3A_592 : vector<1x16xf32> to vector<16xf32>
      %mul3A_594 = arith.mulf %get3A_25, %get3A_593 : vector<16xf32>
      %add3A_595 = arith.addf %mul3A_589, %mul3A_594 : vector<16xf32>
      %swap3A_596 = arith.index_cast %scan3A_18 : i32 to index
      %swap3A_597 = arith.constant 560 : index
      %swap3A_598 = tpu.vector_load %arg10[%swap3A_596, %swap3A_597] {strides = array<i32>} : memref<64x768xf32, #tpu.memory_space<vmem>>, vector<1x16xf32>,
      %swap3A_599 = vector.shape_cast %swap3A_598 : vector<1x16xf32> to vector<16xf32>
      %swap3A_600 = vector.shape_cast %add3A_595 : vector<16xf32> to vector<1x16xf32>
      tpu.vector_store %arg10[%swap3A_596, %swap3A_597], %swap3A_600 {strides = array<i32>} : memref<64x768xf32, #tpu.memory_space<vmem>>, vector<1x16xf32>,
      %get3A_601 = arith.index_cast %scan3A_18 : i32 to index
      %get3A_602 = arith.constant 576 : index
      %get3A_603 = tpu.vector_load %arg10[%get3A_601, %get3A_602] {strides = array<i32>} : memref<64x768xf32, #tpu.memory_space<vmem>>, vector<1x16xf32>,
      %get3A_604 = vector.shape_cast %get3A_603 : vector<1x16xf32> to vector<16xf32>
      %mul3A_605 = arith.mulf %get3A_21, %get3A_604 : vector<16xf32>
      %get3A_606 = arith.index_cast %scan3A_18 : i32 to index
      %get3A_607 = arith.constant 576 : index
      %get3A_608 = tpu.vector_load %arg11[%get3A_606, %get3A_607] {strides = array<i32>} : memref<64x768xf32, #tpu.memory_space<vmem>>, vector<1x16xf32>,
      %get3A_609 = vector.shape_cast %get3A_608 : vector<1x16xf32> to vector<16xf32>
      %mul3A_610 = arith.mulf %get3A_25, %get3A_609 : vector<16xf32>
      %add3A_611 = arith.addf %mul3A_605, %mul3A_610 : vector<16xf32>
      %swap3A_612 = arith.index_cast %scan3A_18 : i32 to index
      %swap3A_613 = arith.constant 576 : index
      %swap3A_614 = tpu.vector_load %arg10[%swap3A_612, %swap3A_613] {strides = array<i32>} : memref<64x768xf32, #tpu.memory_space<vmem>>, vector<1x16xf32>,
      %swap3A_615 = vector.shape_cast %swap3A_614 : vector<1x16xf32> to vector<16xf32>
      %swap3A_616 = vector.shape_cast %add3A_611 : vector<16xf32> to vector<1x16xf32>
      tpu.vector_store %arg10[%swap3A_612, %swap3A_613], %swap3A_616 {strides = array<i32>} : memref<64x768xf32, #tpu.memory_space<vmem>>, vector<1x16xf32>,
      %get3A_617 = arith.index_cast %scan3A_18 : i32 to index
      %get3A_618 = arith.constant 592 : index
      %get3A_619 = tpu.vector_load %arg10[%get3A_617, %get3A_618] {strides = array<i32>} : memref<64x768xf32, #tpu.memory_space<vmem>>, vector<1x16xf32>,
      %get3A_620 = vector.shape_cast %get3A_619 : vector<1x16xf32> to vector<16xf32>
      %mul3A_621 = arith.mulf %get3A_21, %get3A_620 : vector<16xf32>
      %get3A_622 = arith.index_cast %scan3A_18 : i32 to index
      %get3A_623 = arith.constant 592 : index
      %get3A_624 = tpu.vector_load %arg11[%get3A_622, %get3A_623] {strides = array<i32>} : memref<64x768xf32, #tpu.memory_space<vmem>>, vector<1x16xf32>,
      %get3A_625 = vector.shape_cast %get3A_624 : vector<1x16xf32> to vector<16xf32>
      %mul3A_626 = arith.mulf %get3A_25, %get3A_625 : vector<16xf32>
      %add3A_627 = arith.addf %mul3A_621, %mul3A_626 : vector<16xf32>
      %swap3A_628 = arith.index_cast %scan3A_18 : i32 to index
      %swap3A_629 = arith.constant 592 : index
      %swap3A_630 = tpu.vector_load %arg10[%swap3A_628, %swap3A_629] {strides = array<i32>} : memref<64x768xf32, #tpu.memory_space<vmem>>, vector<1x16xf32>,
      %swap3A_631 = vector.shape_cast %swap3A_630 : vector<1x16xf32> to vector<16xf32>
      %swap3A_632 = vector.shape_cast %add3A_627 : vector<16xf32> to vector<1x16xf32>
      tpu.vector_store %arg10[%swap3A_628, %swap3A_629], %swap3A_632 {strides = array<i32>} : memref<64x768xf32, #tpu.memory_space<vmem>>, vector<1x16xf32>,
      %get3A_633 = arith.index_cast %scan3A_18 : i32 to index
      %get3A_634 = arith.constant 608 : index
      %get3A_635 = tpu.vector_load %arg10[%get3A_633, %get3A_634] {strides = array<i32>} : memref<64x768xf32, #tpu.memory_space<vmem>>, vector<1x16xf32>,
      %get3A_636 = vector.shape_cast %get3A_635 : vector<1x16xf32> to vector<16xf32>
      %mul3A_637 = arith.mulf %get3A_21, %get3A_636 : vector<16xf32>
      %get3A_638 = arith.index_cast %scan3A_18 : i32 to index
      %get3A_639 = arith.constant 608 : index
      %get3A_640 = tpu.vector_load %arg11[%get3A_638, %get3A_639] {strides = array<i32>} : memref<64x768xf32, #tpu.memory_space<vmem>>, vector<1x16xf32>,
      %get3A_641 = vector.shape_cast %get3A_640 : vector<1x16xf32> to vector<16xf32>
      %mul3A_642 = arith.mulf %get3A_25, %get3A_641 : vector<16xf32>
      %add3A_643 = arith.addf %mul3A_637, %mul3A_642 : vector<16xf32>
      %swap3A_644 = arith.index_cast %scan3A_18 : i32 to index
      %swap3A_645 = arith.constant 608 : index
      %swap3A_646 = tpu.vector_load %arg10[%swap3A_644, %swap3A_645] {strides = array<i32>} : memref<64x768xf32, #tpu.memory_space<vmem>>, vector<1x16xf32>,
      %swap3A_647 = vector.shape_cast %swap3A_646 : vector<1x16xf32> to vector<16xf32>
      %swap3A_648 = vector.shape_cast %add3A_643 : vector<16xf32> to vector<1x16xf32>
      tpu.vector_store %arg10[%swap3A_644, %swap3A_645], %swap3A_648 {strides = array<i32>} : memref<64x768xf32, #tpu.memory_space<vmem>>, vector<1x16xf32>,
      %get3A_649 = arith.index_cast %scan3A_18 : i32 to index
      %get3A_650 = arith.constant 624 : index
      %get3A_651 = tpu.vector_load %arg10[%get3A_649, %get3A_650] {strides = array<i32>} : memref<64x768xf32, #tpu.memory_space<vmem>>, vector<1x16xf32>,
      %get3A_652 = vector.shape_cast %get3A_651 : vector<1x16xf32> to vector<16xf32>
      %mul3A_653 = arith.mulf %get3A_21, %get3A_652 : vector<16xf32>
      %get3A_654 = arith.index_cast %scan3A_18 : i32 to index
      %get3A_655 = arith.constant 624 : index
      %get3A_656 = tpu.vector_load %arg11[%get3A_654, %get3A_655] {strides = array<i32>} : memref<64x768xf32, #tpu.memory_space<vmem>>, vector<1x16xf32>,
      %get3A_657 = vector.shape_cast %get3A_656 : vector<1x16xf32> to vector<16xf32>
      %mul3A_658 = arith.mulf %get3A_25, %get3A_657 : vector<16xf32>
      %add3A_659 = arith.addf %mul3A_653, %mul3A_658 : vector<16xf32>
      %swap3A_660 = arith.index_cast %scan3A_18 : i32 to index
      %swap3A_661 = arith.constant 624 : index
      %swap3A_662 = tpu.vector_load %arg10[%swap3A_660, %swap3A_661] {strides = array<i32>} : memref<64x768xf32, #tpu.memory_space<vmem>>, vector<1x16xf32>,
      %swap3A_663 = vector.shape_cast %swap3A_662 : vector<1x16xf32> to vector<16xf32>
      %swap3A_664 = vector.shape_cast %add3A_659 : vector<16xf32> to vector<1x16xf32>
      tpu.vector_store %arg10[%swap3A_660, %swap3A_661], %swap3A_664 {strides = array<i32>} : memref<64x768xf32, #tpu.memory_space<vmem>>, vector<1x16xf32>,
      %get3A_665 = arith.index_cast %scan3A_18 : i32 to index
      %get3A_666 = arith.constant 640 : index
      %get3A_667 = tpu.vector_load %arg10[%get3A_665, %get3A_666] {strides = array<i32>} : memref<64x768xf32, #tpu.memory_space<vmem>>, vector<1x16xf32>,
      %get3A_668 = vector.shape_cast %get3A_667 : vector<1x16xf32> to vector<16xf32>
      %mul3A_669 = arith.mulf %get3A_21, %get3A_668 : vector<16xf32>
      %get3A_670 = arith.index_cast %scan3A_18 : i32 to index
      %get3A_671 = arith.constant 640 : index
      %get3A_672 = tpu.vector_load %arg11[%get3A_670, %get3A_671] {strides = array<i32>} : memref<64x768xf32, #tpu.memory_space<vmem>>, vector<1x16xf32>,
      %get3A_673 = vector.shape_cast %get3A_672 : vector<1x16xf32> to vector<16xf32>
      %mul3A_674 = arith.mulf %get3A_25, %get3A_673 : vector<16xf32>
      %add3A_675 = arith.addf %mul3A_669, %mul3A_674 : vector<16xf32>
      %swap3A_676 = arith.index_cast %scan3A_18 : i32 to index
      %swap3A_677 = arith.constant 640 : index
      %swap3A_678 = tpu.vector_load %arg10[%swap3A_676, %swap3A_677] {strides = array<i32>} : memref<64x768xf32, #tpu.memory_space<vmem>>, vector<1x16xf32>,
      %swap3A_679 = vector.shape_cast %swap3A_678 : vector<1x16xf32> to vector<16xf32>
      %swap3A_680 = vector.shape_cast %add3A_675 : vector<16xf32> to vector<1x16xf32>
      tpu.vector_store %arg10[%swap3A_676, %swap3A_677], %swap3A_680 {strides = array<i32>} : memref<64x768xf32, #tpu.memory_space<vmem>>, vector<1x16xf32>,
      %get3A_681 = arith.index_cast %scan3A_18 : i32 to index
      %get3A_682 = arith.constant 656 : index
      %get3A_683 = tpu.vector_load %arg10[%get3A_681, %get3A_682] {strides = array<i32>} : memref<64x768xf32, #tpu.memory_space<vmem>>, vector<1x16xf32>,
      %get3A_684 = vector.shape_cast %get3A_683 : vector<1x16xf32> to vector<16xf32>
      %mul3A_685 = arith.mulf %get3A_21, %get3A_684 : vector<16xf32>
      %get3A_686 = arith.index_cast %scan3A_18 : i32 to index
      %get3A_687 = arith.constant 656 : index
      %get3A_688 = tpu.vector_load %arg11[%get3A_686, %get3A_687] {strides = array<i32>} : memref<64x768xf32, #tpu.memory_space<vmem>>, vector<1x16xf32>,
      %get3A_689 = vector.shape_cast %get3A_688 : vector<1x16xf32> to vector<16xf32>
      %mul3A_690 = arith.mulf %get3A_25, %get3A_689 : vector<16xf32>
      %add3A_691 = arith.addf %mul3A_685, %mul3A_690 : vector<16xf32>
      %swap3A_692 = arith.index_cast %scan3A_18 : i32 to index
      %swap3A_693 = arith.constant 656 : index
      %swap3A_694 = tpu.vector_load %arg10[%swap3A_692, %swap3A_693] {strides = array<i32>} : memref<64x768xf32, #tpu.memory_space<vmem>>, vector<1x16xf32>,
      %swap3A_695 = vector.shape_cast %swap3A_694 : vector<1x16xf32> to vector<16xf32>
      %swap3A_696 = vector.shape_cast %add3A_691 : vector<16xf32> to vector<1x16xf32>
      tpu.vector_store %arg10[%swap3A_692, %swap3A_693], %swap3A_696 {strides = array<i32>} : memref<64x768xf32, #tpu.memory_space<vmem>>, vector<1x16xf32>,
      %get3A_697 = arith.index_cast %scan3A_18 : i32 to index
      %get3A_698 = arith.constant 672 : index
      %get3A_699 = tpu.vector_load %arg10[%get3A_697, %get3A_698] {strides = array<i32>} : memref<64x768xf32, #tpu.memory_space<vmem>>, vector<1x16xf32>,
      %get3A_700 = vector.shape_cast %get3A_699 : vector<1x16xf32> to vector<16xf32>
      %mul3A_701 = arith.mulf %get3A_21, %get3A_700 : vector<16xf32>
      %get3A_702 = arith.index_cast %scan3A_18 : i32 to index
      %get3A_703 = arith.constant 672 : index
      %get3A_704 = tpu.vector_load %arg11[%get3A_702, %get3A_703] {strides = array<i32>} : memref<64x768xf32, #tpu.memory_space<vmem>>, vector<1x16xf32>,
      %get3A_705 = vector.shape_cast %get3A_704 : vector<1x16xf32> to vector<16xf32>
      %mul3A_706 = arith.mulf %get3A_25, %get3A_705 : vector<16xf32>
      %add3A_707 = arith.addf %mul3A_701, %mul3A_706 : vector<16xf32>
      %swap3A_708 = arith.index_cast %scan3A_18 : i32 to index
      %swap3A_709 = arith.constant 672 : index
      %swap3A_710 = tpu.vector_load %arg10[%swap3A_708, %swap3A_709] {strides = array<i32>} : memref<64x768xf32, #tpu.memory_space<vmem>>, vector<1x16xf32>,
      %swap3A_711 = vector.shape_cast %swap3A_710 : vector<1x16xf32> to vector<16xf32>
      %swap3A_712 = vector.shape_cast %add3A_707 : vector<16xf32> to vector<1x16xf32>
      tpu.vector_store %arg10[%swap3A_708, %swap3A_709], %swap3A_712 {strides = array<i32>} : memref<64x768xf32, #tpu.memory_space<vmem>>, vector<1x16xf32>,
      %get3A_713 = arith.index_cast %scan3A_18 : i32 to index
      %get3A_714 = arith.constant 688 : index
      %get3A_715 = tpu.vector_load %arg10[%get3A_713, %get3A_714] {strides = array<i32>} : memref<64x768xf32, #tpu.memory_space<vmem>>, vector<1x16xf32>,
      %get3A_716 = vector.shape_cast %get3A_715 : vector<1x16xf32> to vector<16xf32>
      %mul3A_717 = arith.mulf %get3A_21, %get3A_716 : vector<16xf32>
      %get3A_718 = arith.index_cast %scan3A_18 : i32 to index
      %get3A_719 = arith.constant 688 : index
      %get3A_720 = tpu.vector_load %arg11[%get3A_718, %get3A_719] {strides = array<i32>} : memref<64x768xf32, #tpu.memory_space<vmem>>, vector<1x16xf32>,
      %get3A_721 = vector.shape_cast %get3A_720 : vector<1x16xf32> to vector<16xf32>
      %mul3A_722 = arith.mulf %get3A_25, %get3A_721 : vector<16xf32>
      %add3A_723 = arith.addf %mul3A_717, %mul3A_722 : vector<16xf32>
      %swap3A_724 = arith.index_cast %scan3A_18 : i32 to index
      %swap3A_725 = arith.constant 688 : index
      %swap3A_726 = tpu.vector_load %arg10[%swap3A_724, %swap3A_725] {strides = array<i32>} : memref<64x768xf32, #tpu.memory_space<vmem>>, vector<1x16xf32>,
      %swap3A_727 = vector.shape_cast %swap3A_726 : vector<1x16xf32> to vector<16xf32>
      %swap3A_728 = vector.shape_cast %add3A_723 : vector<16xf32> to vector<1x16xf32>
      tpu.vector_store %arg10[%swap3A_724, %swap3A_725], %swap3A_728 {strides = array<i32>} : memref<64x768xf32, #tpu.memory_space<vmem>>, vector<1x16xf32>,
      %get3A_729 = arith.index_cast %scan3A_18 : i32 to index
      %get3A_730 = arith.constant 704 : index
      %get3A_731 = tpu.vector_load %arg10[%get3A_729, %get3A_730] {strides = array<i32>} : memref<64x768xf32, #tpu.memory_space<vmem>>, vector<1x16xf32>,
      %get3A_732 = vector.shape_cast %get3A_731 : vector<1x16xf32> to vector<16xf32>
      %mul3A_733 = arith.mulf %get3A_21, %get3A_732 : vector<16xf32>
      %get3A_734 = arith.index_cast %scan3A_18 : i32 to index
      %get3A_735 = arith.constant 704 : index
      %get3A_736 = tpu.vector_load %arg11[%get3A_734, %get3A_735] {strides = array<i32>} : memref<64x768xf32, #tpu.memory_space<vmem>>, vector<1x16xf32>,
      %get3A_737 = vector.shape_cast %get3A_736 : vector<1x16xf32> to vector<16xf32>
      %mul3A_738 = arith.mulf %get3A_25, %get3A_737 : vector<16xf32>
      %add3A_739 = arith.addf %mul3A_733, %mul3A_738 : vector<16xf32>
      %swap3A_740 = arith.index_cast %scan3A_18 : i32 to index
      %swap3A_741 = arith.constant 704 : index
      %swap3A_742 = tpu.vector_load %arg10[%swap3A_740, %swap3A_741] {strides = array<i32>} : memref<64x768xf32, #tpu.memory_space<vmem>>, vector<1x16xf32>,
      %swap3A_743 = vector.shape_cast %swap3A_742 : vector<1x16xf32> to vector<16xf32>
      %swap3A_744 = vector.shape_cast %add3A_739 : vector<16xf32> to vector<1x16xf32>
      tpu.vector_store %arg10[%swap3A_740, %swap3A_741], %swap3A_744 {strides = array<i32>} : memref<64x768xf32, #tpu.memory_space<vmem>>, vector<1x16xf32>,
      %get3A_745 = arith.index_cast %scan3A_18 : i32 to index
      %get3A_746 = arith.constant 720 : index
      %get3A_747 = tpu.vector_load %arg10[%get3A_745, %get3A_746] {strides = array<i32>} : memref<64x768xf32, #tpu.memory_space<vmem>>, vector<1x16xf32>,
      %get3A_748 = vector.shape_cast %get3A_747 : vector<1x16xf32> to vector<16xf32>
      %mul3A_749 = arith.mulf %get3A_21, %get3A_748 : vector<16xf32>
      %get3A_750 = arith.index_cast %scan3A_18 : i32 to index
      %get3A_751 = arith.constant 720 : index
      %get3A_752 = tpu.vector_load %arg11[%get3A_750, %get3A_751] {strides = array<i32>} : memref<64x768xf32, #tpu.memory_space<vmem>>, vector<1x16xf32>,
      %get3A_753 = vector.shape_cast %get3A_752 : vector<1x16xf32> to vector<16xf32>
      %mul3A_754 = arith.mulf %get3A_25, %get3A_753 : vector<16xf32>
      %add3A_755 = arith.addf %mul3A_749, %mul3A_754 : vector<16xf32>
      %swap3A_756 = arith.index_cast %scan3A_18 : i32 to index
      %swap3A_757 = arith.constant 720 : index
      %swap3A_758 = tpu.vector_load %arg10[%swap3A_756, %swap3A_757] {strides = array<i32>} : memref<64x768xf32, #tpu.memory_space<vmem>>, vector<1x16xf32>,
      %swap3A_759 = vector.shape_cast %swap3A_758 : vector<1x16xf32> to vector<16xf32>
      %swap3A_760 = vector.shape_cast %add3A_755 : vector<16xf32> to vector<1x16xf32>
      tpu.vector_store %arg10[%swap3A_756, %swap3A_757], %swap3A_760 {strides = array<i32>} : memref<64x768xf32, #tpu.memory_space<vmem>>, vector<1x16xf32>,
      %get3A_761 = arith.index_cast %scan3A_18 : i32 to index
      %get3A_762 = arith.constant 736 : index
      %get3A_763 = tpu.vector_load %arg10[%get3A_761, %get3A_762] {strides = array<i32>} : memref<64x768xf32, #tpu.memory_space<vmem>>, vector<1x16xf32>,
      %get3A_764 = vector.shape_cast %get3A_763 : vector<1x16xf32> to vector<16xf32>
      %mul3A_765 = arith.mulf %get3A_21, %get3A_764 : vector<16xf32>
      %get3A_766 = arith.index_cast %scan3A_18 : i32 to index
      %get3A_767 = arith.constant 736 : index
      %get3A_768 = tpu.vector_load %arg11[%get3A_766, %get3A_767] {strides = array<i32>} : memref<64x768xf32, #tpu.memory_space<vmem>>, vector<1x16xf32>,
      %get3A_769 = vector.shape_cast %get3A_768 : vector<1x16xf32> to vector<16xf32>
      %mul3A_770 = arith.mulf %get3A_25, %get3A_769 : vector<16xf32>
      %add3A_771 = arith.addf %mul3A_765, %mul3A_770 : vector<16xf32>
      %swap3A_772 = arith.index_cast %scan3A_18 : i32 to index
      %swap3A_773 = arith.constant 736 : index
      %swap3A_774 = tpu.vector_load %arg10[%swap3A_772, %swap3A_773] {strides = array<i32>} : memref<64x768xf32, #tpu.memory_space<vmem>>, vector<1x16xf32>,
      %swap3A_775 = vector.shape_cast %swap3A_774 : vector<1x16xf32> to vector<16xf32>
      %swap3A_776 = vector.shape_cast %add3A_771 : vector<16xf32> to vector<1x16xf32>
      tpu.vector_store %arg10[%swap3A_772, %swap3A_773], %swap3A_776 {strides = array<i32>} : memref<64x768xf32, #tpu.memory_space<vmem>>, vector<1x16xf32>,
      %get3A_777 = arith.index_cast %scan3A_18 : i32 to index
      %get3A_778 = arith.constant 752 : index
      %get3A_779 = tpu.vector_load %arg10[%get3A_777, %get3A_778] {strides = array<i32>} : memref<64x768xf32, #tpu.memory_space<vmem>>, vector<1x16xf32>,
      %get3A_780 = vector.shape_cast %get3A_779 : vector<1x16xf32> to vector<16xf32>
      %mul3A_781 = arith.mulf %get3A_21, %get3A_780 : vector<16xf32>
      %get3A_782 = arith.index_cast %scan3A_18 : i32 to index
      %get3A_783 = arith.constant 752 : index
      %get3A_784 = tpu.vector_load %arg11[%get3A_782, %get3A_783] {strides = array<i32>} : memref<64x768xf32, #tpu.memory_space<vmem>>, vector<1x16xf32>,
      %get3A_785 = vector.shape_cast %get3A_784 : vector<1x16xf32> to vector<16xf32>
      %mul3A_786 = arith.mulf %get3A_25, %get3A_785 : vector<16xf32>
      %add3A_787 = arith.addf %mul3A_781, %mul3A_786 : vector<16xf32>
      %swap3A_788 = arith.index_cast %scan3A_18 : i32 to index
      %swap3A_789 = arith.constant 752 : index
      %swap3A_790 = tpu.vector_load %arg10[%swap3A_788, %swap3A_789] {strides = array<i32>} : memref<64x768xf32, #tpu.memory_space<vmem>>, vector<1x16xf32>,
      %swap3A_791 = vector.shape_cast %swap3A_790 : vector<1x16xf32> to vector<16xf32>
      %swap3A_792 = vector.shape_cast %add3A_787 : vector<16xf32> to vector<1x16xf32>
      tpu.vector_store %arg10[%swap3A_788, %swap3A_789], %swap3A_792 {strides = array<i32>} : memref<64x768xf32, #tpu.memory_space<vmem>>, vector<1x16xf32>,
    }
    %scan3A_17 = arith.constant 64 : i32
    "tpu.region"() ({
      %run_scoped3A = tpu.sem_alloc : memref<!tpu.dma_semaphore, #tpu.memory_space<semaphore_mem>>
      %dma_start3A_18 = arith.constant 0 : i32
      %dma_start3A_19 = tpu.memref_slice %arg6[%mul3A_2, %dma_start3A_18] : memref<2048x768xf32, #tpu.memory_space<hbm>> -> memref<64x768xf32, #tpu.memory_space<hbm>>
      %dma_start3A_20 = arith.constant 0 : i32
      %dma_start3A_21 = tpu.memref_slice %arg6[%mul3A_2, %dma_start3A_20] : memref<2048x768xf32, #tpu.memory_space<hbm>> -> memref<64x768xf32, #tpu.memory_space<hbm>>
      tpu.enqueue_dma source(%arg10 : memref<64x768xf32, #tpu.memory_space<vmem>>) target(%dma_start3A_21 : memref<64x768xf32, #tpu.memory_space<hbm>>) target_semaphore(%run_scoped3A : memref<!tpu.dma_semaphore, #tpu.memory_space<semaphore_mem>>)
      %dma_wait3A_22 = arith.constant 0 : i32
      %dma_wait3A_23 = tpu.memref_slice %arg6[%mul3A_2, %dma_wait3A_22] : memref<2048x768xf32, #tpu.memory_space<hbm>> -> memref<64x768xf32, #tpu.memory_space<hbm>>
      %dma_wait3A_24 = arith.constant 0 : i32
      %dma_wait3A_25 = tpu.memref_slice %arg6[%mul3A_2, %dma_wait3A_24] : memref<2048x768xf32, #tpu.memory_space<hbm>> -> memref<64x768xf32, #tpu.memory_space<hbm>>
      tpu.wait_dma2 semaphore(%run_scoped3A : memref<!tpu.dma_semaphore, #tpu.memory_space<semaphore_mem>>) src(%arg10 : memref<64x768xf32, #tpu.memory_space<vmem>>) dst(%dma_wait3A_25 : memref<64x768xf32, #tpu.memory_space<hbm>>)
      tpu.yield
    }) : () -> ()
    return
  }
}

module attributes {stable_mosaic.version = 14 : i64} {
  func.func @_ffn_body(%arg0: i32, %arg1: memref<24xi32, #tpu.memory_space<smem>>, %arg2: memref<1xi32, #tpu.memory_space<smem>>, %arg3: memref<256x768xf32, #tpu.memory_space<vmem>>, %arg4: memref<1x3072x768xf32, #tpu.memory_space<vmem>>, %arg5: memref<1x3072x3072xf32, #tpu.memory_space<vmem>>, %arg6: memref<1x768x3072xf32, #tpu.memory_space<vmem>>, %arg7: memref<1x1x3072xf32, #tpu.memory_space<vmem>>, %arg8: memref<1x1x3072xf32, #tpu.memory_space<vmem>>, %arg9: memref<256x768xf32, #tpu.memory_space<vmem>>) attributes {dimension_semantics = [#tpu.dimension_semantics<arbitrary>], iteration_bounds = array<i64: 24>, scalar_prefetch = 2 : i64, scratch_operands = 0 : i64, tpu.core_type = #tpu.core_type<tc>, window_params = [{transform_indices = @transform_0, window_bounds = array<i64: 256, 768>}, {pipeline_mode = #tpu.pipeline_mode<synchronous>, transform_indices = @transform_1, window_bounds = array<i64: 1, 3072, 768>}, {pipeline_mode = #tpu.pipeline_mode<synchronous>, transform_indices = @transform_2, window_bounds = array<i64: 1, 3072, 3072>}, {pipeline_mode = #tpu.pipeline_mode<synchronous>, transform_indices = @transform_3, window_bounds = array<i64: 1, 768, 3072>}, {transform_indices = @transform_4, window_bounds = array<i64: 1, 1, 3072>}, {transform_indices = @transform_5, window_bounds = array<i64: 1, 1, 3072>}, {transform_indices = @transform_6, window_bounds = array<i64: 256, 768>}]} {
    %get3A = arith.constant 0 : index
    %get3A_0 = memref.load %arg2[%get3A] : memref<1xi32, #tpu.memory_space<smem>>
    %lt3A = arith.cmpi slt, %arg0, %get3A_0 : i32
    %convert_element_type3A = arith.extui %lt3A : i1 to i32
    %cond3A = arith.constant 0 : i32
    %cond3A_1 = arith.cmpi ne, %convert_element_type3A, %cond3A : i32
    scf.if %cond3A_1 {
      %get3A_2 = arith.constant 0 : index
      %get3A_3 = arith.constant 0 : index
      %get3A_4 = vector.load %arg3[%get3A_2, %get3A_3] : memref<256x768xf32, #tpu.memory_space<vmem>>, vector<256x768xf32>
      %get3A_5 = arith.constant 0 : index
      %get3A_6 = arith.constant 0 : index
      %get3A_7 = arith.constant 0 : index
      %get3A_8 = vector.load %arg4[%get3A_5, %get3A_6, %get3A_7] : memref<1x3072x768xf32, #tpu.memory_space<vmem>>, vector<1x3072x768xf32>
      %get3A_9 = vector.shape_cast %get3A_8 : vector<1x3072x768xf32> to vector<3072x768xf32>
      %dot_general3A = arith.constant dense<0.000000e+00> : vector<256x3072xf32>
      %dot_general3A_10 = tpu.matmul %get3A_4, %get3A_9, %dot_general3A {dimension_numbers = #tpu.dot_dimension_numbers<[1], [1], [0], [0], [0, 0, 1, 0], [], []>, transpose_lhs_hint = false} : vector<256x768xf32>, vector<3072x768xf32>, vector<256x3072xf32> -> vector<256x3072xf32>
      %mul3A = arith.constant 5.000000e-01 : f32
      %mul3A_11 = vector.broadcast %mul3A : f32 to vector<256x3072xf32>
      %mul3A_12 = arith.mulf %mul3A_11, %dot_general3A_10 : vector<256x3072xf32>
      %div3A = arith.constant 1.41421354 : f32
      %div3A_13 = vector.broadcast %div3A : f32 to vector<256x3072xf32>
      %div3A_14 = arith.divf %dot_general3A_10, %div3A_13 : vector<256x3072xf32>
      %erf3A = math.erf %div3A_14 : vector<256x3072xf32>
      %add3A = arith.constant 1.000000e+00 : f32
      %add3A_15 = vector.broadcast %add3A : f32 to vector<256x3072xf32>
      %add3A_16 = arith.addf %add3A_15, %erf3A : vector<256x3072xf32>
      %mul3A_17 = arith.mulf %mul3A_12, %add3A_16 : vector<256x3072xf32>
      %get3A_18 = arith.constant 0 : index
      %get3A_19 = arith.constant 0 : index
      %get3A_20 = arith.constant 0 : index
      %get3A_21 = vector.load %arg7[%get3A_18, %get3A_19, %get3A_20] : memref<1x1x3072xf32, #tpu.memory_space<vmem>>, vector<1x1x3072xf32>
      %get3A_22 = vector.shape_cast %get3A_21 : vector<1x1x3072xf32> to vector<3072xf32>
      %mul3A_23 = arith.mulf %mul3A_17, %mul3A_17 : vector<256x3072xf32>
      %reduce_sum3A = arith.constant dense<0.000000e+00> : vector<256xf32>
      %reduce_sum3A_24 = vector.multi_reduction <add>, %mul3A_23, %reduce_sum3A [1] : vector<256x3072xf32> to vector<256xf32>
      %broadcast_in_dim3A = vector.shape_cast %reduce_sum3A_24 : vector<256xf32> to vector<256x1xf32>
      %div3A_25 = arith.constant 3.072000e+03 : f32
      %div3A_26 = vector.broadcast %div3A_25 : f32 to vector<256x1xf32>
      %div3A_27 = arith.divf %broadcast_in_dim3A, %div3A_26 : vector<256x1xf32>
      %add3A_28 = arith.constant 9.99999997E-7 : f32
      %add3A_29 = vector.broadcast %add3A_28 : f32 to vector<256x1xf32>
      %add3A_30 = arith.addf %div3A_27, %add3A_29 : vector<256x1xf32>
      %rsqrt3A = math.rsqrt %add3A_30 : vector<256x1xf32>
      %mul3A_31 = vector.broadcast %rsqrt3A : vector<256x1xf32> to vector<256x3072xf32>
      %mul3A_32 = arith.mulf %mul3A_17, %mul3A_31 : vector<256x3072xf32>
      %broadcast_in_dim3A_33 = vector.shape_cast %get3A_22 : vector<3072xf32> to vector<1x3072xf32>
      %mul3A_34 = vector.broadcast %broadcast_in_dim3A_33 : vector<1x3072xf32> to vector<256x3072xf32>
      %mul3A_35 = arith.mulf %mul3A_32, %mul3A_34 : vector<256x3072xf32>
      %get3A_36 = arith.constant 0 : index
      %get3A_37 = arith.constant 0 : index
      %get3A_38 = arith.constant 0 : index
      %get3A_39 = vector.load %arg5[%get3A_36, %get3A_37, %get3A_38] : memref<1x3072x3072xf32, #tpu.memory_space<vmem>>, vector<1x3072x3072xf32>
      %get3A_40 = vector.shape_cast %get3A_39 : vector<1x3072x3072xf32> to vector<3072x3072xf32>
      %dot_general3A_41 = arith.constant dense<0.000000e+00> : vector<256x3072xf32>
      %dot_general3A_42 = tpu.matmul %mul3A_35, %get3A_40, %dot_general3A_41 {dimension_numbers = #tpu.dot_dimension_numbers<[1], [1], [0], [0], [0, 0, 1, 0], [], []>, transpose_lhs_hint = false} : vector<256x3072xf32>, vector<3072x3072xf32>, vector<256x3072xf32> -> vector<256x3072xf32>
      %mul3A_43 = arith.constant 5.000000e-01 : f32
      %mul3A_44 = vector.broadcast %mul3A_43 : f32 to vector<256x3072xf32>
      %mul3A_45 = arith.mulf %mul3A_44, %dot_general3A_42 : vector<256x3072xf32>
      %div3A_46 = arith.constant 1.41421354 : f32
      %div3A_47 = vector.broadcast %div3A_46 : f32 to vector<256x3072xf32>
      %div3A_48 = arith.divf %dot_general3A_42, %div3A_47 : vector<256x3072xf32>
      %erf3A_49 = math.erf %div3A_48 : vector<256x3072xf32>
      %add3A_50 = arith.constant 1.000000e+00 : f32
      %add3A_51 = vector.broadcast %add3A_50 : f32 to vector<256x3072xf32>
      %add3A_52 = arith.addf %add3A_51, %erf3A_49 : vector<256x3072xf32>
      %mul3A_53 = arith.mulf %mul3A_45, %add3A_52 : vector<256x3072xf32>
      %get3A_54 = arith.constant 0 : index
      %get3A_55 = arith.constant 0 : index
      %get3A_56 = arith.constant 0 : index
      %get3A_57 = vector.load %arg8[%get3A_54, %get3A_55, %get3A_56] : memref<1x1x3072xf32, #tpu.memory_space<vmem>>, vector<1x1x3072xf32>
      %get3A_58 = vector.shape_cast %get3A_57 : vector<1x1x3072xf32> to vector<3072xf32>
      %mul3A_59 = arith.mulf %mul3A_53, %mul3A_53 : vector<256x3072xf32>
      %reduce_sum3A_60 = arith.constant dense<0.000000e+00> : vector<256xf32>
      %reduce_sum3A_61 = vector.multi_reduction <add>, %mul3A_59, %reduce_sum3A_60 [1] : vector<256x3072xf32> to vector<256xf32>
      %broadcast_in_dim3A_62 = vector.shape_cast %reduce_sum3A_61 : vector<256xf32> to vector<256x1xf32>
      %div3A_63 = arith.constant 3.072000e+03 : f32
      %div3A_64 = vector.broadcast %div3A_63 : f32 to vector<256x1xf32>
      %div3A_65 = arith.divf %broadcast_in_dim3A_62, %div3A_64 : vector<256x1xf32>
      %add3A_66 = arith.constant 9.99999997E-7 : f32
      %add3A_67 = vector.broadcast %add3A_66 : f32 to vector<256x1xf32>
      %add3A_68 = arith.addf %div3A_65, %add3A_67 : vector<256x1xf32>
      %rsqrt3A_69 = math.rsqrt %add3A_68 : vector<256x1xf32>
      %mul3A_70 = vector.broadcast %rsqrt3A_69 : vector<256x1xf32> to vector<256x3072xf32>
      %mul3A_71 = arith.mulf %mul3A_53, %mul3A_70 : vector<256x3072xf32>
      %broadcast_in_dim3A_72 = vector.shape_cast %get3A_58 : vector<3072xf32> to vector<1x3072xf32>
      %mul3A_73 = vector.broadcast %broadcast_in_dim3A_72 : vector<1x3072xf32> to vector<256x3072xf32>
      %mul3A_74 = arith.mulf %mul3A_71, %mul3A_73 : vector<256x3072xf32>
      %add3A_75 = arith.addf %mul3A_35, %mul3A_74 : vector<256x3072xf32>
      %get3A_76 = arith.constant 0 : index
      %get3A_77 = arith.constant 0 : index
      %get3A_78 = arith.constant 0 : index
      %get3A_79 = vector.load %arg6[%get3A_76, %get3A_77, %get3A_78] : memref<1x768x3072xf32, #tpu.memory_space<vmem>>, vector<1x768x3072xf32>
      %get3A_80 = vector.shape_cast %get3A_79 : vector<1x768x3072xf32> to vector<768x3072xf32>
      %dot_general3A_81 = arith.constant dense<0.000000e+00> : vector<256x768xf32>
      %dot_general3A_82 = tpu.matmul %add3A_75, %get3A_80, %dot_general3A_81 {dimension_numbers = #tpu.dot_dimension_numbers<[1], [1], [0], [0], [0, 0, 1, 0], [], []>, transpose_lhs_hint = false} : vector<256x3072xf32>, vector<768x3072xf32>, vector<256x768xf32> -> vector<256x768xf32>
      %swap3A = arith.constant 0 : index
      %swap3A_83 = arith.constant 0 : index
      %swap3A_84 = vector.load %arg9[%swap3A, %swap3A_83] : memref<256x768xf32, #tpu.memory_space<vmem>>, vector<256x768xf32>
      tpu.vector_store %arg9[%swap3A, %swap3A_83], %dot_general3A_82 {strides = array<i32>} : memref<256x768xf32, #tpu.memory_space<vmem>>, vector<256x768xf32>,
    } else {
    }
    return
  }
  func.func @transform_0(%arg0: i32, %arg1: memref<24xi32, #tpu.memory_space<smem>>, %arg2: memref<1xi32, #tpu.memory_space<smem>>) -> (i32, i32) {
    %c0_i32 = arith.constant 0 : i32
    %c0_i32_0 = arith.constant 0 : i32
    return %arg0, %c0_i32 : i32, i32
  }
  func.func @transform_1(%arg0: i32, %arg1: memref<24xi32, #tpu.memory_space<smem>>, %arg2: memref<1xi32, #tpu.memory_space<smem>>) -> (i32, i32, i32) {
    %get3A = arith.index_cast %arg0 : i32 to index
    %get3A_0 = memref.load %arg1[%get3A] : memref<24xi32, #tpu.memory_space<smem>>
    %c0_i32 = arith.constant 0 : i32
    %c0_i32_1 = arith.constant 0 : i32
    %c0_i32_2 = arith.constant 0 : i32
    return %get3A_0, %c0_i32, %c0_i32_1 : i32, i32, i32
  }
  func.func @transform_2(%arg0: i32, %arg1: memref<24xi32, #tpu.memory_space<smem>>, %arg2: memref<1xi32, #tpu.memory_space<smem>>) -> (i32, i32, i32) {
    %get3A = arith.index_cast %arg0 : i32 to index
    %get3A_0 = memref.load %arg1[%get3A] : memref<24xi32, #tpu.memory_space<smem>>
    %c0_i32 = arith.constant 0 : i32
    %c0_i32_1 = arith.constant 0 : i32
    %c0_i32_2 = arith.constant 0 : i32
    return %get3A_0, %c0_i32, %c0_i32_1 : i32, i32, i32
  }
  func.func @transform_3(%arg0: i32, %arg1: memref<24xi32, #tpu.memory_space<smem>>, %arg2: memref<1xi32, #tpu.memory_space<smem>>) -> (i32, i32, i32) {
    %get3A = arith.index_cast %arg0 : i32 to index
    %get3A_0 = memref.load %arg1[%get3A] : memref<24xi32, #tpu.memory_space<smem>>
    %c0_i32 = arith.constant 0 : i32
    %c0_i32_1 = arith.constant 0 : i32
    %c0_i32_2 = arith.constant 0 : i32
    return %get3A_0, %c0_i32, %c0_i32_1 : i32, i32, i32
  }
  func.func @transform_4(%arg0: i32, %arg1: memref<24xi32, #tpu.memory_space<smem>>, %arg2: memref<1xi32, #tpu.memory_space<smem>>) -> (i32, i32, i32) {
    %get3A = arith.index_cast %arg0 : i32 to index
    %get3A_0 = memref.load %arg1[%get3A] : memref<24xi32, #tpu.memory_space<smem>>
    %c0_i32 = arith.constant 0 : i32
    %c0_i32_1 = arith.constant 0 : i32
    %c0_i32_2 = arith.constant 0 : i32
    return %get3A_0, %c0_i32, %c0_i32_1 : i32, i32, i32
  }
  func.func @transform_5(%arg0: i32, %arg1: memref<24xi32, #tpu.memory_space<smem>>, %arg2: memref<1xi32, #tpu.memory_space<smem>>) -> (i32, i32, i32) {
    %get3A = arith.index_cast %arg0 : i32 to index
    %get3A_0 = memref.load %arg1[%get3A] : memref<24xi32, #tpu.memory_space<smem>>
    %c0_i32 = arith.constant 0 : i32
    %c0_i32_1 = arith.constant 0 : i32
    %c0_i32_2 = arith.constant 0 : i32
    return %get3A_0, %c0_i32, %c0_i32_1 : i32, i32, i32
  }
  func.func @transform_6(%arg0: i32, %arg1: memref<24xi32, #tpu.memory_space<smem>>, %arg2: memref<1xi32, #tpu.memory_space<smem>>) -> (i32, i32) {
    %c0_i32 = arith.constant 0 : i32
    %c0_i32_0 = arith.constant 0 : i32
    return %arg0, %c0_i32 : i32, i32
  }
}

module attributes {stable_mosaic.version = 14 : i64} {
  func.func @_router_body(%arg0: memref<2048x768xf32, #tpu.memory_space<vmem>>, %arg1: memref<8x768xf32, #tpu.memory_space<vmem>>, %arg2: memref<2048x2xi32, #tpu.memory_space<vmem>>, %arg3: memref<2048x32xf32, #tpu.memory_space<vmem>>, %arg4: memref<1x128xi32, #tpu.memory_space<vmem>>) attributes {dimension_semantics = [], scalar_prefetch = 0 : i64, scratch_operands = 0 : i64, tpu.core_type = #tpu.core_type<tc>} {
    %get3A = arith.constant 0 : index
    %get3A_0 = arith.constant 0 : index
    %get3A_1 = vector.load %arg0[%get3A, %get3A_0] : memref<2048x768xf32, #tpu.memory_space<vmem>>, vector<2048x768xf32>
    %get3A_2 = arith.constant 0 : index
    %get3A_3 = arith.constant 0 : index
    %get3A_4 = vector.load %arg1[%get3A_2, %get3A_3] : memref<8x768xf32, #tpu.memory_space<vmem>>, vector<8x768xf32>
    %convert_element_type3A = arith.truncf %get3A_1 : vector<2048x768xf32> to vector<2048x768xbf16>
    %convert_element_type3A_5 = arith.truncf %get3A_4 : vector<8x768xf32> to vector<8x768xbf16>
    %dot_general3A = arith.constant dense<0.000000e+00> : vector<2048x8xf32>
    %dot_general3A_6 = tpu.matmul %convert_element_type3A, %convert_element_type3A_5, %dot_general3A {dimension_numbers = #tpu.dot_dimension_numbers<[1], [1], [0], [0], [0, 0, 1, 0], [], []>, transpose_lhs_hint = false} : vector<2048x768xbf16>, vector<8x768xbf16>, vector<2048x8xf32> -> vector<2048x8xf32>
    %iota3A = tpu.iota {dimensions = array<i32: 1>} : vector<2048x8xi32>
    %reduce_max3A = arith.constant dense<0xFF800000> : vector<2048xf32>
    %reduce_max3A_7 = vector.multi_reduction <maximumf>, %dot_general3A_6, %reduce_max3A [1] : vector<2048x8xf32> to vector<2048xf32>
    %broadcast_in_dim3A = vector.shape_cast %reduce_max3A_7 : vector<2048xf32> to vector<2048x1xf32>
    %ge3A = vector.broadcast %broadcast_in_dim3A : vector<2048x1xf32> to vector<2048x8xf32>
    %ge3A_8 = arith.cmpf oge, %dot_general3A_6, %ge3A : vector<2048x8xf32>
    %jit3A = arith.constant 8 : i32
    %broadcast_in_dim3A_9 = vector.broadcast %jit3A : i32 to vector<2048x8xi32>
    %select_n3A = arith.select %ge3A_8, %iota3A, %broadcast_in_dim3A_9 : vector<2048x8xi1>, vector<2048x8xi32>
    %reduce_min3A = arith.constant dense<2147483647> : vector<2048xi32>
    %reduce_min3A_10 = vector.multi_reduction <minsi>, %select_n3A, %reduce_min3A [1] : vector<2048x8xi32> to vector<2048xi32>
    %broadcast_in_dim3A_11 = vector.shape_cast %reduce_min3A_10 : vector<2048xi32> to vector<2048x1xi32>
    %eq3A = vector.broadcast %broadcast_in_dim3A_11 : vector<2048x1xi32> to vector<2048x8xi32>
    %eq3A_12 = arith.cmpi eq, %iota3A, %eq3A : vector<2048x8xi32>
    %jit3A_13 = arith.constant 0xFF800000 : f32
    %broadcast_in_dim3A_14 = vector.broadcast %jit3A_13 : f32 to vector<2048x8xf32>
    %select_n3A_15 = arith.select %eq3A_12, %broadcast_in_dim3A_14, %dot_general3A_6 : vector<2048x8xi1>, vector<2048x8xf32>
    %reduce_max3A_16 = arith.constant dense<0xFF800000> : vector<2048xf32>
    %reduce_max3A_17 = vector.multi_reduction <maximumf>, %select_n3A_15, %reduce_max3A_16 [1] : vector<2048x8xf32> to vector<2048xf32>
    %broadcast_in_dim3A_18 = vector.shape_cast %reduce_max3A_17 : vector<2048xf32> to vector<2048x1xf32>
    %ge3A_19 = vector.broadcast %broadcast_in_dim3A_18 : vector<2048x1xf32> to vector<2048x8xf32>
    %ge3A_20 = arith.cmpf oge, %select_n3A_15, %ge3A_19 : vector<2048x8xf32>
    %jit3A_21 = arith.constant 8 : i32
    %broadcast_in_dim3A_22 = vector.broadcast %jit3A_21 : i32 to vector<2048x8xi32>
    %select_n3A_23 = arith.select %ge3A_20, %iota3A, %broadcast_in_dim3A_22 : vector<2048x8xi1>, vector<2048x8xi32>
    %reduce_min3A_24 = arith.constant dense<2147483647> : vector<2048xi32>
    %reduce_min3A_25 = vector.multi_reduction <minsi>, %select_n3A_23, %reduce_min3A_24 [1] : vector<2048x8xi32> to vector<2048xi32>
    %broadcast_in_dim3A_26 = vector.shape_cast %reduce_min3A_25 : vector<2048xi32> to vector<2048x1xi32>
    %sub3A = arith.subf %broadcast_in_dim3A_18, %broadcast_in_dim3A : vector<2048x1xf32>
    %exp3A = math.exp %sub3A : vector<2048x1xf32>
    %add3A = arith.constant 1.000000e+00 : f32
    %add3A_27 = vector.broadcast %add3A : f32 to vector<2048x1xf32>
    %add3A_28 = arith.addf %add3A_27, %exp3A : vector<2048x1xf32>
    %div3A = arith.constant 1.000000e+00 : f32
    %div3A_29 = vector.broadcast %div3A : f32 to vector<2048x1xf32>
    %div3A_30 = arith.divf %div3A_29, %add3A_28 : vector<2048x1xf32>
    %add3A_31 = arith.constant 1.000000e+00 : f32
    %add3A_32 = vector.broadcast %add3A_31 : f32 to vector<2048x1xf32>
    %add3A_33 = arith.addf %add3A_32, %exp3A : vector<2048x1xf32>
    %div3A_34 = arith.divf %exp3A, %add3A_33 : vector<2048x1xf32>
    %broadcast_in_dim3A_35 = vector.shape_cast %div3A_30 : vector<2048x1xf32> to vector<2048x1xf32>
    %broadcast_in_dim3A_36 = vector.broadcast %broadcast_in_dim3A_35 : vector<2048x1xf32> to vector<2048x16xf32>
    %broadcast_in_dim3A_37 = vector.shape_cast %div3A_34 : vector<2048x1xf32> to vector<2048x1xf32>
    %broadcast_in_dim3A_38 = vector.broadcast %broadcast_in_dim3A_37 : vector<2048x1xf32> to vector<2048x16xf32>
    %concatenate3A = tpu.concatenate %broadcast_in_dim3A_36, %broadcast_in_dim3A_38 in 1 : vector<2048x16xf32>, vector<2048x16xf32> -> vector<2048x32xf32>
    %swap3A = arith.constant 0 : index
    %swap3A_39 = arith.constant 0 : index
    %swap3A_40 = vector.load %arg3[%swap3A, %swap3A_39] : memref<2048x32xf32, #tpu.memory_space<vmem>>, vector<2048x32xf32>
    tpu.vector_store %arg3[%swap3A, %swap3A_39], %concatenate3A {strides = array<i32>} : memref<2048x32xf32, #tpu.memory_space<vmem>>, vector<2048x32xf32>,
    %eq3A_41 = vector.broadcast %broadcast_in_dim3A_11 : vector<2048x1xi32> to vector<2048x8xi32>
    %eq3A_42 = arith.cmpi eq, %iota3A, %eq3A_41 : vector<2048x8xi32>
    %convert_element_type3A_43 = arith.extui %eq3A_42 : vector<2048x8xi1> to vector<2048x8xi32>
    %convert_element_type3A_44 = arith.sitofp %convert_element_type3A_43 : vector<2048x8xi32> to vector<2048x8xf32>
    %eq3A_45 = vector.broadcast %broadcast_in_dim3A_26 : vector<2048x1xi32> to vector<2048x8xi32>
    %eq3A_46 = arith.cmpi eq, %iota3A, %eq3A_45 : vector<2048x8xi32>
    %convert_element_type3A_47 = arith.extui %eq3A_46 : vector<2048x8xi1> to vector<2048x8xi32>
    %convert_element_type3A_48 = arith.sitofp %convert_element_type3A_47 : vector<2048x8xi32> to vector<2048x8xf32>
    %add3A_49 = arith.addf %convert_element_type3A_44, %convert_element_type3A_48 : vector<2048x8xf32>
    %iota3A_50 = tpu.iota {dimensions = array<i32: 0>} : vector<2048x2048xi32>
    %iota3A_51 = tpu.iota {dimensions = array<i32: 1>} : vector<2048x2048xi32>
    %ge3A_52 = arith.cmpi sge, %iota3A_50, %iota3A_51 : vector<2048x2048xi32>
    %convert_element_type3A_53 = arith.extui %ge3A_52 : vector<2048x2048xi1> to vector<2048x2048xi32>
    %convert_element_type3A_54 = arith.sitofp %convert_element_type3A_53 : vector<2048x2048xi32> to vector<2048x2048xf32>
    %dot_general3A_55 = arith.constant dense<0.000000e+00> : vector<2048x8xf32>
    %dot_general3A_56 = tpu.matmul %convert_element_type3A_54, %add3A_49, %dot_general3A_55 {dimension_numbers = #tpu.dot_dimension_numbers<[1], [0], [0], [1], [0, 0, 1, 1], [], []>, transpose_lhs_hint = false} : vector<2048x2048xf32>, vector<2048x8xf32>, vector<2048x8xf32> -> vector<2048x8xf32>
    %sub3A_57 = arith.subf %dot_general3A_56, %add3A_49 : vector<2048x8xf32>
    %reduce_sum3A = arith.constant dense<0.000000e+00> : vector<8xf32>
    %reduce_sum3A_58 = vector.multi_reduction <add>, %add3A_49, %reduce_sum3A [0] : vector<2048x8xf32> to vector<8xf32>
    %broadcast_in_dim3A_59 = vector.shape_cast %reduce_sum3A_58 : vector<8xf32> to vector<1x8xf32>
    %div3A_60 = arith.constant 2.560000e+02 : f32
    %div3A_61 = vector.broadcast %div3A_60 : f32 to vector<1x8xf32>
    %div3A_62 = arith.divf %broadcast_in_dim3A_59, %div3A_61 : vector<1x8xf32>
    %ceil3A = math.ceil %div3A_62 : vector<1x8xf32>
    %mul3A = arith.constant 2.560000e+02 : f32
    %mul3A_63 = vector.broadcast %mul3A : f32 to vector<1x8xf32>
    %mul3A_64 = arith.mulf %ceil3A, %mul3A_63 : vector<1x8xf32>
    %iota3A_65 = tpu.iota {dimensions = array<i32: 0>} : vector<8x8xi32>
    %iota3A_66 = tpu.iota {dimensions = array<i32: 1>} : vector<8x8xi32>
    %lt3A = arith.cmpi slt, %iota3A_65, %iota3A_66 : vector<8x8xi32>
    %convert_element_type3A_67 = arith.extui %lt3A : vector<8x8xi1> to vector<8x8xi32>
    %convert_element_type3A_68 = arith.sitofp %convert_element_type3A_67 : vector<8x8xi32> to vector<8x8xf32>
    %dot_general3A_69 = arith.constant dense<0.000000e+00> : vector<1x8xf32>
    %dot_general3A_70 = tpu.matmul %mul3A_64, %convert_element_type3A_68, %dot_general3A_69 {dimension_numbers = #tpu.dot_dimension_numbers<[1], [0], [0], [1], [0, 0, 1, 1], [], []>, transpose_lhs_hint = false} : vector<1x8xf32>, vector<8x8xf32>, vector<1x8xf32> -> vector<1x8xf32>
    %add3A_71 = vector.broadcast %dot_general3A_70 : vector<1x8xf32> to vector<2048x8xf32>
    %add3A_72 = arith.addf %sub3A_57, %add3A_71 : vector<2048x8xf32>
    %mul3A_73 = arith.mulf %convert_element_type3A_44, %add3A_72 : vector<2048x8xf32>
    %reduce_sum3A_74 = arith.constant dense<0.000000e+00> : vector<2048xf32>
    %reduce_sum3A_75 = vector.multi_reduction <add>, %mul3A_73, %reduce_sum3A_74 [1] : vector<2048x8xf32> to vector<2048xf32>
    %broadcast_in_dim3A_76 = vector.shape_cast %reduce_sum3A_75 : vector<2048xf32> to vector<2048x1xf32>
    %add3A_77 = arith.addf %add3A_72, %convert_element_type3A_44 : vector<2048x8xf32>
    %mul3A_78 = arith.mulf %convert_element_type3A_48, %add3A_77 : vector<2048x8xf32>
    %reduce_sum3A_79 = arith.constant dense<0.000000e+00> : vector<2048xf32>
    %reduce_sum3A_80 = vector.multi_reduction <add>, %mul3A_78, %reduce_sum3A_79 [1] : vector<2048x8xf32> to vector<2048xf32>
    %broadcast_in_dim3A_81 = vector.shape_cast %reduce_sum3A_80 : vector<2048xf32> to vector<2048x1xf32>
    %concatenate3A_82 = tpu.concatenate %broadcast_in_dim3A_76, %broadcast_in_dim3A_81 in 1 : vector<2048x1xf32>, vector<2048x1xf32> -> vector<2048x2xf32>
    %convert_element_type3A_83 = arith.fptosi %concatenate3A_82 : vector<2048x2xf32> to vector<2048x2xi32>
    %swap3A_84 = arith.constant 0 : index
    %swap3A_85 = arith.constant 0 : index
    %swap3A_86 = vector.load %arg2[%swap3A_84, %swap3A_85] : memref<2048x2xi32, #tpu.memory_space<vmem>>, vector<2048x2xi32>
    tpu.vector_store %arg2[%swap3A_84, %swap3A_85], %convert_element_type3A_83 {strides = array<i32>} : memref<2048x2xi32, #tpu.memory_space<vmem>>, vector<2048x2xi32>,
    %iota3A_87 = tpu.iota {dimensions = array<i32: 1>} : vector<1x128xi32>
    %convert_element_type3A_88 = arith.sitofp %iota3A_87 : vector<1x128xi32> to vector<1x128xf32>
    %mul3A_89 = arith.constant 2.560000e+02 : f32
    %mul3A_90 = vector.broadcast %mul3A_89 : f32 to vector<1x128xf32>
    %mul3A_91 = arith.mulf %convert_element_type3A_88, %mul3A_90 : vector<1x128xf32>
    %broadcast_in_dim3A_92 = arith.constant 0.000000e+00 : f32
    %broadcast_in_dim3A_93 = vector.broadcast %broadcast_in_dim3A_92 : f32 to vector<1x128xf32>
    %slice3A = vector.extract_strided_slice %dot_general3A_70 {offsets = [0, 0], sizes = [1, 1], strides = [1, 1]} : vector<1x8xf32> to vector<1x1xf32>
    %ge3A_94 = vector.broadcast %slice3A : vector<1x1xf32> to vector<1x128xf32>
    %ge3A_95 = arith.cmpf oge, %mul3A_91, %ge3A_94 : vector<1x128xf32>
    %convert_element_type3A_96 = arith.extui %ge3A_95 : vector<1x128xi1> to vector<1x128xi32>
    %convert_element_type3A_97 = arith.sitofp %convert_element_type3A_96 : vector<1x128xi32> to vector<1x128xf32>
    %add3A_98 = arith.addf %broadcast_in_dim3A_93, %convert_element_type3A_97 : vector<1x128xf32>
    %slice3A_99 = vector.extract_strided_slice %dot_general3A_70 {offsets = [0, 1], sizes = [1, 1], strides = [1, 1]} : vector<1x8xf32> to vector<1x1xf32>
    %ge3A_100 = vector.broadcast %slice3A_99 : vector<1x1xf32> to vector<1x128xf32>
    %ge3A_101 = arith.cmpf oge, %mul3A_91, %ge3A_100 : vector<1x128xf32>
    %convert_element_type3A_102 = arith.extui %ge3A_101 : vector<1x128xi1> to vector<1x128xi32>
    %convert_element_type3A_103 = arith.sitofp %convert_element_type3A_102 : vector<1x128xi32> to vector<1x128xf32>
    %add3A_104 = arith.addf %add3A_98, %convert_element_type3A_103 : vector<1x128xf32>
    %slice3A_105 = vector.extract_strided_slice %dot_general3A_70 {offsets = [0, 2], sizes = [1, 1], strides = [1, 1]} : vector<1x8xf32> to vector<1x1xf32>
    %ge3A_106 = vector.broadcast %slice3A_105 : vector<1x1xf32> to vector<1x128xf32>
    %ge3A_107 = arith.cmpf oge, %mul3A_91, %ge3A_106 : vector<1x128xf32>
    %convert_element_type3A_108 = arith.extui %ge3A_107 : vector<1x128xi1> to vector<1x128xi32>
    %convert_element_type3A_109 = arith.sitofp %convert_element_type3A_108 : vector<1x128xi32> to vector<1x128xf32>
    %add3A_110 = arith.addf %add3A_104, %convert_element_type3A_109 : vector<1x128xf32>
    %slice3A_111 = vector.extract_strided_slice %dot_general3A_70 {offsets = [0, 3], sizes = [1, 1], strides = [1, 1]} : vector<1x8xf32> to vector<1x1xf32>
    %ge3A_112 = vector.broadcast %slice3A_111 : vector<1x1xf32> to vector<1x128xf32>
    %ge3A_113 = arith.cmpf oge, %mul3A_91, %ge3A_112 : vector<1x128xf32>
    %convert_element_type3A_114 = arith.extui %ge3A_113 : vector<1x128xi1> to vector<1x128xi32>
    %convert_element_type3A_115 = arith.sitofp %convert_element_type3A_114 : vector<1x128xi32> to vector<1x128xf32>
    %add3A_116 = arith.addf %add3A_110, %convert_element_type3A_115 : vector<1x128xf32>
    %slice3A_117 = vector.extract_strided_slice %dot_general3A_70 {offsets = [0, 4], sizes = [1, 1], strides = [1, 1]} : vector<1x8xf32> to vector<1x1xf32>
    %ge3A_118 = vector.broadcast %slice3A_117 : vector<1x1xf32> to vector<1x128xf32>
    %ge3A_119 = arith.cmpf oge, %mul3A_91, %ge3A_118 : vector<1x128xf32>
    %convert_element_type3A_120 = arith.extui %ge3A_119 : vector<1x128xi1> to vector<1x128xi32>
    %convert_element_type3A_121 = arith.sitofp %convert_element_type3A_120 : vector<1x128xi32> to vector<1x128xf32>
    %add3A_122 = arith.addf %add3A_116, %convert_element_type3A_121 : vector<1x128xf32>
    %slice3A_123 = vector.extract_strided_slice %dot_general3A_70 {offsets = [0, 5], sizes = [1, 1], strides = [1, 1]} : vector<1x8xf32> to vector<1x1xf32>
    %ge3A_124 = vector.broadcast %slice3A_123 : vector<1x1xf32> to vector<1x128xf32>
    %ge3A_125 = arith.cmpf oge, %mul3A_91, %ge3A_124 : vector<1x128xf32>
    %convert_element_type3A_126 = arith.extui %ge3A_125 : vector<1x128xi1> to vector<1x128xi32>
    %convert_element_type3A_127 = arith.sitofp %convert_element_type3A_126 : vector<1x128xi32> to vector<1x128xf32>
    %add3A_128 = arith.addf %add3A_122, %convert_element_type3A_127 : vector<1x128xf32>
    %slice3A_129 = vector.extract_strided_slice %dot_general3A_70 {offsets = [0, 6], sizes = [1, 1], strides = [1, 1]} : vector<1x8xf32> to vector<1x1xf32>
    %ge3A_130 = vector.broadcast %slice3A_129 : vector<1x1xf32> to vector<1x128xf32>
    %ge3A_131 = arith.cmpf oge, %mul3A_91, %ge3A_130 : vector<1x128xf32>
    %convert_element_type3A_132 = arith.extui %ge3A_131 : vector<1x128xi1> to vector<1x128xi32>
    %convert_element_type3A_133 = arith.sitofp %convert_element_type3A_132 : vector<1x128xi32> to vector<1x128xf32>
    %add3A_134 = arith.addf %add3A_128, %convert_element_type3A_133 : vector<1x128xf32>
    %slice3A_135 = vector.extract_strided_slice %dot_general3A_70 {offsets = [0, 7], sizes = [1, 1], strides = [1, 1]} : vector<1x8xf32> to vector<1x1xf32>
    %ge3A_136 = vector.broadcast %slice3A_135 : vector<1x1xf32> to vector<1x128xf32>
    %ge3A_137 = arith.cmpf oge, %mul3A_91, %ge3A_136 : vector<1x128xf32>
    %convert_element_type3A_138 = arith.extui %ge3A_137 : vector<1x128xi1> to vector<1x128xi32>
    %convert_element_type3A_139 = arith.sitofp %convert_element_type3A_138 : vector<1x128xi32> to vector<1x128xf32>
    %add3A_140 = arith.addf %add3A_134, %convert_element_type3A_139 : vector<1x128xf32>
    %sub3A_141 = arith.constant 1.000000e+00 : f32
    %sub3A_142 = vector.broadcast %sub3A_141 : f32 to vector<1x128xf32>
    %sub3A_143 = arith.subf %add3A_140, %sub3A_142 : vector<1x128xf32>
    %slice3A_144 = vector.extract_strided_slice %dot_general3A_70 {offsets = [0, 7], sizes = [1, 1], strides = [1, 1]} : vector<1x8xf32> to vector<1x1xf32>
    %slice3A_145 = vector.extract_strided_slice %mul3A_64 {offsets = [0, 7], sizes = [1, 1], strides = [1, 1]} : vector<1x8xf32> to vector<1x1xf32>
    %add3A_146 = arith.addf %slice3A_144, %slice3A_145 : vector<1x1xf32>
    %div3A_147 = arith.constant 2.560000e+02 : f32
    %div3A_148 = vector.broadcast %div3A_147 : f32 to vector<1x1xf32>
    %div3A_149 = arith.divf %add3A_146, %div3A_148 : vector<1x1xf32>
    %iota3A_150 = tpu.iota {dimensions = array<i32: 1>} : vector<1x128xi32>
    %eq3A_151 = arith.constant 120 : i32
    %eq3A_152 = vector.broadcast %eq3A_151 : i32 to vector<1x128xi32>
    %eq3A_153 = arith.cmpi eq, %iota3A_150, %eq3A_152 : vector<1x128xi32>
    %broadcast_in_dim3A_154 = vector.shape_cast %div3A_149 : vector<1x1xf32> to vector<1x1xf32>
    %broadcast_in_dim3A_155 = vector.broadcast %broadcast_in_dim3A_154 : vector<1x1xf32> to vector<1x128xf32>
    %select_n3A_156 = arith.select %eq3A_153, %broadcast_in_dim3A_155, %sub3A_143 : vector<1x128xi1>, vector<1x128xf32>
    %convert_element_type3A_157 = arith.fptosi %select_n3A_156 : vector<1x128xf32> to vector<1x128xi32>
    %swap3A_158 = arith.constant 0 : index
    %swap3A_159 = arith.constant 0 : index
    %swap3A_160 = vector.load %arg4[%swap3A_158, %swap3A_159] : memref<1x128xi32, #tpu.memory_space<vmem>>, vector<1x128xi32>
    tpu.vector_store %arg4[%swap3A_158, %swap3A_159], %convert_element_type3A_157 {strides = array<i32>} : memref<1x128xi32, #tpu.memory_space<vmem>>, vector<1x128xi32>,
    return
  }
}

</mosaic_0001>

<sc_bundles>
// kernel: kernel.6.cloned.1.call-start
scs
__scs_entry_jumppad:
0x0: {  	(pc) =	sbr.rel $0x88, $3  }
0x1: {  	(tag) =	ssettag $0x0;
	lr =	simm.s32 $0x1  }
0x2: {  	[smem:$0x3F9A] =	sst lr;
	_ =	strace $0xD0000000  }
0x3: {  	_ = 	snop  }
0x4: {  	_ = 	snop  }
0x5: {  	_ = 	snop  }
0x6: {  	_ = 	snop  }
0x7: {  	_ = 	snop  }
__scs_overlays_trampoline_lowered:
0x8: {  	[smem:$0x3FA9] =	sst s0  }
0x9: {  	[smem:$0x3FAA] =	sst s1  }
0xa: {  	[smem:$0x3FAB] =	sst s2  }
0xb: {  	[smem:$0x3FAC] =	sst s3  }
0xc: {  	[smem:$0x3FAD] =	sst s4  }
0xd: {  	[smem:$0x3FAE] =	sst s5  }
0xe: {  	[smem:$0x3FAF] =	sst s6  }
0xf: {  	[smem:$0x3FB0] =	sst s7  }
0x10: {  	[smem:$0x3FB1] =	sst s8  }
0x11: {  	[smem:$0x3FB2] =	sst s9;
	s0 =	simm.s32 @!p0 $0x0  }
0x12: {  	s1 =	sld [smem:$0x3F98];
	s0 =	simm.s32 @p0 $0x1  }
0x13: {  	[smem:$0x3FB3] =	sst s0;
	s0 =	simm.s32 @!p1 $0x0  }
0x14: {  	s2 =	sld [smem:$0x3F97];
	s0 =	simm.s32 @p1 $0x1  }
0x15: {  	[smem:$0x3FB4] =	sst s0;
	s0 =	simm.s32 @!p2 $0x0  }
0x16: {  	s3 =	sld [smem:$0x3FDB];
	s0 =	simm.s32 @p2 $0x1  }
0x17: {  	s4 =	simm.s32 $0x1BF5;
	[smem:$0x3FB6] =	sst s0  }
0x18: {  	s0 =	sld [smem:$0x3F99];
	_ =	swait.ge [sflag:s4], $0x0  }
0x19: {  	s7 =	sld [smem:$0x3F9A]  }
0x1a: {  	s8 =	sadd.s32 $0xFFFFE003, lr  }
0x1b: {  	s9 =	sadd.s32 $0xFFFFFEF7, lr;
	s5 =	simm.s32 $0xFFFFFFFF;
	p2 =	slt.u32 s8, $0xFFFFF086  }
0x1c: {  	p1 =	slt.u32 s9, $0xF7A;
	s5 =	simm.s32 @!p2 $0x0  }
0x1d: {  	s5 =	simm.s32 @p1 $0x1;
	p0 =	seq.s32 s7, s2  }
0x1e: {  	s7 =	smul.u32 @!p0 $0xF7A, s2;
	p2 =	seq.s32 @!p0 s5, $0x0  }
0x1f: {  	s9 =	smul.u32 $0xF7A, s1;
	s8 =	simm.s32 @!p0 $0x1BF5;
	p2 =	por !p2, p0  }
0x20: {  	[sflag:s8] =	ssyncset.s32 @!p0 $0xFFFFF086;
	s6 =	sadd.s32 @!p0 s3, s7;
	s7 =	simm.s32 @!p0 $0x108  }
0x21: {  	s3 =	sadd.s32 s3, s9;
	s6 =	sadd.s32 @!p0 $0x88, s6;
	s7 =	simm.s32 @p2 $0x1082  }
0x22: {  	[simem:s7], [sflag:s8] =	dma.local @!p0 [hbm:s6], $0xF7A  }
0x23: {  	s9 =	sor.u32 $0xD0000000, s2;
	s6 =	simm.s32 $0x108;
	_ =	swait.ge @!p0 [sflag:s8], $0x0  }
0x24: {  	s3 =	sadd.s32 $0x88, s3;
	s6 =	simm.s32 @!p1 $0x1082;
	[sflag:s4] =	ssyncset.s32 $0xFFFFF086  }
0x25: {  	[simem:s6], [sflag:s4] =	dma.local [hbm:s3], $0xF7A  }
0x26: {  	[smem:$0x3F9A] =	sst s1;
	(tag) =	ssettag s2;
	_ =	strace s9  }
0x27: {  	s1 =	sld [smem:$0x3FAA]  }
0x28: {  	s2 =	sld [smem:$0x3FAB]  }
0x29: {  	s4 =	sld [smem:$0x3FAD]  }
0x2a: {  	p0 =	seq.s32 s5, $0x0;
	s5 =	sld [smem:$0x3FAE]  }
0x2b: {  	s6 =	sld [smem:$0x3FAF]  }
0x2c: {  	s7 =	sld [smem:$0x3FB0]  }
0x2d: {  	s3 =	simm.s32 $0x108;
	s8 =	sld [smem:$0x3FB1]  }
0x2e: {  	s3 =	simm.s32 @!p0 $0x1082;
	s9 =	sld [smem:$0x3FB2]  }
0x2f: {  	lr =	sadd.s32 s0, s3;
	s0 =	sld [smem:$0x3FA9]  }
0x30: {  	s3 =	sld [smem:$0x3FAC]  }
0x31: {  	[smem:$0x3FB5] =	sst s10  }
0x32: {  	s10 =	sld [smem:$0x3FB3];
	_ =	sdelay $0x3  }
0x33: {  	p0 =	seq.s32 s10, $0x1;
	s10 =	sld [smem:$0x3FB5];
	_ =	sdelay $0x3  }
0x34: {  	[smem:$0x3FB5] =	sst s10  }
0x35: {  	s10 =	sld [smem:$0x3FB4];
	_ =	sdelay $0x3  }
0x36: {  	p1 =	seq.s32 s10, $0x1;
	s10 =	sld [smem:$0x3FB5];
	_ =	sdelay $0x3  }
0x37: {  	[smem:$0x3FB5] =	sst s10  }
0x38: {  	s10 =	sld [smem:$0x3FB6]  }
0x39: {  	_ = 	snop;
	(pc) =	sbr.ind lr, $3  }
0x3a: {  	_ = 	snop  }
0x3b: {  	_ = 	snop  }
0x3c: {  	p2 =	seq.s32 s10, $0x1;
	s10 =	sld [smem:$0x3FB5]  }
0x3d: {  	_ =	shalt  }
0x3e: {  	_ =	shalt  }
0x3f: {  	_ =	shalt  }
0x40: {  	_ =	shalt  }
0x41: {  	_ =	shalt  }
0x42: {  	_ =	shalt  }
0x43: {  	_ =	shalt  }
0x44: {  	_ =	shalt  }
0x45: {  	_ =	shalt  }
0x46: {  	_ =	shalt  }
0x47: {  	_ =	shalt  }
0x48: {  	_ =	shalt  }
0x49: {  	_ =	shalt  }
0x4a: {  	_ =	shalt  }
0x4b: {  	_ =	shalt  }
0x4c: {  	_ =	shalt  }
0x4d: {  	_ =	shalt  }
0x4e: {  	_ =	shalt  }
0x4f: {  	_ =	shalt  }
0x50: {  	_ =	shalt  }
0x51: {  	_ =	shalt  }
0x52: {  	_ =	shalt  }
0x53: {  	_ =	shalt  }
0x54: {  	_ =	shalt  }
0x55: {  	_ =	shalt  }
0x56: {  	_ =	shalt  }
0x57: {  	_ =	shalt  }
0x58: {  	_ =	shalt  }
0x59: {  	_ =	shalt  }
0x5a: {  	_ =	shalt  }
0x5b: {  	_ =	shalt  }
0x5c: {  	_ =	shalt  }
0x5d: {  	_ =	shalt  }
0x5e: {  	_ =	shalt  }
0x5f: {  	_ =	shalt  }
0x60: {  	_ =	shalt  }
0x61: {  	_ =	shalt  }
0x62: {  	_ =	shalt  }
0x63: {  	_ =	shalt  }
0x64: {  	_ =	shalt  }
0x65: {  	_ =	shalt  }
0x66: {  	_ =	shalt  }
0x67: {  	_ =	shalt  }
0x68: {  	_ =	shalt  }
0x69: {  	_ =	shalt  }
0x6a: {  	_ =	shalt  }
0x6b: {  	_ =	shalt  }
0x6c: {  	_ =	shalt  }
0x6d: {  	_ =	shalt  }
0x6e: {  	_ =	shalt  }
0x6f: {  	_ =	shalt  }
0x70: {  	_ =	shalt  }
0x71: {  	_ =	shalt  }
0x72: {  	_ =	shalt  }
0x73: {  	_ =	shalt  }
0x74: {  	_ =	shalt  }
0x75: {  	_ =	shalt  }
0x76: {  	_ =	shalt  }
0x77: {  	_ =	shalt  }
0x78: {  	_ =	shalt  }
0x79: {  	_ =	shalt  }
0x7a: {  	_ =	shalt  }
0x7b: {  	_ =	shalt  }
0x7c: {  	_ =	shalt  }
0x7d: {  	_ =	shalt  }
0x7e: {  	_ =	shalt  }
0x7f: {  	_ =	shalt  }
0x80: {  	_ =	shalt  }
0x81: {  	_ =	shalt  }
0x82: {  	_ =	shalt  }
0x83: {  	_ =	shalt  }
0x84: {  	_ =	shalt  }
0x85: {  	_ =	shalt  }
0x86: {  	_ =	shalt  }
0x87: {  	_ =	shalt  }
.Lfunc_end0:
.L_simem_size_0:
called_computation_lowered:
.L_overlay_start_0:
0x88: {  	s2 =	sld [smem:$0x3FD9]  }
0x89: {  	s3 =	sld [smem:$0x3FFE];
	_ =	sdelay $0x1  }
0x8a: {  	s1 =	srdreg.scid  }
0x8b: {  	s0 =	sand.u32 $0x1, s1  }
0x8c: {  	s17 =	sshll.u32 s0, $0xA;
	s2 =	sadd.s32 s3, s2  }
0x8d: {  	s2 =	sadd.s32 s2, s17  }
0x8e: {  	[smem:$0x3FC1] =	sst s2  }
0x8f: {  	_ = 	snop  }
0x90: {  	s2 =	sld [smem:$0x3FC9];
	(tm) =	ssettm $0x1  }
0x91: {  	s18 =	sld [smem:$0x3FFB];
	_ =	sdelay $0x3  }
0x92: {  	_ =	strace s18  }
0x93: {  	s3 =	sld [smem:$0x3FFC];
	_ =	sdelay $0x3  }
0x94: {  	_ =	strace s3  }
0x95: {  	s3 =	sld [smem:$0x3FFD];
	_ =	sdelay $0x3  }
0x96: {  	_ =	strace s3  }
0x97: {  	_ =	strace $0x8FFFFFFF  }
0x98: {  	s19 =	sld [smem:$0x3FDB];
	_ =	sdelay $0x1  }
0x99: {  	s4 =	simm.s32 $_scs_section_size  }
0x9a: {  	s5 =	simm.s32 $_size__tile_overlayer_lowered;
	s6 =	simm.s32 $_tile_overlayer_lowered  }
0x9b: {  	s22 =	simm.s32 $0x1BFF;
	s21 =	sshll.u32 s6, $0x1;
	s3 =	sadd.s32 s4, s19  }
0x9c: {  	s7 =	simm.s32 $0x0;
	s20 =	sshll.u32 s5, $0x1;
	s5 =	sadd.s32 s21, s3  }
0x9d: {  	[timem:s7], [sflag:s22] =	dma.local [hbm:s5], s20  }
0x9e: {  	_ =	swait.ge [sflag:s22], s20  }
0x9f: {  	s4 =	ssub.s32 $0x0, s20;
	[sflag:s22] =	ssyncset.done $0x0  }
0xa0: {  	[sflag:s22] =	ssyncadd.s32 s4;
	_ =	sdelay $0x1  }
0xa1: {  	s23 =	simm.s32 $0x1B8B  }
0xa2: {  	_ =	swait.ge [sflag:s23], $0x1  }
0xa3: {  	[sflag:s23] =	ssyncset.done $0x0  }
0xa4: {  	s25 =	simm.s32 $0x1B8E;
	s24 =	sld [smem:$0x3FFE];
	[sflag:s23] =	ssyncadd.s32 $0xFFFFFFFF  }
0xa5: {  	s26 =	simm.s32 $execute0_lowered;
	[smem:$0x3FD2] =	sst s25  }
0xa6: {  	s5 =	sshll.u32 s26, $0x1;
	_ =	strace $0x80000046;
	[dreg:$0x1] =	wrdreg $0xFFFFFFFF  }
0xa7: {  	s28 =	simm.s32 $_size_execute0_lowered;
	s3 =	sadd.s32 s3, s5;
	[dreg:$0x0] =	wrdreg $0x0  }
0xa8: {  	s5 =	sshll.u32 s28, $0x1;
	[dreg:$0x2] =	wrdreg s3  }
0xa9: {  	[dreg:$0x3] =	wrdreg s5  }
0xaa: {  	[dreg:$0x4] =	wrdreg $0xC0  }
0xab: {  	_ =	task [dreg:s7], $0x5FFFF  }
0xac: {  	[dreg:$0x1] =	wrdreg $0xFFFFFFFF  }
0xad: {  	[dreg:$0x0] =	wrdreg $0x60  }
0xae: {  	[dreg:$0x2] =	wrdreg s2  }
0xaf: {  	[dreg:$0x3] =	wrdreg s24  }
0xb0: {  	[dreg:$0x4] =	wrdreg $0x9  }
0xb1: {  	_ =	task.clear_ibuf [dreg:s7], $0x5FFFF;
	_ =	strace $0x90000046  }
0xb2: {  	s29 =	simm.s32 $0x9;
	_ =	strace $0x80000048  }
0xb3: {  	_ =	swait.ge [sflag:s29], $0x1  }
0xb4: {  	[sflag:s29] =	ssyncadd.s32 $0xFFFFFFFF  }
0xb5: {  	_ =	strace $0x90000048  }
0xb6: {  	_ =	sfence  }
0xb7: {  	s30 =	sld [smem:$0x0];
	_ =	sdelay $0x2  }
0xb8: {  	s31 =	sshll.u32 s1, $0xD;
	s1 =	sshrl.u32 s1, $0x2  }
0xb9: {  	s3 =	sand.u32 $0x4000, s31;
	s1 =	sadd.s32 s1, s30  }
0xba: {  	s0 =	sor.u32 s3, s0;
	s1 =	sshll.u32 s1, $0x11  }
0xbb: {  	s0 =	sor.u32 s1, s0  }
0xbc: {  	s0 =	sadd.s32 $0x8F2B, s0  }
0xbd: {  	[sflag:s0] =	ssyncadd.remote.s32 $0x1  }
0xbe: {  	_ =	sfence.sel $0xFFFF  }
0xbf: {  	[dreg:$0x0] =	wrdreg $0xFFFFFFFF;
	(pc) =	sbr.abs _section_cstart, $3  }
0xc0: {  	[dreg:$0x1] =	wrdreg $0xFFFFFFFF  }
0xc1: {  	_ =	task.clear_ibuf [dreg:s7], $0x2FFFF;
	_ =	strace $0x9FFFFFFF  }
0xc2: {  	(tm) =	ssettm $0x7FFFFFFF  }
0xc3: {  	_ =	shalt  }
tec
execute0_lowered:
.L_overlay_start_1:
0x0: {  	(tag) =	ssettag $0x1  }
0x1: {  	s0 =	srdreg.scid;
	s1 =	rddreg [dreg:$0x0]  }
0x2: {  	s2 =	stileid.u32;
	s5 =	rddreg [dreg:$0x1]  }
0x3: {  	s26 =	simm.s32 $0x80;
	s7 =	simm.s32 $0x100;
	s8 =	simm.s32 $0x2  }
0x4: {  	s11 =	simm.s32 $0x1900;
	s12 =	simm.s32 $0x2100;
	s13 =	simm.s32 $0x2900  }
0x5: {  	s14 =	simm.s32 $0x3100;
	s15 =	simm.s32 $0x3900;
	s16 =	simm.s32 $0x4100  }
0x6: {  	s17 =	simm.s32 $0x4900;
	s18 =	simm.s32 $0x5100;
	s19 =	simm.s32 $0x5900  }
0x7: {  	s20 =	simm.s32 $0x6100;
	s21 =	simm.s32 $0x6900;
	s22 =	simm.s32 $0x7100  }
0x8: {  	s28 =	simm.s32 $0x9900;
	s29 =	simm.s32 $0xA100;
	s30 =	simm.s32 $0xA900  }
0x9: {  	s0 =	sand.u32 $0x1, s0;
	s3 =	sshll.u32 s2, $0x4;
	s2 =	simm.s32 $0x0  }
0xa: {  	s31 =	simm.s32 $0xB100;
	s4 =	sshll.u32 s0, $0x3;
	[smem:$0x7FF] =	sst s2  }
0xb: {  	s0 =	ssub.s32 $0x2, s0;
	s3 =	sor.u32 s4, s3;
	_ =	strace $0x80000047  }
0xc: {  	s24 =	sshrl.u32 s0, $0x1;
	[dreg:$0x6] =	wrdreg s26;
	s26 =	simm.s32 $0x9100  }
0xd: {  	s4 =	smul.u32 $0x300, s3;
	s6 =	sadd.s32 s3, s5;
	s3 =	sadd.s32 $0x8E00, s5  }
0xe: {  	s0 =	ssub.s32 s0, s24;
	s24 =	simm.s32 $0x8100;
	s23 =	sadd.s32 $0x8C00, s6  }
0xf: {  	s25 =	sadd.s32 $0x8A00, s6;
	s6 =	smax.u32 s0, $0x1;
	[dreg:$0x4] =	wrdreg s23  }
0x10: {  	v2 =	vlaneseq.u32;
	s0 =	simm.s32 $0x1;
	s1 =	sadd.s32 s1, s4;
	[dreg:$0x5] =	wrdreg s25  }
0x11: {  	vm0 =	vmmov $0xffff;
	v1 =	vshrl.u32 v2, $0x3;
	s4 =	sadd.s32 $0x8F00, s5;
	s5 =	sadd.s32 $0x9000, s5;
	s23 =	simm.s32 $0x7900  }
0x12: {  	v0 =	vand.u32 $0x7, v2;
	v2 =	vor.u32 $0x8, v2;
	v1 =	vmul.u32 $0x8, v1;
	s25 =	simm.s32 $0x8900;
	[dreg:$0x3] =	wrdreg s1;
	s1 =	simm.s32 $0xB900  }
.LBB2_1:
0x13: {  	s9 =	rddreg [dreg:$0x3]  }
0x14: {  	[tilespmem:s7], [sflag:$0x2] =	stream.linear.gather [hbm4b:s9+s2], $0xC000, $0x38;
	[tilespmem:$0xC100] =	vst v63  }
0x15: {  	_ =	swait.ge [sflag:s8], $0xC000  }
0x16: {  	[sflag:s8] =	ssyncset.done $0x0  }
0x17: {  	s10 =	rddreg [dreg:$0x4];
	[sflag:s8] =	ssyncadd.s32 $0xFFFF4000  }
0x18: {  	[tilespmem:s2], [sflag:$0x2] =	stream.linear.gather [hbm4b:s10+s2], $0x40, $0x38;
	[tilespmem:$0xC100] =	vst v63  }
0x19: {  	_ =	swait.ge [sflag:s8], $0x40  }
0x1a: {  	s9 =	rddreg [dreg:$0x5];
	[sflag:s8] =	ssyncset.done $0x0  }
0x1b: {  	s10 =	rddreg [dreg:$0x6];
	[sflag:s8] =	ssyncadd.s32 $0xFFFFFFC0  }
0x1c: {  	[tilespmem:s10], [sflag:$0x2] =	stream.linear.gather [hbm4b:s9+s2], $0x40, $0x38;
	[tilespmem:$0xC100] =	vst v63  }
0x1d: {  	_ =	swait.ge [sflag:s8], $0x40  }
0x1e: {  	[sflag:s8] =	ssyncset.done $0x0  }
0x1f: {  	[sflag:s8] =	ssyncadd.s32 $0xFFFFFFC0  }
0x20: {  	v3 =	vld [tilespmem:$0x0];
	_ =	sdelay $0x4  }
0x21: {  	v4 =	vshrl.u32 v3, $0x3  }
0x22: {  	v4 =	vmul.u32 $0x30, v4  }
0x23: {  	v3 =	vand.u32 $0x7, v3  }
0x24: {  	v3 =	vor.u32 v3, v4  }
0x25: {  	v4 =	vperm.xlane v3, v0;
	_ =	sdelay $0x1  }
0x26: {  	v4 =	vadd.s32 v1, v4;
	_ =	sdelay $0x3  }
0x27: {  	v3 =	vperm.xlane v3, v2  }
0x28: {  	[hbm4b:s3+s2] =	stream.indirect_vreg.scatter [tilespmem:s7], [sflag:$0x1], $0x80, v4, vm0, $0xb8;
	[tilespmem:$0xC100] =	vst v63  }
0x29: {  	s9 =	simm.s32 $0x900;
	v3 =	vadd.s32 v1, v3  }
0x2a: {  	[hbm4b:s4+s2] =	stream.indirect_vreg.scatter [tilespmem:s9], [sflag:$0x1], $0x80, v4, vm0, $0xb8;
	[tilespmem:$0xC100] =	vst v63  }
0x2b: {  	s10 =	simm.s32 $0x1100  }
0x2c: {  	[hbm4b:s5+s2] =	stream.indirect_vreg.scatter [tilespmem:s10], [sflag:$0x1], $0x80, v4, vm0, $0xb8;
	[tilespmem:$0xC100] =	vst v63  }
0x2d: {  	_ = 	snop  }
0x2e: {  	[hbm4b:s3+s2] =	stream.indirect_vreg.scatter [tilespmem:s11], [sflag:$0x1], $0x80, v3, vm0, $0xb8;
	[tilespmem:$0xC100] =	vst v63  }
0x2f: {  	_ = 	snop  }
0x30: {  	[hbm4b:s4+s2] =	stream.indirect_vreg.scatter [tilespmem:s12], [sflag:$0x1], $0x80, v3, vm0, $0xb8;
	[tilespmem:$0xC100] =	vst v63  }
0x31: {  	_ = 	snop  }
0x32: {  	[hbm4b:s5+s2] =	stream.indirect_vreg.scatter [tilespmem:s13], [sflag:$0x1], $0x80, v3, vm0, $0xb8;
	[tilespmem:$0xC100] =	vst v63  }
0x33: {  	v3 =	vld [tilespmem:$0x10];
	_ =	sdelay $0x4  }
0x34: {  	v57 =	vshrl.u32 v3, $0x3  }
0x35: {  	v4 =	vmul.u32 $0x30, v57  }
0x36: {  	v3 =	vand.u32 $0x7, v3  }
0x37: {  	v3 =	vor.u32 v3, v4  }
0x38: {  	v4 =	vperm.xlane v3, v0;
	_ =	sdelay $0x1  }
0x39: {  	v4 =	vadd.s32 v1, v4;
	_ =	sdelay $0x3  }
0x3a: {  	v3 =	vperm.xlane v3, v2  }
0x3b: {  	[hbm4b:s3+s2] =	stream.indirect_vreg.scatter [tilespmem:s14], [sflag:$0x1], $0x80, v4, vm0, $0xb8;
	[tilespmem:$0xC100] =	vst v63  }
0x3c: {  	v3 =	vadd.s32 v1, v3  }
0x3d: {  	[hbm4b:s4+s2] =	stream.indirect_vreg.scatter [tilespmem:s15], [sflag:$0x1], $0x80, v4, vm0, $0xb8;
	[tilespmem:$0xC100] =	vst v63  }
0x3e: {  	_ = 	snop  }
0x3f: {  	[hbm4b:s5+s2] =	stream.indirect_vreg.scatter [tilespmem:s16], [sflag:$0x1], $0x80, v4, vm0, $0xb8;
	[tilespmem:$0xC100] =	vst v63  }
0x40: {  	_ = 	snop  }
0x41: {  	[hbm4b:s3+s2] =	stream.indirect_vreg.scatter [tilespmem:s17], [sflag:$0x1], $0x80, v3, vm0, $0xb8;
	[tilespmem:$0xC100] =	vst v63  }
0x42: {  	_ = 	snop  }
0x43: {  	[hbm4b:s4+s2] =	stream.indirect_vreg.scatter [tilespmem:s18], [sflag:$0x1], $0x80, v3, vm0, $0xb8;
	[tilespmem:$0xC100] =	vst v63  }
0x44: {  	_ = 	snop  }
0x45: {  	[hbm4b:s5+s2] =	stream.indirect_vreg.scatter [tilespmem:s19], [sflag:$0x1], $0x80, v3, vm0, $0xb8;
	[tilespmem:$0xC100] =	vst v63  }
0x46: {  	v3 =	vld [tilespmem:$0x20];
	_ =	sdelay $0x4  }
0x47: {  	v58 =	vshrl.u32 v3, $0x3  }
0x48: {  	v4 =	vmul.u32 $0x30, v58  }
0x49: {  	v3 =	vand.u32 $0x7, v3  }
0x4a: {  	v3 =	vor.u32 v3, v4  }
0x4b: {  	v4 =	vperm.xlane v3, v0;
	_ =	sdelay $0x1  }
0x4c: {  	v4 =	vadd.s32 v1, v4;
	_ =	sdelay $0x3  }
0x4d: {  	v3 =	vperm.xlane v3, v2  }
0x4e: {  	[hbm4b:s3+s2] =	stream.indirect_vreg.scatter [tilespmem:s20], [sflag:$0x1], $0x80, v4, vm0, $0xb8;
	[tilespmem:$0xC100] =	vst v63  }
0x4f: {  	v3 =	vadd.s32 v1, v3  }
0x50: {  	[hbm4b:s4+s2] =	stream.indirect_vreg.scatter [tilespmem:s21], [sflag:$0x1], $0x80, v4, vm0, $0xb8;
	[tilespmem:$0xC100] =	vst v63  }
0x51: {  	_ = 	snop  }
0x52: {  	[hbm4b:s5+s2] =	stream.indirect_vreg.scatter [tilespmem:s22], [sflag:$0x1], $0x80, v4, vm0, $0xb8;
	[tilespmem:$0xC100] =	vst v63  }
0x53: {  	_ = 	snop  }
0x54: {  	[hbm4b:s3+s2] =	stream.indirect_vreg.scatter [tilespmem:s23], [sflag:$0x1], $0x80, v3, vm0, $0xb8;
	[tilespmem:$0xC100] =	vst v63  }
0x55: {  	_ = 	snop  }
0x56: {  	[hbm4b:s4+s2] =	stream.indirect_vreg.scatter [tilespmem:s24], [sflag:$0x1], $0x80, v3, vm0, $0xb8;
	[tilespmem:$0xC100] =	vst v63  }
0x57: {  	_ = 	snop  }
0x58: {  	[hbm4b:s5+s2] =	stream.indirect_vreg.scatter [tilespmem:s25], [sflag:$0x1], $0x80, v3, vm0, $0xb8;
	[tilespmem:$0xC100] =	vst v63  }
0x59: {  	v3 =	vld [tilespmem:$0x30];
	_ =	sdelay $0x4  }
0x5a: {  	v59 =	vshrl.u32 v3, $0x3  }
0x5b: {  	v4 =	vmul.u32 $0x30, v59  }
0x5c: {  	v3 =	vand.u32 $0x7, v3  }
0x5d: {  	v3 =	vor.u32 v3, v4  }
0x5e: {  	v4 =	vperm.xlane v3, v0;
	_ =	sdelay $0x1  }
0x5f: {  	v4 =	vadd.s32 v1, v4;
	_ =	sdelay $0x3  }
0x60: {  	v3 =	vperm.xlane v3, v2  }
0x61: {  	[hbm4b:s3+s2] =	stream.indirect_vreg.scatter [tilespmem:s26], [sflag:$0x1], $0x80, v4, vm0, $0xb8;
	[tilespmem:$0xC100] =	vst v63  }
0x62: {  	v3 =	vadd.s32 v1, v3  }
0x63: {  	[hbm4b:s4+s2] =	stream.indirect_vreg.scatter [tilespmem:s28], [sflag:$0x1], $0x80, v4, vm0, $0xb8;
	[tilespmem:$0xC100] =	vst v63  }
0x64: {  	_ = 	snop  }
0x65: {  	[hbm4b:s5+s2] =	stream.indirect_vreg.scatter [tilespmem:s29], [sflag:$0x1], $0x80, v4, vm0, $0xb8;
	[tilespmem:$0xC100] =	vst v63  }
0x66: {  	_ = 	snop  }
0x67: {  	[hbm4b:s3+s2] =	stream.indirect_vreg.scatter [tilespmem:s30], [sflag:$0x1], $0x80, v3, vm0, $0xb8;
	[tilespmem:$0xC100] =	vst v63  }
0x68: {  	_ = 	snop  }
0x69: {  	[hbm4b:s4+s2] =	stream.indirect_vreg.scatter [tilespmem:s31], [sflag:$0x1], $0x80, v3, vm0, $0xb8;
	[tilespmem:$0xC100] =	vst v63  }
0x6a: {  	_ = 	snop  }
0x6b: {  	[hbm4b:s5+s2] =	stream.indirect_vreg.scatter [tilespmem:s1], [sflag:$0x1], $0x80, v3, vm0, $0xb8;
	[tilespmem:$0xC100] =	vst v63  }
0x6c: {  	_ =	swait.ge [sflag:s0], $0xC000  }
0x6d: {  	[sflag:s0] =	ssyncset.done $0x0  }
0x6e: {  	[sflag:s0] =	ssyncadd.s32 $0xFFFF4000  }
0x6f: {  	v3 =	vld [tilespmem:$0x80];
	_ =	sdelay $0x4  }
0x70: {  	v60 =	vshrl.u32 v3, $0x3  }
0x71: {  	v4 =	vmul.u32 $0x30, v60  }
0x72: {  	v3 =	vand.u32 $0x7, v3  }
0x73: {  	v3 =	vor.u32 v3, v4  }
0x74: {  	v4 =	vperm.xlane v3, v0;
	_ =	sdelay $0x1  }
0x75: {  	v4 =	vadd.s32 v1, v4;
	_ =	sdelay $0x3  }
0x76: {  	v3 =	vperm.xlane v3, v2  }
0x77: {  	[hbm4b:s3+s2] =	stream.indirect_vreg.scatter [tilespmem:s7], [sflag:$0x1], $0x80, v4, vm0, $0xb8;
	[tilespmem:$0xC100] =	vst v63  }
0x78: {  	v3 =	vadd.s32 v1, v3  }
0x79: {  	[hbm4b:s4+s2] =	stream.indirect_vreg.scatter [tilespmem:s9], [sflag:$0x1], $0x80, v4, vm0, $0xb8;
	[tilespmem:$0xC100] =	vst v63  }
0x7a: {  	_ = 	snop  }
0x7b: {  	[hbm4b:s5+s2] =	stream.indirect_vreg.scatter [tilespmem:s10], [sflag:$0x1], $0x80, v4, vm0, $0xb8;
	[tilespmem:$0xC100] =	vst v63  }
0x7c: {  	_ = 	snop  }
0x7d: {  	[hbm4b:s3+s2] =	stream.indirect_vreg.scatter [tilespmem:s11], [sflag:$0x1], $0x80, v3, vm0, $0xb8;
	[tilespmem:$0xC100] =	vst v63  }
0x7e: {  	_ = 	snop  }
0x7f: {  	[hbm4b:s4+s2] =	stream.indirect_vreg.scatter [tilespmem:s12], [sflag:$0x1], $0x80, v3, vm0, $0xb8;
	[tilespmem:$0xC100] =	vst v63  }
0x80: {  	_ = 	snop  }
0x81: {  	[hbm4b:s5+s2] =	stream.indirect_vreg.scatter [tilespmem:s13], [sflag:$0x1], $0x80, v3, vm0, $0xb8;
	[tilespmem:$0xC100] =	vst v63  }
0x82: {  	v3 =	vld [tilespmem:$0x90];
	_ =	sdelay $0x4  }
0x83: {  	v61 =	vshrl.u32 v3, $0x3  }
0x84: {  	v4 =	vmul.u32 $0x30, v61  }
0x85: {  	v3 =	vand.u32 $0x7, v3  }
0x86: {  	v3 =	vor.u32 v3, v4  }
0x87: {  	v4 =	vperm.xlane v3, v0;
	_ =	sdelay $0x1  }
0x88: {  	v4 =	vadd.s32 v1, v4;
	_ =	sdelay $0x3  }
0x89: {  	v3 =	vperm.xlane v3, v2  }
0x8a: {  	[hbm4b:s3+s2] =	stream.indirect_vreg.scatter [tilespmem:s14], [sflag:$0x1], $0x80, v4, vm0, $0xb8;
	[tilespmem:$0xC100] =	vst v63  }
0x8b: {  	v3 =	vadd.s32 v1, v3  }
0x8c: {  	[hbm4b:s4+s2] =	stream.indirect_vreg.scatter [tilespmem:s15], [sflag:$0x1], $0x80, v4, vm0, $0xb8;
	[tilespmem:$0xC100] =	vst v63  }
0x8d: {  	_ = 	snop  }
0x8e: {  	[hbm4b:s5+s2] =	stream.indirect_vreg.scatter [tilespmem:s16], [sflag:$0x1], $0x80, v4, vm0, $0xb8;
	[tilespmem:$0xC100] =	vst v63  }
0x8f: {  	_ = 	snop  }
0x90: {  	[hbm4b:s3+s2] =	stream.indirect_vreg.scatter [tilespmem:s17], [sflag:$0x1], $0x80, v3, vm0, $0xb8;
	[tilespmem:$0xC100] =	vst v63  }
0x91: {  	_ = 	snop  }
0x92: {  	[hbm4b:s4+s2] =	stream.indirect_vreg.scatter [tilespmem:s18], [sflag:$0x1], $0x80, v3, vm0, $0xb8;
	[tilespmem:$0xC100] =	vst v63  }
0x93: {  	_ = 	snop  }
0x94: {  	[hbm4b:s5+s2] =	stream.indirect_vreg.scatter [tilespmem:s19], [sflag:$0x1], $0x80, v3, vm0, $0xb8;
	[tilespmem:$0xC100] =	vst v63  }
0x95: {  	v3 =	vld [tilespmem:$0xA0];
	_ =	sdelay $0x4  }
0x96: {  	v62 =	vshrl.u32 v3, $0x3  }
0x97: {  	v4 =	vmul.u32 $0x30, v62  }
0x98: {  	v3 =	vand.u32 $0x7, v3  }
0x99: {  	v3 =	vor.u32 v3, v4  }
0x9a: {  	v4 =	vperm.xlane v3, v0;
	_ =	sdelay $0x1  }
0x9b: {  	v4 =	vadd.s32 v1, v4;
	_ =	sdelay $0x3  }
0x9c: {  	v3 =	vperm.xlane v3, v2  }
0x9d: {  	[hbm4b:s3+s2] =	stream.indirect_vreg.scatter [tilespmem:s20], [sflag:$0x1], $0x80, v4, vm0, $0xb8;
	[tilespmem:$0xC100] =	vst v63  }
0x9e: {  	v3 =	vadd.s32 v1, v3  }
0x9f: {  	[hbm4b:s4+s2] =	stream.indirect_vreg.scatter [tilespmem:s21], [sflag:$0x1], $0x80, v4, vm0, $0xb8;
	[tilespmem:$0xC100] =	vst v63  }
0xa0: {  	_ = 	snop  }
0xa1: {  	[hbm4b:s5+s2] =	stream.indirect_vreg.scatter [tilespmem:s22], [sflag:$0x1], $0x80, v4, vm0, $0xb8;
	[tilespmem:$0xC100] =	vst v63  }
0xa2: {  	_ = 	snop  }
0xa3: {  	[hbm4b:s3+s2] =	stream.indirect_vreg.scatter [tilespmem:s23], [sflag:$0x1], $0x80, v3, vm0, $0xb8;
	[tilespmem:$0xC100] =	vst v63  }
0xa4: {  	_ = 	snop  }
0xa5: {  	[hbm4b:s4+s2] =	stream.indirect_vreg.scatter [tilespmem:s24], [sflag:$0x1], $0x80, v3, vm0, $0xb8;
	[tilespmem:$0xC100] =	vst v63  }
0xa6: {  	_ = 	snop  }
0xa7: {  	[hbm4b:s5+s2] =	stream.indirect_vreg.scatter [tilespmem:s25], [sflag:$0x1], $0x80, v3, vm0, $0xb8;
	[tilespmem:$0xC100] =	vst v63  }
0xa8: {  	v3 =	vld [tilespmem:$0xB0];
	_ =	sdelay $0x4  }
0xa9: {  	v63 =	vshrl.u32 v3, $0x3  }
0xaa: {  	v4 =	vmul.u32 $0x30, v63  }
0xab: {  	v3 =	vand.u32 $0x7, v3  }
0xac: {  	v3 =	vor.u32 v3, v4  }
0xad: {  	v4 =	vperm.xlane v3, v0;
	_ =	sdelay $0x1  }
0xae: {  	v4 =	vadd.s32 v1, v4;
	_ =	sdelay $0x3  }
0xaf: {  	v3 =	vperm.xlane v3, v2  }
0xb0: {  	[hbm4b:s3+s2] =	stream.indirect_vreg.scatter [tilespmem:s26], [sflag:$0x1], $0x80, v4, vm0, $0xb8;
	[tilespmem:$0xC100] =	vst v63  }
0xb1: {  	v3 =	vadd.s32 v1, v3  }
0xb2: {  	[hbm4b:s4+s2] =	stream.indirect_vreg.scatter [tilespmem:s28], [sflag:$0x1], $0x80, v4, vm0, $0xb8;
	[tilespmem:$0xC100] =	vst v63  }
0xb3: {  	_ = 	snop  }
0xb4: {  	[hbm4b:s5+s2] =	stream.indirect_vreg.scatter [tilespmem:s29], [sflag:$0x1], $0x80, v4, vm0, $0xb8;
	[tilespmem:$0xC100] =	vst v63  }
0xb5: {  	_ = 	snop  }
0xb6: {  	[hbm4b:s3+s2] =	stream.indirect_vreg.scatter [tilespmem:s30], [sflag:$0x1], $0x80, v3, vm0, $0xb8;
	[tilespmem:$0xC100] =	vst v63  }
0xb7: {  	p0 =	sne.s32 s6, $0x1  }
0xb8: {  	[hbm4b:s4+s2] =	stream.indirect_vreg.scatter [tilespmem:s31], [sflag:$0x1], $0x80, v3, vm0, $0xb8;
	[tilespmem:$0xC100] =	vst v63  }
.Ltmp0:
0xb9: {  	_ = 	snop;
	(pc) =	sbr.rel @p0 .LBB2_1-.Ltmp0, $4  }
0xba: {  	[hbm4b:s5+s2] =	stream.indirect_vreg.scatter [tilespmem:s1], [sflag:$0x1], $0x80, v3, vm0, $0xb8;
	[tilespmem:$0xC100] =	vst v63  }
0xbb: {  	_ =	swait.ge [sflag:s0], $0xC000  }
0xbc: {  	[sflag:s0] =	ssyncset.done $0x0  }
0xbd: {  	s6 =	sadd.s32 $0xFFFFFFFF, s6;
	[sflag:s0] =	ssyncadd.s32 $0xFFFF4000  }
0xbe: {  	_ =	sfence.sel $0x180000  }
0xbf: {  	[bflag:$0x0] =	sbarrier.arrive $0xFFFF  }
0xc0: {  	_ =	strace $0x90000047  }
0xc1: {  	s0 =	stileid.u32;
	[bflag:$0x2] =	sbarrier.arrive $0xFFFF  }
0xc2: {  	p0 =	sne.s32 s0, $0x0;
	s0 =	rddreg [dreg:$0x2]  }
0xc3: {  	s0 =	sadd.s32 @!p0 $0x100000, s0  }
0xc4: {  	[sflag:s0] =	ssyncadd.tile.s32 @!p0 $0x1;
	_ =	shalt  }
.Lfunc_end2:
_tile_overlayer_lowered:
.L_overlay_start_2:
0xc5: {  	(tag) =	ssettag $0x2  }
0xc6: {  	s0 =	rddreg [dreg:$0x0];
	s2 =	stileid.u32  }
0xc7: {  	s1 =	rddreg [dreg:$0x1];
	p0 =	sne.s32 s2, $0x0  }
0xc8: {  	s3 =	rddreg [dreg:$0x2];
	[bflag:$0x3] =	sbarrier.arrive $0xFFFF;
	s2 =	simm.s32 @!p0 $0x1C02  }
0xc9: {  	[timem:s3], [sflag:s2] =	dma.local @!p0 [hbm:s0], s1  }
0xca: {  	s0 =	simm.s32 @!p0 $0x2  }
0xcb: {  	_ =	swait.ge @!p0 [sflag:s0], s1  }
0xcc: {  	s1 =	ssub.s32 @!p0 $0x0, s1;
	[sflag:s0] =	ssyncset.done @!p0 $0x0  }
0xcd: {  	[sflag:s0] =	ssyncadd.s32 @!p0 s1  }
0xce: {  	[bflag:$0x3] =	sbarrier.arrive $0xFFFF  }
0xcf: {  	_ =	shalt  }

// kernel: kernel.9.cloned.1.call-start
scs
__scs_entry_jumppad:
0x0: {  	(pc) =	sbr.rel $0x88, $3  }
0x1: {  	(tag) =	ssettag $0x0;
	lr =	simm.s32 $0x1  }
0x2: {  	[smem:$0x3F9A] =	sst lr;
	_ =	strace $0xD0000000  }
0x3: {  	_ = 	snop  }
0x4: {  	_ = 	snop  }
0x5: {  	_ = 	snop  }
0x6: {  	_ = 	snop  }
0x7: {  	_ = 	snop  }
__scs_overlays_trampoline_lowered:
0x8: {  	[smem:$0x3FA9] =	sst s0  }
0x9: {  	[smem:$0x3FAA] =	sst s1  }
0xa: {  	[smem:$0x3FAB] =	sst s2  }
0xb: {  	[smem:$0x3FAC] =	sst s3  }
0xc: {  	[smem:$0x3FAD] =	sst s4  }
0xd: {  	[smem:$0x3FAE] =	sst s5  }
0xe: {  	[smem:$0x3FAF] =	sst s6  }
0xf: {  	[smem:$0x3FB0] =	sst s7  }
0x10: {  	[smem:$0x3FB1] =	sst s8  }
0x11: {  	[smem:$0x3FB2] =	sst s9;
	s0 =	simm.s32 @!p0 $0x0  }
0x12: {  	s1 =	sld [smem:$0x3F98];
	s0 =	simm.s32 @p0 $0x1  }
0x13: {  	[smem:$0x3FB3] =	sst s0;
	s0 =	simm.s32 @!p1 $0x0  }
0x14: {  	s2 =	sld [smem:$0x3F97];
	s0 =	simm.s32 @p1 $0x1  }
0x15: {  	[smem:$0x3FB4] =	sst s0;
	s0 =	simm.s32 @!p2 $0x0  }
0x16: {  	s3 =	sld [smem:$0x3FDB];
	s0 =	simm.s32 @p2 $0x1  }
0x17: {  	s4 =	simm.s32 $0x1BF5;
	[smem:$0x3FB6] =	sst s0  }
0x18: {  	s0 =	sld [smem:$0x3F99];
	_ =	swait.ge [sflag:s4], $0x0  }
0x19: {  	s7 =	sld [smem:$0x3F9A]  }
0x1a: {  	s8 =	sadd.s32 $0xFFFFE003, lr  }
0x1b: {  	s9 =	sadd.s32 $0xFFFFFEF7, lr;
	s5 =	simm.s32 $0xFFFFFFFF;
	p2 =	slt.u32 s8, $0xFFFFF086  }
0x1c: {  	p1 =	slt.u32 s9, $0xF7A;
	s5 =	simm.s32 @!p2 $0x0  }
0x1d: {  	s5 =	simm.s32 @p1 $0x1;
	p0 =	seq.s32 s7, s2  }
0x1e: {  	s7 =	smul.u32 @!p0 $0xF7A, s2;
	p2 =	seq.s32 @!p0 s5, $0x0  }
0x1f: {  	s9 =	smul.u32 $0xF7A, s1;
	s8 =	simm.s32 @!p0 $0x1BF5;
	p2 =	por !p2, p0  }
0x20: {  	[sflag:s8] =	ssyncset.s32 @!p0 $0xFFFFF086;
	s6 =	sadd.s32 @!p0 s3, s7;
	s7 =	simm.s32 @!p0 $0x108  }
0x21: {  	s3 =	sadd.s32 s3, s9;
	s6 =	sadd.s32 @!p0 $0x88, s6;
	s7 =	simm.s32 @p2 $0x1082  }
0x22: {  	[simem:s7], [sflag:s8] =	dma.local @!p0 [hbm:s6], $0xF7A  }
0x23: {  	s9 =	sor.u32 $0xD0000000, s2;
	s6 =	simm.s32 $0x108;
	_ =	swait.ge @!p0 [sflag:s8], $0x0  }
0x24: {  	s3 =	sadd.s32 $0x88, s3;
	s6 =	simm.s32 @!p1 $0x1082;
	[sflag:s4] =	ssyncset.s32 $0xFFFFF086  }
0x25: {  	[simem:s6], [sflag:s4] =	dma.local [hbm:s3], $0xF7A  }
0x26: {  	[smem:$0x3F9A] =	sst s1;
	(tag) =	ssettag s2;
	_ =	strace s9  }
0x27: {  	s1 =	sld [smem:$0x3FAA]  }
0x28: {  	s2 =	sld [smem:$0x3FAB]  }
0x29: {  	s4 =	sld [smem:$0x3FAD]  }
0x2a: {  	p0 =	seq.s32 s5, $0x0;
	s5 =	sld [smem:$0x3FAE]  }
0x2b: {  	s6 =	sld [smem:$0x3FAF]  }
0x2c: {  	s7 =	sld [smem:$0x3FB0]  }
0x2d: {  	s3 =	simm.s32 $0x108;
	s8 =	sld [smem:$0x3FB1]  }
0x2e: {  	s3 =	simm.s32 @!p0 $0x1082;
	s9 =	sld [smem:$0x3FB2]  }
0x2f: {  	lr =	sadd.s32 s0, s3;
	s0 =	sld [smem:$0x3FA9]  }
0x30: {  	s3 =	sld [smem:$0x3FAC]  }
0x31: {  	[smem:$0x3FB5] =	sst s10  }
0x32: {  	s10 =	sld [smem:$0x3FB3];
	_ =	sdelay $0x3  }
0x33: {  	p0 =	seq.s32 s10, $0x1;
	s10 =	sld [smem:$0x3FB5];
	_ =	sdelay $0x3  }
0x34: {  	[smem:$0x3FB5] =	sst s10  }
0x35: {  	s10 =	sld [smem:$0x3FB4];
	_ =	sdelay $0x3  }
0x36: {  	p1 =	seq.s32 s10, $0x1;
	s10 =	sld [smem:$0x3FB5];
	_ =	sdelay $0x3  }
0x37: {  	[smem:$0x3FB5] =	sst s10  }
0x38: {  	s10 =	sld [smem:$0x3FB6]  }
0x39: {  	_ = 	snop;
	(pc) =	sbr.ind lr, $3  }
0x3a: {  	_ = 	snop  }
0x3b: {  	_ = 	snop  }
0x3c: {  	p2 =	seq.s32 s10, $0x1;
	s10 =	sld [smem:$0x3FB5]  }
0x3d: {  	_ =	shalt  }
0x3e: {  	_ =	shalt  }
0x3f: {  	_ =	shalt  }
0x40: {  	_ =	shalt  }
0x41: {  	_ =	shalt  }
0x42: {  	_ =	shalt  }
0x43: {  	_ =	shalt  }
0x44: {  	_ =	shalt  }
0x45: {  	_ =	shalt  }
0x46: {  	_ =	shalt  }
0x47: {  	_ =	shalt  }
0x48: {  	_ =	shalt  }
0x49: {  	_ =	shalt  }
0x4a: {  	_ =	shalt  }
0x4b: {  	_ =	shalt  }
0x4c: {  	_ =	shalt  }
0x4d: {  	_ =	shalt  }
0x4e: {  	_ =	shalt  }
0x4f: {  	_ =	shalt  }
0x50: {  	_ =	shalt  }
0x51: {  	_ =	shalt  }
0x52: {  	_ =	shalt  }
0x53: {  	_ =	shalt  }
0x54: {  	_ =	shalt  }
0x55: {  	_ =	shalt  }
0x56: {  	_ =	shalt  }
0x57: {  	_ =	shalt  }
0x58: {  	_ =	shalt  }
0x59: {  	_ =	shalt  }
0x5a: {  	_ =	shalt  }
0x5b: {  	_ =	shalt  }
0x5c: {  	_ =	shalt  }
0x5d: {  	_ =	shalt  }
0x5e: {  	_ =	shalt  }
0x5f: {  	_ =	shalt  }
0x60: {  	_ =	shalt  }
0x61: {  	_ =	shalt  }
0x62: {  	_ =	shalt  }
0x63: {  	_ =	shalt  }
0x64: {  	_ =	shalt  }
0x65: {  	_ =	shalt  }
0x66: {  	_ =	shalt  }
0x67: {  	_ =	shalt  }
0x68: {  	_ =	shalt  }
0x69: {  	_ =	shalt  }
0x6a: {  	_ =	shalt  }
0x6b: {  	_ =	shalt  }
0x6c: {  	_ =	shalt  }
0x6d: {  	_ =	shalt  }
0x6e: {  	_ =	shalt  }
0x6f: {  	_ =	shalt  }
0x70: {  	_ =	shalt  }
0x71: {  	_ =	shalt  }
0x72: {  	_ =	shalt  }
0x73: {  	_ =	shalt  }
0x74: {  	_ =	shalt  }
0x75: {  	_ =	shalt  }
0x76: {  	_ =	shalt  }
0x77: {  	_ =	shalt  }
0x78: {  	_ =	shalt  }
0x79: {  	_ =	shalt  }
0x7a: {  	_ =	shalt  }
0x7b: {  	_ =	shalt  }
0x7c: {  	_ =	shalt  }
0x7d: {  	_ =	shalt  }
0x7e: {  	_ =	shalt  }
0x7f: {  	_ =	shalt  }
0x80: {  	_ =	shalt  }
0x81: {  	_ =	shalt  }
0x82: {  	_ =	shalt  }
0x83: {  	_ =	shalt  }
0x84: {  	_ =	shalt  }
0x85: {  	_ =	shalt  }
0x86: {  	_ =	shalt  }
0x87: {  	_ =	shalt  }
.Lfunc_end0:
.L_simem_size_0:
called_computation.1_lowered:
.L_overlay_start_0:
0x88: {  	s2 =	sld [smem:$0x3FD9]  }
0x89: {  	s3 =	sld [smem:$0x3FFE];
	_ =	sdelay $0x1  }
0x8a: {  	s1 =	srdreg.scid  }
0x8b: {  	s0 =	sand.u32 $0x1, s1  }
0x8c: {  	s17 =	sshll.u32 s0, $0xA;
	s2 =	sadd.s32 s3, s2  }
0x8d: {  	s2 =	sadd.s32 s2, s17  }
0x8e: {  	[smem:$0x3FC1] =	sst s2  }
0x8f: {  	_ = 	snop  }
0x90: {  	s2 =	sld [smem:$0x3FD0];
	(tm) =	ssettm $0x1  }
0x91: {  	s18 =	sld [smem:$0x3FFB];
	_ =	sdelay $0x3  }
0x92: {  	_ =	strace s18  }
0x93: {  	s3 =	sld [smem:$0x3FFC];
	_ =	sdelay $0x3  }
0x94: {  	_ =	strace s3  }
0x95: {  	s3 =	sld [smem:$0x3FFD];
	_ =	sdelay $0x3  }
0x96: {  	_ =	strace s3  }
0x97: {  	_ =	strace $0x8FFFFFFF  }
0x98: {  	s19 =	sld [smem:$0x3FDB];
	_ =	sdelay $0x1  }
0x99: {  	s4 =	simm.s32 $_scs_section_size  }
0x9a: {  	s5 =	simm.s32 $_size__tile_overlayer_lowered;
	s6 =	simm.s32 $_tile_overlayer_lowered  }
0x9b: {  	s22 =	simm.s32 $0x1BFF;
	s21 =	sshll.u32 s6, $0x1;
	s3 =	sadd.s32 s4, s19  }
0x9c: {  	s7 =	simm.s32 $0x0;
	s20 =	sshll.u32 s5, $0x1;
	s5 =	sadd.s32 s21, s3  }
0x9d: {  	[timem:s7], [sflag:s22] =	dma.local [hbm:s5], s20  }
0x9e: {  	_ =	swait.ge [sflag:s22], s20  }
0x9f: {  	s4 =	ssub.s32 $0x0, s20;
	[sflag:s22] =	ssyncset.done $0x0  }
0xa0: {  	[sflag:s22] =	ssyncadd.s32 s4;
	_ =	sdelay $0x1  }
0xa1: {  	s23 =	simm.s32 $0x1B8B  }
0xa2: {  	_ =	swait.ge [sflag:s23], $0x1  }
0xa3: {  	[sflag:s23] =	ssyncset.done $0x0  }
0xa4: {  	s25 =	simm.s32 $0x1B8E;
	s24 =	sld [smem:$0x3FFE];
	[sflag:s23] =	ssyncadd.s32 $0xFFFFFFFF  }
0xa5: {  	s26 =	simm.s32 $execute0_lowered;
	[smem:$0x3FD2] =	sst s25  }
0xa6: {  	s5 =	sshll.u32 s26, $0x1;
	_ =	strace $0x80000049;
	[dreg:$0x1] =	wrdreg $0xFFFFFFFF  }
0xa7: {  	s28 =	simm.s32 $_size_execute0_lowered;
	s3 =	sadd.s32 s3, s5;
	[dreg:$0x0] =	wrdreg $0x0  }
0xa8: {  	s5 =	sshll.u32 s28, $0x1;
	[dreg:$0x2] =	wrdreg s3  }
0xa9: {  	[dreg:$0x3] =	wrdreg s5  }
0xaa: {  	[dreg:$0x4] =	wrdreg $0xC0  }
0xab: {  	_ =	task [dreg:s7], $0x5FFFF  }
0xac: {  	[dreg:$0x1] =	wrdreg $0xFFFFFFFF  }
0xad: {  	[dreg:$0x0] =	wrdreg $0x60  }
0xae: {  	[dreg:$0x2] =	wrdreg s24  }
0xaf: {  	[dreg:$0x3] =	wrdreg s2  }
0xb0: {  	[dreg:$0x4] =	wrdreg $0x9  }
0xb1: {  	_ =	task.clear_ibuf [dreg:s7], $0x5FFFF;
	_ =	strace $0x90000049  }
0xb2: {  	s29 =	simm.s32 $0x9;
	_ =	strace $0x8000004B  }
0xb3: {  	_ =	swait.ge [sflag:s29], $0x1  }
0xb4: {  	[sflag:s29] =	ssyncadd.s32 $0xFFFFFFFF  }
0xb5: {  	_ =	strace $0x9000004B  }
0xb6: {  	_ =	sfence  }
0xb7: {  	s30 =	sld [smem:$0x0];
	_ =	sdelay $0x2  }
0xb8: {  	s31 =	sshll.u32 s1, $0xD;
	s1 =	sshrl.u32 s1, $0x2  }
0xb9: {  	s3 =	sand.u32 $0x4000, s31;
	s1 =	sadd.s32 s1, s30  }
0xba: {  	s0 =	sor.u32 s3, s0;
	s1 =	sshll.u32 s1, $0x11  }
0xbb: {  	s0 =	sor.u32 s1, s0  }
0xbc: {  	s0 =	sadd.s32 $0x8F2B, s0  }
0xbd: {  	[sflag:s0] =	ssyncadd.remote.s32 $0x1  }
0xbe: {  	_ =	sfence.sel $0xFFFF  }
0xbf: {  	[dreg:$0x0] =	wrdreg $0xFFFFFFFF;
	(pc) =	sbr.abs _section_cstart, $3  }
0xc0: {  	[dreg:$0x1] =	wrdreg $0xFFFFFFFF  }
0xc1: {  	_ =	task.clear_ibuf [dreg:s7], $0x2FFFF;
	_ =	strace $0x9FFFFFFF  }
0xc2: {  	(tm) =	ssettm $0x7FFFFFFF  }
0xc3: {  	_ =	shalt  }
tec
execute0_lowered:
.L_overlay_start_1:
0x0: {  	(tag) =	ssettag $0x1  }
0x1: {  	s0 =	rddreg [dreg:$0x0]  }
0x2: {  	s1 =	rddreg [dreg:$0x1];
	s3 =	srdreg.scid;
	s2 =	simm.s32 $0x0  }
0x3: {  	s5 =	stileid.u32;
	s11 =	simm.s32 $0x3;
	s14 =	simm.s32 $0x2100  }
0x4: {  	s12 =	simm.s32 $0x15900;
	s13 =	simm.s32 $0x16100;
	s15 =	simm.s32 $0x16900  }
0x5: {  	s16 =	simm.s32 $0x17100;
	s17 =	simm.s32 $0x17900;
	s18 =	simm.s32 $0x18100  }
0x6: {  	s19 =	simm.s32 $0x18900;
	s20 =	simm.s32 $0x19100;
	s21 =	simm.s32 $0x19900  }
0x7: {  	s22 =	simm.s32 $0x1;
	s23 =	simm.s32 $0x2;
	s24 =	simm.s32 $0x0  }
0x8: {  	s4 =	sand.u32 $0x1, s3;
	[smem:$0x7FF] =	sst s2;
	s5 =	sshll.u32 s5, $0x7  }
0x9: {  	s3 =	sadd.s32 $0x99C00, s0;
	s6 =	sshll.u32 s4, $0x6;
	s4 =	ssub.s32 $0x2, s4  }
0xa: {  	_ =	strace $0x8000004A;
	s5 =	sor.u32 s6, s5;
	s31 =	sshrl.u32 s4, $0x1  }
0xb: {  	s6 =	sshrl.u32 s5, $0x3;
	s5 =	sshll.u32 s5, $0x4;
	s10 =	ssub.s32 s4, s31  }
0xc: {  	s7 =	sadd.s32 s6, s0;
	s8 =	sadd.s32 s5, s0;
	s9 =	smul.u32 $0x300, s6  }
0xd: {  	v2 =	vlaneseq.u32;
	s10 =	smax.u32 s10, $0x1;
	s4 =	sadd.s32 $0x8C00, s7;
	s5 =	sadd.s32 $0x8A00, s7  }
0xe: {  	vm0 =	vmmov $0xffff;
	v1 =	vshrl.u32 v2, $0x3;
	s6 =	sadd.s32 $0xA00, s8;
	s7 =	sadd.s32 $0x99D00, s0;
	s8 =	sadd.s32 $0x99E00, s0  }
0xf: {  	v0 =	vand.u32 $0x7, v2;
	v2 =	vor.u32 $0x8, v2;
	v1 =	vmul.u32 $0x8, v1;
	s0 =	simm.s32 $0x14900;
	s9 =	sadd.s32 s1, s9;
	s1 =	simm.s32 $0x15100  }
.LBB2_1:
0x10: {  	[tilespmem:s2], [sflag:$0x3] =	stream.linear.gather [hbm4b:s4+s2], $0x40, $0x38;
	[tilespmem:$0x1A100] =	vst v63  }
0x11: {  	_ =	swait.ge [sflag:s11], $0x40  }
0x12: {  	[sflag:s11] =	ssyncset.done $0x0  }
0x13: {  	s25 =	simm.s32 $0x80;
	[sflag:s11] =	ssyncadd.s32 $0xFFFFFFC0  }
0x14: {  	[tilespmem:s25], [sflag:$0x3] =	stream.linear.gather [hbm4b:s5+s2], $0x40, $0x38;
	[tilespmem:$0x1A100] =	vst v63  }
0x15: {  	_ =	swait.ge [sflag:s11], $0x40  }
0x16: {  	[sflag:s11] =	ssyncset.done $0x0  }
0x17: {  	s26 =	simm.s32 $0x100;
	[sflag:s11] =	ssyncadd.s32 $0xFFFFFFC0  }
0x18: {  	[tilespmem:s26], [sflag:$0x3] =	stream.linear.gather [hbm4b:s6+s2], $0x2000, $0x38;
	[tilespmem:$0x1A100] =	vst v63  }
0x19: {  	_ =	swait.ge [sflag:s11], $0x2000  }
0x1a: {  	[sflag:s11] =	ssyncset.done $0x0  }
0x1b: {  	[sflag:s11] =	ssyncadd.s32 $0xFFFFE000  }
0x1c: {  	v3 =	vld [tilespmem:$0x0];
	_ =	sdelay $0x4  }
0x1d: {  	v4 =	vshrl.u32 v3, $0x3  }
0x1e: {  	v4 =	vmul.u32 $0x30, v4  }
0x1f: {  	v3 =	vand.u32 $0x7, v3  }
0x20: {  	v3 =	vor.u32 v3, v4  }
0x21: {  	v4 =	vperm.xlane v3, v0;
	_ =	sdelay $0x1  }
0x22: {  	v4 =	vadd.s32 v1, v4;
	_ =	sdelay $0x3  }
0x23: {  	v3 =	vperm.xlane v3, v2  }
0x24: {  	[tilespmem:s14], [sflag:$0x1] =	stream.indirect_vreg.gather [hbm4b:s3+s2], $0x80, v4, vm0, $0xb8;
	[tilespmem:$0x1A100] =	vst v63  }
0x25: {  	s30 =	simm.s32 $0x2900;
	v3 =	vadd.s32 v1, v3  }
0x26: {  	[tilespmem:s30], [sflag:$0x1] =	stream.indirect_vreg.gather [hbm4b:s7+s2], $0x80, v4, vm0, $0xb8;
	[tilespmem:$0x1A100] =	vst v63  }
0x27: {  	s31 =	simm.s32 $0x3100  }
0x28: {  	[tilespmem:s31], [sflag:$0x1] =	stream.indirect_vreg.gather [hbm4b:s8+s2], $0x80, v4, vm0, $0xb8;
	[tilespmem:$0x1A100] =	vst v63  }
0x29: {  	s26 =	simm.s32 $0x3900  }
0x2a: {  	[tilespmem:s26], [sflag:$0x1] =	stream.indirect_vreg.gather [hbm4b:s3+s2], $0x80, v3, vm0, $0xb8;
	[tilespmem:$0x1A100] =	vst v63  }
0x2b: {  	s30 =	simm.s32 $0x4100  }
0x2c: {  	[tilespmem:s30], [sflag:$0x1] =	stream.indirect_vreg.gather [hbm4b:s7+s2], $0x80, v3, vm0, $0xb8;
	[tilespmem:$0x1A100] =	vst v63  }
0x2d: {  	s31 =	simm.s32 $0x4900  }
0x2e: {  	[tilespmem:s31], [sflag:$0x1] =	stream.indirect_vreg.gather [hbm4b:s8+s2], $0x80, v3, vm0, $0xb8;
	[tilespmem:$0x1A100] =	vst v63  }
0x2f: {  	v3 =	vld [tilespmem:$0x10];
	_ =	sdelay $0x4  }
0x30: {  	v4 =	vshrl.u32 v3, $0x3  }
0x31: {  	v4 =	vmul.u32 $0x30, v4  }
0x32: {  	v3 =	vand.u32 $0x7, v3  }
0x33: {  	v3 =	vor.u32 v3, v4  }
0x34: {  	v4 =	vperm.xlane v3, v0;
	_ =	sdelay $0x1  }
0x35: {  	v4 =	vadd.s32 v1, v4;
	_ =	sdelay $0x3  }
0x36: {  	s26 =	simm.s32 $0x5100;
	v3 =	vperm.xlane v3, v2  }
0x37: {  	[tilespmem:s26], [sflag:$0x1] =	stream.indirect_vreg.gather [hbm4b:s3+s2], $0x80, v4, vm0, $0xb8;
	[tilespmem:$0x1A100] =	vst v63  }
0x38: {  	s30 =	simm.s32 $0x5900;
	v3 =	vadd.s32 v1, v3  }
0x39: {  	[tilespmem:s30], [sflag:$0x1] =	stream.indirect_vreg.gather [hbm4b:s7+s2], $0x80, v4, vm0, $0xb8;
	[tilespmem:$0x1A100] =	vst v63  }
0x3a: {  	s31 =	simm.s32 $0x6100  }
0x3b: {  	[tilespmem:s31], [sflag:$0x1] =	stream.indirect_vreg.gather [hbm4b:s8+s2], $0x80, v4, vm0, $0xb8;
	[tilespmem:$0x1A100] =	vst v63  }
0x3c: {  	s26 =	simm.s32 $0x6900  }
0x3d: {  	[tilespmem:s26], [sflag:$0x1] =	stream.indirect_vreg.gather [hbm4b:s3+s2], $0x80, v3, vm0, $0xb8;
	[tilespmem:$0x1A100] =	vst v63  }
0x3e: {  	s30 =	simm.s32 $0x7100  }
0x3f: {  	[tilespmem:s30], [sflag:$0x1] =	stream.indirect_vreg.gather [hbm4b:s7+s2], $0x80, v3, vm0, $0xb8;
	[tilespmem:$0x1A100] =	vst v63  }
0x40: {  	s31 =	simm.s32 $0x7900  }
0x41: {  	[tilespmem:s31], [sflag:$0x1] =	stream.indirect_vreg.gather [hbm4b:s8+s2], $0x80, v3, vm0, $0xb8;
	[tilespmem:$0x1A100] =	vst v63  }
0x42: {  	v3 =	vld [tilespmem:$0x20];
	_ =	sdelay $0x4  }
0x43: {  	v4 =	vshrl.u32 v3, $0x3  }
0x44: {  	v4 =	vmul.u32 $0x30, v4  }
0x45: {  	v3 =	vand.u32 $0x7, v3  }
0x46: {  	v3 =	vor.u32 v3, v4  }
0x47: {  	v4 =	vperm.xlane v3, v0;
	_ =	sdelay $0x1  }
0x48: {  	v4 =	vadd.s32 v1, v4;
	_ =	sdelay $0x3  }
0x49: {  	s26 =	simm.s32 $0x8100;
	v3 =	vperm.xlane v3, v2  }
0x4a: {  	[tilespmem:s26], [sflag:$0x1] =	stream.indirect_vreg.gather [hbm4b:s3+s2], $0x80, v4, vm0, $0xb8;
	[tilespmem:$0x1A100] =	vst v63  }
0x4b: {  	s30 =	simm.s32 $0x8900;
	v3 =	vadd.s32 v1, v3  }
0x4c: {  	[tilespmem:s30], [sflag:$0x1] =	stream.indirect_vreg.gather [hbm4b:s7+s2], $0x80, v4, vm0, $0xb8;
	[tilespmem:$0x1A100] =	vst v63  }
0x4d: {  	s31 =	simm.s32 $0x9100  }
0x4e: {  	[tilespmem:s31], [sflag:$0x1] =	stream.indirect_vreg.gather [hbm4b:s8+s2], $0x80, v4, vm0, $0xb8;
	[tilespmem:$0x1A100] =	vst v63  }
0x4f: {  	s26 =	simm.s32 $0x9900  }
0x50: {  	[tilespmem:s26], [sflag:$0x1] =	stream.indirect_vreg.gather [hbm4b:s3+s2], $0x80, v3, vm0, $0xb8;
	[tilespmem:$0x1A100] =	vst v63  }
0x51: {  	s30 =	simm.s32 $0xA100  }
0x52: {  	[tilespmem:s30], [sflag:$0x1] =	stream.indirect_vreg.gather [hbm4b:s7+s2], $0x80, v3, vm0, $0xb8;
	[tilespmem:$0x1A100] =	vst v63  }
0x53: {  	s31 =	simm.s32 $0xA900  }
0x54: {  	[tilespmem:s31], [sflag:$0x1] =	stream.indirect_vreg.gather [hbm4b:s8+s2], $0x80, v3, vm0, $0xb8;
	[tilespmem:$0x1A100] =	vst v63  }
0x55: {  	v3 =	vld [tilespmem:$0x30];
	_ =	sdelay $0x4  }
0x56: {  	v4 =	vshrl.u32 v3, $0x3  }
0x57: {  	v4 =	vmul.u32 $0x30, v4  }
0x58: {  	v3 =	vand.u32 $0x7, v3  }
0x59: {  	v3 =	vor.u32 v3, v4  }
0x5a: {  	v4 =	vperm.xlane v3, v0;
	_ =	sdelay $0x1  }
0x5b: {  	v4 =	vadd.s32 v1, v4;
	_ =	sdelay $0x3  }
0x5c: {  	s26 =	simm.s32 $0xB100;
	v3 =	vperm.xlane v3, v2  }
0x5d: {  	[tilespmem:s26], [sflag:$0x1] =	stream.indirect_vreg.gather [hbm4b:s3+s2], $0x80, v4, vm0, $0xb8;
	[tilespmem:$0x1A100] =	vst v63  }
0x5e: {  	s30 =	simm.s32 $0xB900;
	v3 =	vadd.s32 v1, v3  }
0x5f: {  	[tilespmem:s30], [sflag:$0x1] =	stream.indirect_vreg.gather [hbm4b:s7+s2], $0x80, v4, vm0, $0xb8;
	[tilespmem:$0x1A100] =	vst v63  }
0x60: {  	s31 =	simm.s32 $0xC100  }
0x61: {  	[tilespmem:s31], [sflag:$0x1] =	stream.indirect_vreg.gather [hbm4b:s8+s2], $0x80, v4, vm0, $0xb8;
	[tilespmem:$0x1A100] =	vst v63  }
0x62: {  	s26 =	simm.s32 $0xC900  }
0x63: {  	[tilespmem:s26], [sflag:$0x1] =	stream.indirect_vreg.gather [hbm4b:s3+s2], $0x80, v3, vm0, $0xb8;
	[tilespmem:$0x1A100] =	vst v63  }
0x64: {  	s30 =	simm.s32 $0xD100  }
0x65: {  	[tilespmem:s30], [sflag:$0x1] =	stream.indirect_vreg.gather [hbm4b:s7+s2], $0x80, v3, vm0, $0xb8;
	[tilespmem:$0x1A100] =	vst v63  }
0x66: {  	s31 =	simm.s32 $0xD900  }
0x67: {  	[tilespmem:s31], [sflag:$0x1] =	stream.indirect_vreg.gather [hbm4b:s8+s2], $0x80, v3, vm0, $0xb8;
	[tilespmem:$0x1A100] =	vst v63  }
0x68: {  	v3 =	vld [tilespmem:$0x80];
	_ =	sdelay $0x4  }
0x69: {  	v4 =	vshrl.u32 v3, $0x3  }
0x6a: {  	v4 =	vmul.u32 $0x30, v4  }
0x6b: {  	v3 =	vand.u32 $0x7, v3  }
0x6c: {  	v3 =	vor.u32 v3, v4  }
0x6d: {  	v4 =	vperm.xlane v3, v0;
	_ =	sdelay $0x1  }
0x6e: {  	v4 =	vadd.s32 v1, v4;
	_ =	sdelay $0x3  }
0x6f: {  	s26 =	simm.s32 $0xE100;
	v3 =	vperm.xlane v3, v2  }
0x70: {  	[tilespmem:s26], [sflag:$0x2] =	stream.indirect_vreg.gather [hbm4b:s3+s2], $0x80, v4, vm0, $0xb8;
	[tilespmem:$0x1A100] =	vst v63  }
0x71: {  	s30 =	simm.s32 $0xE900;
	v3 =	vadd.s32 v1, v3  }
0x72: {  	[tilespmem:s30], [sflag:$0x2] =	stream.indirect_vreg.gather [hbm4b:s7+s2], $0x80, v4, vm0, $0xb8;
	[tilespmem:$0x1A100] =	vst v63  }
0x73: {  	s31 =	simm.s32 $0xF100  }
0x74: {  	[tilespmem:s31], [sflag:$0x2] =	stream.indirect_vreg.gather [hbm4b:s8+s2], $0x80, v4, vm0, $0xb8;
	[tilespmem:$0x1A100] =	vst v63  }
0x75: {  	s26 =	simm.s32 $0xF900  }
0x76: {  	[tilespmem:s26], [sflag:$0x2] =	stream.indirect_vreg.gather [hbm4b:s3+s2], $0x80, v3, vm0, $0xb8;
	[tilespmem:$0x1A100] =	vst v63  }
0x77: {  	s30 =	simm.s32 $0x10100  }
0x78: {  	[tilespmem:s30], [sflag:$0x2] =	stream.indirect_vreg.gather [hbm4b:s7+s2], $0x80, v3, vm0, $0xb8;
	[tilespmem:$0x1A100] =	vst v63  }
0x79: {  	s31 =	simm.s32 $0x10900  }
0x7a: {  	[tilespmem:s31], [sflag:$0x2] =	stream.indirect_vreg.gather [hbm4b:s8+s2], $0x80, v3, vm0, $0xb8;
	[tilespmem:$0x1A100] =	vst v63  }
0x7b: {  	v3 =	vld [tilespmem:$0x90];
	_ =	sdelay $0x4  }
0x7c: {  	v4 =	vshrl.u32 v3, $0x3  }
0x7d: {  	v4 =	vmul.u32 $0x30, v4  }
0x7e: {  	v3 =	vand.u32 $0x7, v3  }
0x7f: {  	v3 =	vor.u32 v3, v4  }
0x80: {  	v4 =	vperm.xlane v3, v0;
	_ =	sdelay $0x1  }
0x81: {  	v4 =	vadd.s32 v1, v4;
	_ =	sdelay $0x3  }
0x82: {  	s26 =	simm.s32 $0x11100;
	v3 =	vperm.xlane v3, v2  }
0x83: {  	[tilespmem:s26], [sflag:$0x2] =	stream.indirect_vreg.gather [hbm4b:s3+s2], $0x80, v4, vm0, $0xb8;
	[tilespmem:$0x1A100] =	vst v63  }
0x84: {  	s30 =	simm.s32 $0x11900;
	v3 =	vadd.s32 v1, v3  }
0x85: {  	[tilespmem:s30], [sflag:$0x2] =	stream.indirect_vreg.gather [hbm4b:s7+s2], $0x80, v4, vm0, $0xb8;
	[tilespmem:$0x1A100] =	vst v63  }
0x86: {  	s31 =	simm.s32 $0x12100  }
0x87: {  	[tilespmem:s31], [sflag:$0x2] =	stream.indirect_vreg.gather [hbm4b:s8+s2], $0x80, v4, vm0, $0xb8;
	[tilespmem:$0x1A100] =	vst v63  }
0x88: {  	s26 =	simm.s32 $0x12900  }
0x89: {  	[tilespmem:s26], [sflag:$0x2] =	stream.indirect_vreg.gather [hbm4b:s3+s2], $0x80, v3, vm0, $0xb8;
	[tilespmem:$0x1A100] =	vst v63  }
0x8a: {  	s30 =	simm.s32 $0x13100  }
0x8b: {  	[tilespmem:s30], [sflag:$0x2] =	stream.indirect_vreg.gather [hbm4b:s7+s2], $0x80, v3, vm0, $0xb8;
	[tilespmem:$0x1A100] =	vst v63  }
0x8c: {  	s31 =	simm.s32 $0x13900  }
0x8d: {  	[tilespmem:s31], [sflag:$0x2] =	stream.indirect_vreg.gather [hbm4b:s8+s2], $0x80, v3, vm0, $0xb8;
	[tilespmem:$0x1A100] =	vst v63  }
0x8e: {  	v3 =	vld [tilespmem:$0xA0];
	_ =	sdelay $0x4  }
0x8f: {  	v4 =	vshrl.u32 v3, $0x3  }
0x90: {  	v4 =	vmul.u32 $0x30, v4  }
0x91: {  	v3 =	vand.u32 $0x7, v3  }
0x92: {  	v3 =	vor.u32 v3, v4  }
0x93: {  	v4 =	vperm.xlane v3, v0;
	_ =	sdelay $0x1  }
0x94: {  	v4 =	vadd.s32 v1, v4;
	_ =	sdelay $0x3  }
0x95: {  	s26 =	simm.s32 $0x14100;
	v3 =	vperm.xlane v3, v2  }
0x96: {  	[tilespmem:s26], [sflag:$0x2] =	stream.indirect_vreg.gather [hbm4b:s3+s2], $0x80, v4, vm0, $0xb8;
	[tilespmem:$0x1A100] =	vst v63  }
0x97: {  	v3 =	vadd.s32 v1, v3  }
0x98: {  	[tilespmem:s0], [sflag:$0x2] =	stream.indirect_vreg.gather [hbm4b:s7+s2], $0x80, v4, vm0, $0xb8;
	[tilespmem:$0x1A100] =	vst v63  }
0x99: {  	_ = 	snop  }
0x9a: {  	[tilespmem:s1], [sflag:$0x2] =	stream.indirect_vreg.gather [hbm4b:s8+s2], $0x80, v4, vm0, $0xb8;
	[tilespmem:$0x1A100] =	vst v63  }
0x9b: {  	_ = 	snop  }
0x9c: {  	[tilespmem:s12], [sflag:$0x2] =	stream.indirect_vreg.gather [hbm4b:s3+s2], $0x80, v3, vm0, $0xb8;
	[tilespmem:$0x1A100] =	vst v63  }
0x9d: {  	_ = 	snop  }
0x9e: {  	[tilespmem:s13], [sflag:$0x2] =	stream.indirect_vreg.gather [hbm4b:s7+s2], $0x80, v3, vm0, $0xb8;
	[tilespmem:$0x1A100] =	vst v63  }
0x9f: {  	_ = 	snop  }
0xa0: {  	[tilespmem:s15], [sflag:$0x2] =	stream.indirect_vreg.gather [hbm4b:s8+s2], $0x80, v3, vm0, $0xb8;
	[tilespmem:$0x1A100] =	vst v63  }
0xa1: {  	v3 =	vld [tilespmem:$0xB0];
	_ =	sdelay $0x4  }
0xa2: {  	v4 =	vshrl.u32 v3, $0x3  }
0xa3: {  	v4 =	vmul.u32 $0x30, v4  }
0xa4: {  	v3 =	vand.u32 $0x7, v3  }
0xa5: {  	v3 =	vor.u32 v3, v4  }
0xa6: {  	v4 =	vperm.xlane v3, v0;
	_ =	sdelay $0x1  }
0xa7: {  	v4 =	vadd.s32 v1, v4;
	_ =	sdelay $0x3  }
0xa8: {  	v3 =	vperm.xlane v3, v2  }
0xa9: {  	[tilespmem:s16], [sflag:$0x2] =	stream.indirect_vreg.gather [hbm4b:s3+s2], $0x80, v4, vm0, $0xb8;
	[tilespmem:$0x1A100] =	vst v63  }
0xaa: {  	v3 =	vadd.s32 v1, v3  }
0xab: {  	[tilespmem:s17], [sflag:$0x2] =	stream.indirect_vreg.gather [hbm4b:s7+s2], $0x80, v4, vm0, $0xb8;
	[tilespmem:$0x1A100] =	vst v63  }
0xac: {  	_ = 	snop  }
0xad: {  	[tilespmem:s18], [sflag:$0x2] =	stream.indirect_vreg.gather [hbm4b:s8+s2], $0x80, v4, vm0, $0xb8;
	[tilespmem:$0x1A100] =	vst v63  }
0xae: {  	_ = 	snop  }
0xaf: {  	[tilespmem:s19], [sflag:$0x2] =	stream.indirect_vreg.gather [hbm4b:s3+s2], $0x80, v3, vm0, $0xb8;
	[tilespmem:$0x1A100] =	vst v63  }
0xb0: {  	_ = 	snop  }
0xb1: {  	[tilespmem:s20], [sflag:$0x2] =	stream.indirect_vreg.gather [hbm4b:s7+s2], $0x80, v3, vm0, $0xb8;
	[tilespmem:$0x1A100] =	vst v63  }
0xb2: {  	_ = 	snop  }
0xb3: {  	[tilespmem:s21], [sflag:$0x2] =	stream.indirect_vreg.gather [hbm4b:s8+s2], $0x80, v3, vm0, $0xb8;
	[tilespmem:$0x1A100] =	vst v63  }
0xb4: {  	_ =	swait.ge [sflag:s22], $0xC000  }
0xb5: {  	[sflag:s22] =	ssyncset.done $0x0  }
0xb6: {  	s30 =	simm.s32 $0x0;
	[sflag:s22] =	ssyncadd.s32 $0xFFFF4000  }
0xb7: {  	s25 =	smul.u32 $0x1800, s30;
	_ =	swait.ge [sflag:s23], $0xC000  }
0xb8: {  	s26 =	sand.u32 $0x380, s2;
	[sflag:s23] =	ssyncset.done $0x0  }
0xb9: {  	s29 =	sor.u32 s26, s25;
	[sflag:s23] =	ssyncadd.s32 $0xFFFF4000  }
0xba: {  	v4 =	vld [tilespmem:s29+$0x2110]  }
0xbb: {  	v3 =	vld [tilespmem:s29+$0xE110]  }
0xbc: {  	v6 =	vld [tilespmem:s29+$0x2120]  }
0xbd: {  	v5 =	vld [tilespmem:s29+$0xE120]  }
0xbe: {  	v10 =	vld [tilespmem:s29+$0x2130]  }
0xbf: {  	v7 =	vld [tilespmem:s29+$0xE130]  }
0xc0: {  	v12 =	vld [tilespmem:s29+$0x2140]  }
0xc1: {  	v11 =	vld [tilespmem:s29+$0xE140]  }
0xc2: {  	v13 =	vld [tilespmem:s29+$0x2160]  }
0xc3: {  	v14 =	vld [tilespmem:s29+$0x2170]  }
0xc4: {  	v15 =	vld [tilespmem:s29+$0x2500]  }
0xc5: {  	v16 =	vld [tilespmem:s29+$0x2510]  }
0xc6: {  	v17 =	vld [tilespmem:s29+$0x2520]  }
0xc7: {  	v18 =	vld [tilespmem:s29+$0x2530]  }
0xc8: {  	v19 =	vld [tilespmem:s29+$0x2540]  }
0xc9: {  	v20 =	vld [tilespmem:s29+$0x2550]  }
0xca: {  	v21 =	vld [tilespmem:s29+$0x2560]  }
0xcb: {  	v22 =	vld [tilespmem:s29+$0x2570]  }
0xcc: {  	v23 =	vld [tilespmem:s29+$0x2900]  }
0xcd: {  	v24 =	vld [tilespmem:s29+$0x2910]  }
0xce: {  	v25 =	vld [tilespmem:s29+$0x2920]  }
0xcf: {  	v26 =	vld [tilespmem:s29+$0x2930]  }
0xd0: {  	v27 =	vld [tilespmem:s29+$0x2940]  }
0xd1: {  	v28 =	vld [tilespmem:s29+$0x2950]  }
0xd2: {  	v29 =	vld [tilespmem:s29+$0x2960]  }
0xd3: {  	v30 =	vld [tilespmem:s29+$0x2970]  }
0xd4: {  	v31 =	vld [tilespmem:s29+$0x2D00]  }
0xd5: {  	v32 =	vld [tilespmem:s29+$0x2D10]  }
0xd6: {  	v33 =	vld [tilespmem:s29+$0x2D20]  }
0xd7: {  	v34 =	vld [tilespmem:s29+$0x2D30]  }
0xd8: {  	v35 =	vld [tilespmem:s29+$0x2D40]  }
0xd9: {  	v36 =	vld [tilespmem:s29+$0x2D50]  }
0xda: {  	v37 =	vld [tilespmem:s29+$0x2D60]  }
0xdb: {  	v38 =	vld [tilespmem:s29+$0x2D70]  }
0xdc: {  	v39 =	vld [tilespmem:s29+$0x3100]  }
0xdd: {  	v40 =	vld [tilespmem:s29+$0x3110]  }
0xde: {  	v41 =	vld [tilespmem:s29+$0x3120]  }
0xdf: {  	v42 =	vld [tilespmem:s29+$0x3130]  }
0xe0: {  	v43 =	vld [tilespmem:s29+$0x3140]  }
0xe1: {  	v44 =	vld [tilespmem:s29+$0x3150]  }
0xe2: {  	v45 =	vld [tilespmem:s29+$0x3160]  }
0xe3: {  	v46 =	vld [tilespmem:s29+$0x3500]  }
0xe4: {  	v47 =	vld [tilespmem:s29+$0x3510]  }
0xe5: {  	v48 =	vld [tilespmem:s29+$0xF510]  }
0xe6: {  	v49 =	vld [tilespmem:s29+$0xF530]  }
0xe7: {  	v50 =	vld [tilespmem:s29+$0x3530]  }
0xe8: {  	s26 =	simm.s32 $0x110;
	v51 =	vld [tilespmem:s29+$0x3520]  }
0xe9: {  	v8 =	vld [tilespmem:s26+$0xFFFFFFF0]  }
0xea: {  	v9 =	vld [tilespmem:s26+$0x0]  }
0xeb: {  	v52 =	vld [tilespmem:s29+$0xF520]  }
0xec: {  	v53 =	vld [tilespmem:s29+$0xF500]  }
0xed: {  	v54 =	vld [tilespmem:s29+$0x3170]  }
0xee: {  	v55 =	vld [tilespmem:s29+$0xF170];
	v50 =	vmul.f32 v50, v8  }
0xef: {  	v56 =	vld [tilespmem:s29+$0xF160];
	v49 =	vmul.f32 v49, v9;
	v51 =	vmul.f32 v51, v8  }
0xf0: {  	v61 =	vld [tilespmem:s29+$0xF100];
	v52 =	vmul.f32 v52, v9;
	v47 =	vmul.f32 v47, v8  }
0xf1: {  	v57 =	vld [tilespmem:s29+$0xF150];
	v48 =	vmul.f32 v48, v9;
	v46 =	vmul.f32 v46, v8;
	v49 =	vadd.f32 v49, v50  }
0xf2: {  	v58 =	vld [tilespmem:s29+$0xF140];
	v62 =	vmul.f32 v53, v9;
	v63 =	vmul.f32 v54, v8;
	v51 =	vadd.f32 v52, v51  }
0xf3: {  	v53 =	vld [tilespmem:s29+$0xF130];
	v59 =	vmul.f32 v55, v9;
	v45 =	vmul.f32 v45, v8;
	v47 =	vadd.f32 v48, v47;
	[tilespmem:s29+$0x3530] =	vst v49  }
0xf4: {  	v60 =	vmul.f32 v56, v9;
	v56 =	vld [tilespmem:s29+$0xED60];
	v39 =	vmul.f32 v39, v8;
	v46 =	vadd.f32 v62, v46;
	[tilespmem:s29+$0x3520] =	vst v51  }
0xf5: {  	v61 =	vmul.f32 v61, v9;
	v55 =	vld [tilespmem:s29+$0xE970];
	v12 =	vmul.f32 v12, v8;
	v52 =	vadd.f32 v59, v63;
	[tilespmem:s29+$0x3510] =	vst v47  }
0xf6: {  	v11 =	vmul.f32 v11, v9;
	v10 =	vmul.f32 v10, v8;
	v48 =	vld [tilespmem:s29+$0xF120];
	v45 =	vadd.f32 v60, v45;
	[tilespmem:s29+$0x3500] =	vst v46  }
0xf7: {  	v7 =	vmul.f32 v7, v9;
	v63 =	vmul.f32 v58, v9;
	v58 =	vld [tilespmem:s29+$0xED50];
	v39 =	vadd.f32 v61, v39;
	[tilespmem:s29+$0x3170] =	vst v52  }
0xf8: {  	v44 =	vmul.f32 v44, v8;
	v62 =	vmul.f32 v57, v9;
	v59 =	vld [tilespmem:s29+$0xED40];
	v11 =	vadd.f32 v11, v12;
	[tilespmem:s29+$0x3160] =	vst v45  }
0xf9: {  	v43 =	vmul.f32 v43, v8;
	v60 =	vld [tilespmem:s29+$0xED30];
	v7 =	vadd.f32 v7, v10;
	[tilespmem:s29+$0x3100] =	vst v39  }
0xfa: {  	v42 =	vmul.f32 v42, v8;
	v61 =	vld [tilespmem:s29+$0xE910];
	v44 =	vadd.f32 v62, v44;
	[tilespmem:s29+$0x2140] =	vst v11;
	v57 =	vmul.f32 v53, v9  }
0xfb: {  	v37 =	vmul.f32 v37, v8;
	v49 =	vld [tilespmem:s29+$0xF110];
	v43 =	vadd.f32 v63, v43;
	[tilespmem:s29+$0x2130] =	vst v7;
	v46 =	vmul.f32 v56, v9  }
0xfc: {  	v41 =	vmul.f32 v41, v8;
	v47 =	vld [tilespmem:s29+$0xED70];
	[tilespmem:s29+$0x3150] =	vst v44;
	v48 =	vmul.f32 v48, v9;
	v42 =	vadd.f32 v57, v42  }
0xfd: {  	v36 =	vmul.f32 v36, v8;
	v62 =	vld [tilespmem:s29+$0xED20];
	[tilespmem:s29+$0x3140] =	vst v43;
	v54 =	vmul.f32 v58, v9;
	v37 =	vadd.f32 v46, v37  }
0xfe: {  	v35 =	vmul.f32 v35, v8;
	v63 =	vld [tilespmem:s29+$0xED10];
	v45 =	vmul.f32 v59, v9;
	v41 =	vadd.f32 v48, v41;
	[tilespmem:s29+$0x3130] =	vst v42  }
0xff: {  	v34 =	vmul.f32 v34, v8;
	v56 =	vld [tilespmem:s29+$0xE960];
	v44 =	vmul.f32 v60, v9;
	v36 =	vadd.f32 v54, v36;
	[tilespmem:s29+$0x2D60] =	vst v37  }
0x100: {  	v40 =	vmul.f32 v40, v8;
	v53 =	vld [tilespmem:s29+$0xED00];
	v49 =	vmul.f32 v49, v9;
	v35 =	vadd.f32 v45, v35;
	[tilespmem:s29+$0x3120] =	vst v41  }
0x101: {  	v38 =	vmul.f32 v38, v8;
	v12 =	vld [tilespmem:s29+$0x3560];
	v47 =	vmul.f32 v47, v9;
	v34 =	vadd.f32 v44, v34;
	[tilespmem:s29+$0x2D50] =	vst v36  }
0x102: {  	v33 =	vmul.f32 v33, v8;
	v58 =	vld [tilespmem:s29+$0xE940];
	v43 =	vmul.f32 v62, v9;
	v40 =	vadd.f32 v49, v40;
	[tilespmem:s29+$0x2D40] =	vst v35  }
0x103: {  	v32 =	vmul.f32 v32, v8;
	v57 =	vld [tilespmem:s29+$0xE950];
	v42 =	vmul.f32 v63, v9;
	v38 =	vadd.f32 v47, v38;
	[tilespmem:s29+$0x2D30] =	vst v34  }
0x104: {  	v29 =	vmul.f32 v29, v8;
	v60 =	vld [tilespmem:s29+$0xE920];
	v39 =	vmul.f32 v56, v9;
	v33 =	vadd.f32 v43, v33;
	[tilespmem:s29+$0x3110] =	vst v40  }
0x105: {  	v31 =	vmul.f32 v31, v8;
	v59 =	vld [tilespmem:s29+$0xE930];
	v41 =	vmul.f32 v53, v9;
	v32 =	vadd.f32 v42, v32;
	[tilespmem:s29+$0x2D70] =	vst v38  }
0x106: {  	v24 =	vmul.f32 v24, v8;
	v62 =	vld [tilespmem:s29+$0xE900];
	v34 =	vmul.f32 v61, v9;
	v29 =	vadd.f32 v39, v29;
	[tilespmem:s29+$0x2D20] =	vst v33  }
0x107: {  	v27 =	vmul.f32 v27, v8;
	v63 =	vld [tilespmem:s29+$0xE570];
	v37 =	vmul.f32 v58, v9;
	v31 =	vadd.f32 v41, v31;
	[tilespmem:s29+$0x2D10] =	vst v32  }
0x108: {  	v30 =	vmul.f32 v30, v8;
	v40 =	vmul.f32 v55, v9;
	v24 =	vadd.f32 v34, v24;
	[tilespmem:s29+$0x2960] =	vst v29;
	v29 =	vld [tilespmem:s29+$0xE540]  }
0x109: {  	v25 =	vmul.f32 v25, v8;
	v35 =	vmul.f32 v60, v9;
	v27 =	vadd.f32 v37, v27;
	[tilespmem:s29+$0x2D00] =	vst v31;
	v31 =	vld [tilespmem:s29+$0xE560]  }
0x10a: {  	v28 =	vmul.f32 v28, v8;
	v38 =	vmul.f32 v57, v9;
	v30 =	vadd.f32 v40, v30;
	[tilespmem:s29+$0x2910] =	vst v24;
	v24 =	vld [tilespmem:s29+$0xE170]  }
0x10b: {  	v23 =	vmul.f32 v23, v8;
	v33 =	vmul.f32 v62, v9;
	v25 =	vadd.f32 v35, v25;
	[tilespmem:s29+$0x2940] =	vst v27;
	v27 =	vld [tilespmem:s29+$0xE520]  }
0x10c: {  	v26 =	vmul.f32 v26, v8;
	v36 =	vmul.f32 v59, v9;
	v28 =	vadd.f32 v38, v28;
	[tilespmem:s29+$0x2970] =	vst v30;
	v30 =	vld [tilespmem:s29+$0xE550]  }
0x10d: {  	v22 =	vmul.f32 v22, v8;
	v32 =	vmul.f32 v63, v9;
	v23 =	vadd.f32 v33, v23;
	[tilespmem:s29+$0x2920] =	vst v25;
	v25 =	vld [tilespmem:s29+$0xE500]  }
0x10e: {  	v19 =	vmul.f32 v19, v8;
	v26 =	vadd.f32 v36, v26;
	[tilespmem:s29+$0x2950] =	vst v28;
	v28 =	vld [tilespmem:s29+$0xE530];
	v29 =	vmul.f32 v29, v9  }
0x10f: {  	v21 =	vmul.f32 v21, v8;
	v22 =	vadd.f32 v32, v22;
	[tilespmem:s29+$0x2900] =	vst v23;
	v23 =	vld [tilespmem:s29+$0xE160];
	v31 =	vmul.f32 v31, v9  }
0x110: {  	v17 =	vmul.f32 v17, v8;
	[tilespmem:s29+$0x2930] =	vst v26;
	v26 =	vld [tilespmem:s29+$0xE510];
	v27 =	vmul.f32 v27, v9;
	v19 =	vadd.f32 v29, v19  }
0x111: {  	v20 =	vmul.f32 v20, v8;
	[tilespmem:s29+$0x2570] =	vst v22;
	v22 =	vld [tilespmem:s29+$0x2150];
	v30 =	vmul.f32 v30, v9;
	v21 =	vadd.f32 v31, v21  }
0x112: {  	v15 =	vmul.f32 v15, v8;
	v25 =	vmul.f32 v25, v9;
	v17 =	vadd.f32 v27, v17;
	[tilespmem:s29+$0x2540] =	vst v19;
	v19 =	vld [tilespmem:s29+$0xF550]  }
0x113: {  	v18 =	vmul.f32 v18, v8;
	v28 =	vmul.f32 v28, v9;
	v20 =	vadd.f32 v30, v20;
	[tilespmem:s29+$0x2560] =	vst v21;
	v21 =	vld [tilespmem:s29+$0xE150]  }
0x114: {  	v13 =	vmul.f32 v13, v8;
	v23 =	vmul.f32 v23, v9;
	v15 =	vadd.f32 v25, v15;
	[tilespmem:s29+$0x2520] =	vst v17;
	v17 =	vld [tilespmem:s29+$0x3540]  }
0x115: {  	v6 =	vmul.f32 v6, v8;
	v5 =	vmul.f32 v5, v9;
	v18 =	vadd.f32 v28, v18;
	[tilespmem:s29+$0x2550] =	vst v20;
	v20 =	vld [tilespmem:s29+$0xF540]  }
0x116: {  	v14 =	vmul.f32 v14, v8;
	v24 =	vmul.f32 v24, v9;
	v13 =	vadd.f32 v23, v13;
	[tilespmem:s29+$0x2500] =	vst v15;
	v15 =	vld [tilespmem:s29+$0x3550]  }
0x117: {  	v4 =	vmul.f32 v4, v8;
	v3 =	vmul.f32 v3, v9;
	v5 =	vadd.f32 v5, v6;
	[tilespmem:s29+$0x2530] =	vst v18;
	v18 =	vld [tilespmem:s29+$0xF560]  }
0x118: {  	v6 =	vld [tilespmem:s29+$0x2100];
	v14 =	vadd.f32 v24, v14;
	v10 =	vmul.f32 v22, v8;
	[tilespmem:s29+$0x2160] =	vst v13;
	v13 =	vmul.f32 v21, v9  }
0x119: {  	s31 =	simm.s32 $0x0;
	v16 =	vmul.f32 v16, v8;
	v3 =	vadd.f32 v3, v4;
	v7 =	vld [tilespmem:s29+$0xE100];
	[tilespmem:s29+$0x2120] =	vst v5;
	v26 =	vmul.f32 v26, v9  }
0x11a: {  	s28 =	simm.s32 $0x80;
	s25 =	smul.u32 $0x1800, s31;
	[tilespmem:s29+$0x2170] =	vst v14;
	v14 =	vld [tilespmem:s29+$0x3570];
	v11 =	vmul.f32 v17, v8;
	v17 =	vmul.f32 v20, v9;
	v4 =	vadd.f32 v13, v10  }
0x11b: {  	s30 =	sand.u32 $0x380, s28;
	[tilespmem:s29+$0x2110] =	vst v3;
	v16 =	vadd.f32 v26, v16;
	v5 =	vmul.f32 v15, v8;
	v10 =	vmul.f32 v19, v9  }
0x11c: {  	s25 =	sor.u32 s30, s25;
	v11 =	vadd.f32 v17, v11;
	[tilespmem:s29+$0x2150] =	vst v4;
	v4 =	vmul.f32 v12, v8;
	v12 =	vmul.f32 v18, v9  }
0x11d: {  	v3 =	vld [tilespmem:s25+$0x2110];
	[tilespmem:s29+$0x2510] =	vst v16;
	v5 =	vadd.f32 v10, v5  }
0x11e: {  	v7 =	vmul.f32 v7, v9;
	v16 =	vld [tilespmem:s29+$0xF570];
	[tilespmem:s29+$0x3540] =	vst v11;
	v12 =	vadd.f32 v12, v4  }
0x11f: {  	v10 =	vmul.f32 v14, v8;
	v8 =	vmul.f32 v6, v8;
	v4 =	vld [tilespmem:s25+$0xE110];
	[tilespmem:s29+$0x3550] =	vst v5  }
0x120: {  	v6 =	vld [tilespmem:s25+$0x2120];
	[tilespmem:s29+$0x3560] =	vst v12  }
0x121: {  	v7 =	vadd.f32 v7, v8;
	v5 =	vld [tilespmem:s25+$0xE120]  }
0x122: {  	v8 =	vld [tilespmem:s25+$0x2130]  }
0x123: {  	[tilespmem:s29+$0x2100] =	vst v7;
	v18 =	vld [tilespmem:s25+$0x2530]  }
0x124: {  	v11 =	vmul.f32 v16, v9;
	v26 =	vld [tilespmem:s25+$0x2930]  }
0x125: {  	v36 =	vld [tilespmem:s25+$0x2D30]  }
0x126: {  	v9 =	vadd.f32 v11, v10;
	v44 =	vld [tilespmem:s25+$0x3130]  }
0x127: {  	v48 =	vld [tilespmem:s25+$0x3500]  }
0x128: {  	[tilespmem:s29+$0x3570] =	vst v9;
	v50 =	vld [tilespmem:s25+$0x3510]  }
0x129: {  	v7 =	vld [tilespmem:s25+$0xE130]  }
0x12a: {  	v10 =	vld [tilespmem:s25+$0x2140]  }
0x12b: {  	v9 =	vld [tilespmem:s25+$0xE140]  }
0x12c: {  	v12 =	vld [tilespmem:s25+$0x2150]  }
0x12d: {  	v11 =	vld [tilespmem:s25+$0xE150]  }
0x12e: {  	v13 =	vld [tilespmem:s25+$0x2160]  }
0x12f: {  	v14 =	vld [tilespmem:s25+$0x2170]  }
0x130: {  	v15 =	vld [tilespmem:s25+$0x2500]  }
0x131: {  	v16 =	vld [tilespmem:s25+$0x2510]  }
0x132: {  	v17 =	vld [tilespmem:s25+$0x2520]  }
0x133: {  	v19 =	vld [tilespmem:s25+$0x2540]  }
0x134: {  	v20 =	vld [tilespmem:s25+$0x2550]  }
0x135: {  	v21 =	vld [tilespmem:s25+$0x2560]  }
0x136: {  	v22 =	vld [tilespmem:s25+$0x2570]  }
0x137: {  	v23 =	vld [tilespmem:s25+$0x2900]  }
0x138: {  	v24 =	vld [tilespmem:s25+$0x2910]  }
0x139: {  	v25 =	vld [tilespmem:s25+$0x2920]  }
0x13a: {  	v27 =	vld [tilespmem:s25+$0x2940]  }
0x13b: {  	v28 =	vld [tilespmem:s25+$0x2950]  }
0x13c: {  	v29 =	vld [tilespmem:s25+$0x2960]  }
0x13d: {  	v30 =	vld [tilespmem:s25+$0x2970]  }
0x13e: {  	v32 =	vld [tilespmem:s25+$0x2D00]  }
0x13f: {  	v34 =	vld [tilespmem:s25+$0x2D10]  }
0x140: {  	v35 =	vld [tilespmem:s25+$0x2D20]  }
0x141: {  	v37 =	vld [tilespmem:s25+$0x2D40]  }
0x142: {  	v38 =	vld [tilespmem:s25+$0x2D50]  }
0x143: {  	v39 =	vld [tilespmem:s25+$0x2D60]  }
0x144: {  	v40 =	vld [tilespmem:s25+$0x2D70]  }
0x145: {  	v41 =	vld [tilespmem:s25+$0x3100]  }
0x146: {  	v42 =	vld [tilespmem:s25+$0x3110]  }
0x147: {  	v43 =	vld [tilespmem:s25+$0x3120]  }
0x148: {  	v45 =	vld [tilespmem:s25+$0x3140]  }
0x149: {  	v46 =	vld [tilespmem:s25+$0x3150]  }
0x14a: {  	v47 =	vld [tilespmem:s25+$0x3160]  }
0x14b: {  	v49 =	vld [tilespmem:s25+$0xF510]  }
0x14c: {  	s29 =	simm.s32 $0x2;
	v51 =	vld [tilespmem:s25+$0xF530]  }
.LBB2_2:
0x14d: {  	p0 =	sne.s32 s29, $0x3F;
	v52 =	vld [tilespmem:s25+$0x3530]  }
0x14e: {  	s26 =	sadd.s32 $0x80, s26;
	v53 =	vld [tilespmem:s25+$0x3520]  }
0x14f: {  	v33 =	vld [tilespmem:s26+$0xFFFFFFF0]  }
0x150: {  	v31 =	vld [tilespmem:s26+$0x0]  }
0x151: {  	v54 =	vld [tilespmem:s25+$0xF520]  }
0x152: {  	v55 =	vld [tilespmem:s25+$0xF500]  }
0x153: {  	v56 =	vld [tilespmem:s25+$0x3170]  }
0x154: {  	v57 =	vld [tilespmem:s25+$0xF170];
	v50 =	vmul.f32 v50, v33;
	v53 =	vmul.f32 v53, v33  }
0x155: {  	v52 =	vmul.f32 v52, v33;
	v58 =	vld [tilespmem:s25+$0xF160];
	v51 =	vmul.f32 v51, v31  }
0x156: {  	v49 =	vmul.f32 v49, v31;
	v59 =	vld [tilespmem:s25+$0xF150];
	v54 =	vmul.f32 v54, v31  }
0x157: {  	v48 =	vmul.f32 v48, v33;
	v60 =	vld [tilespmem:s25+$0xF140];
	v55 =	vmul.f32 v55, v31;
	v51 =	vadd.f32 v51, v52  }
0x158: {  	v49 =	vadd.f32 v49, v50;
	v52 =	vld [tilespmem:s25+$0xF130];
	v56 =	vmul.f32 v56, v33;
	v50 =	vadd.f32 v54, v53  }
0x159: {  	v47 =	vmul.f32 v47, v33;
	v53 =	vld [tilespmem:s25+$0xF120];
	v54 =	vmul.f32 v57, v31;
	v48 =	vadd.f32 v55, v48;
	[tilespmem:s25+$0x3530] =	vst v51  }
0x15a: {  	v46 =	vmul.f32 v46, v33;
	v51 =	vld [tilespmem:s25+$0xF110];
	v55 =	vmul.f32 v58, v31;
	[tilespmem:s25+$0x3520] =	vst v50  }
0x15b: {  	v45 =	vmul.f32 v45, v33;
	v50 =	vld [tilespmem:s25+$0xF100];
	v57 =	vmul.f32 v59, v31;
	v54 =	vadd.f32 v54, v56;
	[tilespmem:s25+$0x3510] =	vst v49  }
0x15c: {  	v44 =	vmul.f32 v44, v33;
	v49 =	vld [tilespmem:s25+$0xED70];
	v56 =	vmul.f32 v60, v31;
	v47 =	vadd.f32 v55, v47;
	[tilespmem:s25+$0x3500] =	vst v48  }
0x15d: {  	v43 =	vmul.f32 v43, v33;
	v48 =	vld [tilespmem:s25+$0xED60];
	v52 =	vmul.f32 v52, v31;
	v46 =	vadd.f32 v57, v46;
	[tilespmem:s25+$0x3170] =	vst v54  }
0x15e: {  	v42 =	vmul.f32 v42, v33;
	v54 =	vld [tilespmem:s25+$0xED50];
	v53 =	vmul.f32 v53, v31;
	v45 =	vadd.f32 v56, v45;
	[tilespmem:s25+$0x3160] =	vst v47  }
0x15f: {  	v41 =	vmul.f32 v41, v33;
	v47 =	vld [tilespmem:s25+$0xED40];
	v51 =	vmul.f32 v51, v31;
	v44 =	vadd.f32 v52, v44;
	[tilespmem:s25+$0x3150] =	vst v46  }
0x160: {  	v40 =	vmul.f32 v40, v33;
	v46 =	vld [tilespmem:s25+$0xED30];
	v50 =	vmul.f32 v50, v31;
	v43 =	vadd.f32 v53, v43;
	[tilespmem:s25+$0x3140] =	vst v45  }
0x161: {  	v39 =	vmul.f32 v39, v33;
	v45 =	vld [tilespmem:s25+$0xED20];
	v49 =	vmul.f32 v49, v31;
	v42 =	vadd.f32 v51, v42;
	[tilespmem:s25+$0x3130] =	vst v44  }
0x162: {  	v38 =	vmul.f32 v38, v33;
	v44 =	vld [tilespmem:s25+$0xED10];
	v48 =	vmul.f32 v48, v31;
	v41 =	vadd.f32 v50, v41;
	[tilespmem:s25+$0x3120] =	vst v43  }
0x163: {  	v37 =	vmul.f32 v37, v33;
	v43 =	vld [tilespmem:s25+$0xED00];
	v50 =	vmul.f32 v54, v31;
	v40 =	vadd.f32 v49, v40;
	[tilespmem:s25+$0x3110] =	vst v42  }
0x164: {  	v36 =	vmul.f32 v36, v33;
	v42 =	vld [tilespmem:s25+$0xE970];
	v47 =	vmul.f32 v47, v31;
	v39 =	vadd.f32 v48, v39;
	[tilespmem:s25+$0x3100] =	vst v41  }
0x165: {  	v35 =	vmul.f32 v35, v33;
	v41 =	vld [tilespmem:s25+$0xE960];
	v46 =	vmul.f32 v46, v31;
	v38 =	vadd.f32 v50, v38;
	[tilespmem:s25+$0x2D70] =	vst v40  }
0x166: {  	v34 =	vmul.f32 v34, v33;
	v40 =	vld [tilespmem:s25+$0xE950];
	v45 =	vmul.f32 v45, v31;
	v37 =	vadd.f32 v47, v37;
	[tilespmem:s25+$0x2D60] =	vst v39  }
0x167: {  	v32 =	vmul.f32 v32, v33;
	v39 =	vld [tilespmem:s25+$0xE940];
	v44 =	vmul.f32 v44, v31;
	v36 =	vadd.f32 v46, v36;
	[tilespmem:s25+$0x2D50] =	vst v38  }
0x168: {  	v30 =	vmul.f32 v30, v33;
	v38 =	vld [tilespmem:s25+$0xE930];
	v43 =	vmul.f32 v43, v31;
	v35 =	vadd.f32 v45, v35;
	[tilespmem:s25+$0x2D40] =	vst v37  }
0x169: {  	v29 =	vmul.f32 v29, v33;
	v37 =	vld [tilespmem:s25+$0xE920];
	v42 =	vmul.f32 v42, v31;
	v34 =	vadd.f32 v44, v34;
	[tilespmem:s25+$0x2D30] =	vst v36  }
0x16a: {  	v28 =	vmul.f32 v28, v33;
	v36 =	vld [tilespmem:s25+$0xE910];
	v41 =	vmul.f32 v41, v31;
	v32 =	vadd.f32 v43, v32;
	[tilespmem:s25+$0x2D20] =	vst v35  }
0x16b: {  	v27 =	vmul.f32 v27, v33;
	v35 =	vld [tilespmem:s25+$0xE900];
	v40 =	vmul.f32 v40, v31;
	v30 =	vadd.f32 v42, v30;
	[tilespmem:s25+$0x2D10] =	vst v34  }
0x16c: {  	v26 =	vmul.f32 v26, v33;
	v34 =	vld [tilespmem:s25+$0xE570];
	v39 =	vmul.f32 v39, v31;
	v29 =	vadd.f32 v41, v29;
	[tilespmem:s25+$0x2D00] =	vst v32  }
0x16d: {  	v25 =	vmul.f32 v25, v33;
	v32 =	vld [tilespmem:s25+$0xE560];
	v38 =	vmul.f32 v38, v31;
	v28 =	vadd.f32 v40, v28;
	[tilespmem:s25+$0x2970] =	vst v30  }
0x16e: {  	v24 =	vmul.f32 v24, v33;
	v30 =	vld [tilespmem:s25+$0xE550];
	v37 =	vmul.f32 v37, v31;
	v27 =	vadd.f32 v39, v27;
	[tilespmem:s25+$0x2960] =	vst v29  }
0x16f: {  	v23 =	vmul.f32 v23, v33;
	v29 =	vld [tilespmem:s25+$0xE540];
	v36 =	vmul.f32 v36, v31;
	v26 =	vadd.f32 v38, v26;
	[tilespmem:s25+$0x2950] =	vst v28  }
0x170: {  	v22 =	vmul.f32 v22, v33;
	v28 =	vld [tilespmem:s25+$0xE530];
	v35 =	vmul.f32 v35, v31;
	v25 =	vadd.f32 v37, v25;
	[tilespmem:s25+$0x2940] =	vst v27  }
0x171: {  	v21 =	vmul.f32 v21, v33;
	v27 =	vld [tilespmem:s25+$0xE520];
	v34 =	vmul.f32 v34, v31;
	v24 =	vadd.f32 v36, v24;
	[tilespmem:s25+$0x2930] =	vst v26  }
0x172: {  	v20 =	vmul.f32 v20, v33;
	v26 =	vld [tilespmem:s25+$0xE510];
	v32 =	vmul.f32 v32, v31;
	v23 =	vadd.f32 v35, v23;
	[tilespmem:s25+$0x2920] =	vst v25  }
0x173: {  	v19 =	vmul.f32 v19, v33;
	v25 =	vld [tilespmem:s25+$0xE500];
	v30 =	vmul.f32 v30, v31;
	v22 =	vadd.f32 v34, v22;
	[tilespmem:s25+$0x2910] =	vst v24  }
0x174: {  	v18 =	vmul.f32 v18, v33;
	v24 =	vld [tilespmem:s25+$0xE170];
	v29 =	vmul.f32 v29, v31;
	v21 =	vadd.f32 v32, v21;
	[tilespmem:s25+$0x2900] =	vst v23  }
0x175: {  	v17 =	vmul.f32 v17, v33;
	v23 =	vld [tilespmem:s25+$0xE160];
	v28 =	vmul.f32 v28, v31;
	v20 =	vadd.f32 v30, v20;
	[tilespmem:s25+$0x2570] =	vst v22  }
0x176: {  	v16 =	vmul.f32 v16, v33;
	v22 =	vmul.f32 v27, v31;
	v19 =	vadd.f32 v29, v19;
	[tilespmem:s25+$0x2560] =	vst v21;
	v21 =	vld [tilespmem:s25+$0xF540]  }
0x177: {  	v15 =	vmul.f32 v15, v33;
	v26 =	vmul.f32 v26, v31;
	v18 =	vadd.f32 v28, v18;
	[tilespmem:s25+$0x2550] =	vst v20;
	v20 =	vld [tilespmem:s25+$0xF550]  }
0x178: {  	v14 =	vmul.f32 v14, v33;
	v25 =	vmul.f32 v25, v31;
	v17 =	vadd.f32 v22, v17;
	[tilespmem:s25+$0x2540] =	vst v19;
	v19 =	vld [tilespmem:s25+$0xF560]  }
0x179: {  	v13 =	vmul.f32 v13, v33;
	v22 =	vmul.f32 v24, v31;
	v16 =	vadd.f32 v26, v16;
	[tilespmem:s25+$0x2530] =	vst v18;
	v18 =	vld [tilespmem:s25+$0xF570]  }
0x17a: {  	v12 =	vmul.f32 v12, v33;
	v23 =	vmul.f32 v23, v31;
	v15 =	vadd.f32 v25, v15;
	[tilespmem:s25+$0x2520] =	vst v17;
	v17 =	vld [tilespmem:s25+$0x3540]  }
0x17b: {  	v10 =	vmul.f32 v10, v33;
	v11 =	vmul.f32 v11, v31;
	v14 =	vadd.f32 v22, v14;
	[tilespmem:s25+$0x2510] =	vst v16;
	v16 =	vld [tilespmem:s25+$0x3550]  }
0x17c: {  	v8 =	vmul.f32 v8, v33;
	v9 =	vmul.f32 v9, v31;
	v13 =	vadd.f32 v23, v13;
	[tilespmem:s25+$0x2500] =	vst v15;
	v15 =	vld [tilespmem:s25+$0x3560]  }
0x17d: {  	v6 =	vmul.f32 v6, v33;
	v7 =	vmul.f32 v7, v31;
	v11 =	vadd.f32 v11, v12;
	[tilespmem:s25+$0x2170] =	vst v14;
	v12 =	vld [tilespmem:s25+$0x3570]  }
0x17e: {  	v3 =	vmul.f32 v3, v33;
	v5 =	vmul.f32 v5, v31;
	v9 =	vadd.f32 v9, v10;
	v14 =	vld [tilespmem:s25+$0x2100];
	[tilespmem:s25+$0x2160] =	vst v13  }
0x17f: {  	v4 =	vmul.f32 v4, v31;
	v7 =	vadd.f32 v7, v8;
	v10 =	vld [tilespmem:s25+$0xE100];
	[tilespmem:s25+$0x2150] =	vst v11;
	v8 =	vmul.f32 v17, v33  }
0x180: {  	s30 =	sshrl.u32 s29, $0x3;
	v5 =	vadd.f32 v5, v6;
	v6 =	vmul.f32 v21, v31;
	[tilespmem:s25+$0x2140] =	vst v9;
	v9 =	vmul.f32 v16, v33  }
0x181: {  	s28 =	sadd.s32 $0x80, s28;
	s30 =	smul.u32 $0x1800, s30;
	v3 =	vadd.f32 v4, v3;
	v4 =	vmul.f32 v20, v31;
	[tilespmem:s25+$0x2130] =	vst v7;
	v7 =	vmul.f32 v15, v33  }
0x182: {  	s31 =	sand.u32 $0x380, s28;
	[tilespmem:s25+$0x2120] =	vst v5;
	v5 =	vadd.f32 v6, v8;
	v6 =	vmul.f32 v19, v31;
	v8 =	vmul.f32 v12, v33  }
0x183: {  	s30 =	sor.u32 s31, s30;
	v9 =	vadd.f32 v4, v9;
	v12 =	vmul.f32 v18, v31;
	v11 =	vmul.f32 v14, v33;
	[tilespmem:s25+$0x2110] =	vst v3  }
0x184: {  	v3 =	vld [tilespmem:s30+$0x2110];
	v10 =	vmul.f32 v10, v31;
	[tilespmem:s25+$0x3540] =	vst v5;
	v5 =	vadd.f32 v6, v7  }
0x185: {  	v7 =	vadd.f32 v12, v8;
	v4 =	vld [tilespmem:s30+$0xE110];
	[tilespmem:s25+$0x3550] =	vst v9  }
0x186: {  	v6 =	vld [tilespmem:s30+$0x2120];
	v9 =	vadd.f32 v10, v11;
	[tilespmem:s25+$0x3560] =	vst v5  }
0x187: {  	v5 =	vld [tilespmem:s30+$0xE120];
	[tilespmem:s25+$0x3570] =	vst v7  }
0x188: {  	v8 =	vld [tilespmem:s30+$0x2130];
	[tilespmem:s25+$0x2100] =	vst v9;
	s25 =	smov.u32 s30  }
0x189: {  	v7 =	vld [tilespmem:s25+$0xE130]  }
0x18a: {  	v10 =	vld [tilespmem:s25+$0x2140]  }
0x18b: {  	v9 =	vld [tilespmem:s25+$0xE140]  }
0x18c: {  	v12 =	vld [tilespmem:s25+$0x2150]  }
0x18d: {  	v11 =	vld [tilespmem:s25+$0xE150]  }
0x18e: {  	v13 =	vld [tilespmem:s25+$0x2160]  }
0x18f: {  	v14 =	vld [tilespmem:s25+$0x2170]  }
0x190: {  	v15 =	vld [tilespmem:s25+$0x2500]  }
0x191: {  	v16 =	vld [tilespmem:s25+$0x2510]  }
0x192: {  	v17 =	vld [tilespmem:s25+$0x2520]  }
0x193: {  	v18 =	vld [tilespmem:s25+$0x2530]  }
0x194: {  	v19 =	vld [tilespmem:s25+$0x2540]  }
0x195: {  	v20 =	vld [tilespmem:s25+$0x2550]  }
0x196: {  	v21 =	vld [tilespmem:s25+$0x2560]  }
0x197: {  	v22 =	vld [tilespmem:s25+$0x2570]  }
0x198: {  	v23 =	vld [tilespmem:s25+$0x2900]  }
0x199: {  	v24 =	vld [tilespmem:s25+$0x2910]  }
0x19a: {  	v25 =	vld [tilespmem:s25+$0x2920]  }
0x19b: {  	v26 =	vld [tilespmem:s25+$0x2930]  }
0x19c: {  	v27 =	vld [tilespmem:s25+$0x2940]  }
0x19d: {  	v28 =	vld [tilespmem:s25+$0x2950]  }
0x19e: {  	v29 =	vld [tilespmem:s25+$0x2960]  }
0x19f: {  	v30 =	vld [tilespmem:s25+$0x2970]  }
0x1a0: {  	v32 =	vld [tilespmem:s25+$0x2D00]  }
0x1a1: {  	v34 =	vld [tilespmem:s25+$0x2D10]  }
0x1a2: {  	v35 =	vld [tilespmem:s25+$0x2D20]  }
0x1a3: {  	v36 =	vld [tilespmem:s25+$0x2D30]  }
0x1a4: {  	v37 =	vld [tilespmem:s25+$0x2D40]  }
0x1a5: {  	v38 =	vld [tilespmem:s25+$0x2D50]  }
0x1a6: {  	v39 =	vld [tilespmem:s25+$0x2D60]  }
0x1a7: {  	v40 =	vld [tilespmem:s25+$0x2D70]  }
0x1a8: {  	v41 =	vld [tilespmem:s25+$0x3100]  }
0x1a9: {  	v42 =	vld [tilespmem:s25+$0x3110]  }
0x1aa: {  	v43 =	vld [tilespmem:s25+$0x3120]  }
0x1ab: {  	v44 =	vld [tilespmem:s25+$0x3130]  }
0x1ac: {  	v45 =	vld [tilespmem:s25+$0x3140]  }
0x1ad: {  	v46 =	vld [tilespmem:s25+$0x3150]  }
.Ltmp0:
0x1ae: {  	v47 =	vld [tilespmem:s25+$0x3160];
	(pc) =	sbr.rel @p0 .LBB2_2-.Ltmp0, $4  }
0x1af: {  	v48 =	vld [tilespmem:s25+$0x3500]  }
0x1b0: {  	v50 =	vld [tilespmem:s25+$0x3510]  }
0x1b1: {  	v49 =	vld [tilespmem:s25+$0xF510]  }
0x1b2: {  	s29 =	sadd.s32 $0x1, s29;
	v51 =	vld [tilespmem:s25+$0xF530]  }
0x1b3: {  	v52 =	vld [tilespmem:s25+$0x3530]  }
0x1b4: {  	v53 =	vld [tilespmem:s25+$0x3520];
	s26 =	sadd.s32 $0x80, s26  }
0x1b5: {  	v31 =	vld [tilespmem:s26+$0xFFFFFFF0]  }
0x1b6: {  	v33 =	vld [tilespmem:s26+$0x0]  }
0x1b7: {  	v54 =	vld [tilespmem:s25+$0xF520];
	_ =	sdelay $0x1  }
0x1b8: {  	v55 =	vld [tilespmem:s25+$0xF500]  }
0x1b9: {  	v56 =	vld [tilespmem:s25+$0x3170]  }
0x1ba: {  	v58 =	vld [tilespmem:s25+$0xF160];
	v52 =	vmul.f32 v52, v31;
	v51 =	vmul.f32 v51, v33  }
0x1bb: {  	v57 =	vld [tilespmem:s25+$0xF170];
	v53 =	vmul.f32 v53, v31;
	v54 =	vmul.f32 v54, v33  }
0x1bc: {  	v59 =	vld [tilespmem:s25+$0xF150];
	v50 =	vmul.f32 v50, v31;
	v49 =	vmul.f32 v49, v33  }
0x1bd: {  	v60 =	vld [tilespmem:s25+$0xF140];
	v48 =	vmul.f32 v48, v31;
	v62 =	vmul.f32 v55, v33;
	v51 =	vadd.f32 v51, v52  }
0x1be: {  	v61 =	vld [tilespmem:s25+$0xF120];
	v63 =	vmul.f32 v56, v31;
	v47 =	vmul.f32 v47, v31;
	v53 =	vadd.f32 v54, v53  }
0x1bf: {  	v58 =	vmul.f32 v58, v33;
	v55 =	vld [tilespmem:s25+$0xE560];
	v12 =	vmul.f32 v12, v31;
	v49 =	vadd.f32 v49, v50;
	[tilespmem:s25+$0x3530] =	vst v51  }
0x1c0: {  	v56 =	vld [tilespmem:s25+$0xE550];
	v11 =	vmul.f32 v11, v33;
	v10 =	vmul.f32 v10, v31;
	v48 =	vadd.f32 v62, v48;
	[tilespmem:s25+$0x3520] =	vst v53  }
0x1c1: {  	v9 =	vmul.f32 v9, v33;
	v8 =	vmul.f32 v8, v31;
	v52 =	vld [tilespmem:s25+$0xF130];
	v47 =	vadd.f32 v58, v47;
	[tilespmem:s25+$0x3510] =	vst v49  }
0x1c2: {  	v7 =	vmul.f32 v7, v33;
	v6 =	vmul.f32 v6, v31;
	v50 =	vld [tilespmem:s25+$0xF100];
	v11 =	vadd.f32 v11, v12;
	[tilespmem:s25+$0x3500] =	vst v48  }
0x1c3: {  	v5 =	vmul.f32 v5, v33;
	v3 =	vmul.f32 v3, v31;
	v58 =	vld [tilespmem:s25+$0xED20];
	v9 =	vadd.f32 v9, v10;
	[tilespmem:s25+$0x3160] =	vst v47  }
0x1c4: {  	v4 =	vmul.f32 v4, v33;
	v62 =	vmul.f32 v59, v33;
	v59 =	vld [tilespmem:s25+$0xED10];
	v7 =	vadd.f32 v7, v8;
	[tilespmem:s25+$0x2150] =	vst v11  }
0x1c5: {  	v57 =	vmul.f32 v57, v33;
	v54 =	vld [tilespmem:s25+$0xE570];
	v5 =	vadd.f32 v5, v6;
	[tilespmem:s25+$0x2140] =	vst v9  }
0x1c6: {  	v46 =	vmul.f32 v46, v31;
	v3 =	vadd.f32 v4, v3;
	v51 =	vld [tilespmem:s25+$0xF110];
	[tilespmem:s25+$0x2130] =	vst v7  }
0x1c7: {  	v45 =	vmul.f32 v45, v31;
	v49 =	vld [tilespmem:s25+$0xED70];
	v53 =	vadd.f32 v57, v63;
	v63 =	vmul.f32 v60, v33;
	[tilespmem:s25+$0x2120] =	vst v5  }
0x1c8: {  	v43 =	vmul.f32 v43, v31;
	v48 =	vld [tilespmem:s25+$0xED60];
	v46 =	vadd.f32 v62, v46;
	v57 =	vmul.f32 v61, v33;
	[tilespmem:s25+$0x2110] =	vst v3  }
0x1c9: {  	v44 =	vmul.f32 v44, v31;
	v47 =	vld [tilespmem:s25+$0xED40];
	[tilespmem:s25+$0x3170] =	vst v53;
	v45 =	vadd.f32 v63, v45;
	v52 =	vmul.f32 v52, v33  }
0x1ca: {  	v41 =	vmul.f32 v41, v31;
	v60 =	vld [tilespmem:s25+$0xED00];
	[tilespmem:s25+$0x3150] =	vst v46;
	v43 =	vadd.f32 v57, v43;
	v50 =	vmul.f32 v50, v33  }
0x1cb: {  	v35 =	vmul.f32 v35, v31;
	v61 =	vld [tilespmem:s25+$0xE970];
	[tilespmem:s25+$0x3140] =	vst v45;
	v45 =	vmul.f32 v58, v33;
	v44 =	vadd.f32 v52, v44  }
0x1cc: {  	v42 =	vmul.f32 v42, v31;
	v53 =	vld [tilespmem:s25+$0xED50];
	[tilespmem:s25+$0x3120] =	vst v43;
	v51 =	vmul.f32 v51, v33;
	v41 =	vadd.f32 v50, v41  }
0x1cd: {  	v40 =	vmul.f32 v40, v31;
	v46 =	vld [tilespmem:s25+$0xED30];
	v49 =	vmul.f32 v49, v33;
	v35 =	vadd.f32 v45, v35;
	[tilespmem:s25+$0x3130] =	vst v44  }
0x1ce: {  	v39 =	vmul.f32 v39, v31;
	v62 =	vld [tilespmem:s25+$0xE960];
	v48 =	vmul.f32 v48, v33;
	v42 =	vadd.f32 v51, v42;
	[tilespmem:s25+$0x3100] =	vst v41  }
0x1cf: {  	v37 =	vmul.f32 v37, v31;
	v57 =	vld [tilespmem:s25+$0xE540];
	v47 =	vmul.f32 v47, v33;
	v40 =	vadd.f32 v49, v40;
	[tilespmem:s25+$0x2D20] =	vst v35  }
0x1d0: {  	v32 =	vmul.f32 v32, v31;
	v58 =	vld [tilespmem:s25+$0xE530];
	v43 =	vmul.f32 v60, v33;
	v39 =	vadd.f32 v48, v39;
	[tilespmem:s25+$0x3110] =	vst v42  }
0x1d1: {  	v38 =	vmul.f32 v38, v31;
	v50 =	vld [tilespmem:s25+$0xE930];
	v63 =	vmul.f32 v53, v33;
	v37 =	vadd.f32 v47, v37;
	[tilespmem:s25+$0x2D70] =	vst v40  }
0x1d2: {  	v36 =	vmul.f32 v36, v31;
	v60 =	vld [tilespmem:s25+$0xE510];
	v46 =	vmul.f32 v46, v33;
	v32 =	vadd.f32 v43, v32;
	[tilespmem:s25+$0x2D60] =	vst v39  }
0x1d3: {  	v34 =	vmul.f32 v34, v31;
	v52 =	vld [tilespmem:s25+$0xE910];
	v44 =	vmul.f32 v59, v33;
	v38 =	vadd.f32 v63, v38;
	[tilespmem:s25+$0x2D40] =	vst v37  }
0x1d4: {  	v29 =	vmul.f32 v29, v31;
	v45 =	vld [tilespmem:s25+$0x3540];
	v41 =	vmul.f32 v62, v33;
	v36 =	vadd.f32 v46, v36;
	[tilespmem:s25+$0x2D00] =	vst v32  }
0x1d5: {  	v21 =	vmul.f32 v21, v31;
	v48 =	vld [tilespmem:s25+$0xE950];
	v62 =	vmul.f32 v55, v33;
	v34 =	vadd.f32 v44, v34;
	[tilespmem:s25+$0x2D50] =	vst v38  }
0x1d6: {  	v30 =	vmul.f32 v30, v31;
	v49 =	vld [tilespmem:s25+$0xE940];
	v42 =	vmul.f32 v61, v33;
	v29 =	vadd.f32 v41, v29;
	[tilespmem:s25+$0x2D30] =	vst v36  }
0x1d7: {  	v16 =	vmul.f32 v16, v31;
	v51 =	vld [tilespmem:s25+$0xE920];
	v21 =	vadd.f32 v62, v21;
	v41 =	vmul.f32 v60, v33;
	[tilespmem:s25+$0x2D10] =	vst v34  }
0x1d8: {  	v26 =	vmul.f32 v26, v31;
	v53 =	vld [tilespmem:s25+$0xE900];
	v30 =	vadd.f32 v42, v30;
	[tilespmem:s25+$0x2960] =	vst v29;
	v38 =	vmul.f32 v50, v33  }
0x1d9: {  	v24 =	vmul.f32 v24, v31;
	v59 =	vld [tilespmem:s25+$0xE520];
	v36 =	vmul.f32 v52, v33;
	[tilespmem:s25+$0x2560] =	vst v21;
	v16 =	vadd.f32 v41, v16  }
0x1da: {  	v22 =	vmul.f32 v22, v31;
	v43 =	vld [tilespmem:s25+$0xF570];
	v34 =	vmul.f32 v54, v33;
	[tilespmem:s25+$0x2970] =	vst v30;
	v26 =	vadd.f32 v38, v26  }
0x1db: {  	v28 =	vmul.f32 v28, v31;
	v61 =	vld [tilespmem:s25+$0xE500];
	v40 =	vmul.f32 v48, v33;
	v24 =	vadd.f32 v36, v24;
	[tilespmem:s25+$0x2510] =	vst v16  }
0x1dc: {  	v27 =	vmul.f32 v27, v31;
	v63 =	vld [tilespmem:s25+$0xE170];
	v39 =	vmul.f32 v49, v33;
	v22 =	vadd.f32 v34, v22;
	[tilespmem:s25+$0x2930] =	vst v26  }
0x1dd: {  	v25 =	vmul.f32 v25, v31;
	v46 =	vld [tilespmem:s25+$0x3550];
	v37 =	vmul.f32 v51, v33;
	v28 =	vadd.f32 v40, v28;
	[tilespmem:s25+$0x2910] =	vst v24  }
0x1de: {  	v23 =	vmul.f32 v23, v31;
	v50 =	vld [tilespmem:s25+$0xE100];
	v35 =	vmul.f32 v53, v33;
	v27 =	vadd.f32 v39, v27;
	[tilespmem:s25+$0x2570] =	vst v22  }
0x1df: {  	v20 =	vmul.f32 v20, v31;
	v48 =	vld [tilespmem:s25+$0x3560];
	v30 =	vmul.f32 v56, v33;
	v25 =	vadd.f32 v37, v25;
	[tilespmem:s25+$0x2950] =	vst v28  }
0x1e0: {  	v19 =	vmul.f32 v19, v31;
	v51 =	vld [tilespmem:s25+$0x2100];
	v23 =	vadd.f32 v35, v23;
	v35 =	vmul.f32 v57, v33;
	[tilespmem:s25+$0x2940] =	vst v27  }
0x1e1: {  	v18 =	vmul.f32 v18, v31;
	v34 =	vld [tilespmem:s25+$0xE160];
	v37 =	vmul.f32 v58, v33;
	v20 =	vadd.f32 v30, v20;
	[tilespmem:s25+$0x2920] =	vst v25  }
0x1e2: {  	v17 =	vmul.f32 v17, v31;
	v36 =	vld [tilespmem:s25+$0xF540];
	v39 =	vmul.f32 v59, v33;
	[tilespmem:s25+$0x2900] =	vst v23;
	v19 =	vadd.f32 v35, v19  }
0x1e3: {  	v15 =	vmul.f32 v15, v31;
	v38 =	vld [tilespmem:s25+$0xF550];
	v42 =	vmul.f32 v61, v33;
	v18 =	vadd.f32 v37, v18;
	[tilespmem:s25+$0x2550] =	vst v20  }
0x1e4: {  	v14 =	vmul.f32 v14, v31;
	v40 =	vld [tilespmem:s25+$0xF560];
	v44 =	vmul.f32 v63, v33;
	v17 =	vadd.f32 v39, v17;
	[tilespmem:s25+$0x2540] =	vst v19  }
0x1e5: {  	v49 =	vld [tilespmem:s25+$0x3570];
	v15 =	vadd.f32 v42, v15;
	v10 =	vmul.f32 v50, v33;
	v61 =	vmul.f32 v51, v31;
	[tilespmem:s25+$0x2530] =	vst v18  }
0x1e6: {  	v13 =	vmul.f32 v13, v31;
	v14 =	vadd.f32 v44, v14;
	[tilespmem:s25+$0x2520] =	vst v17;
	v47 =	vmul.f32 v34, v33  }
0x1e7: {  	v52 =	vmul.f32 v45, v31;
	[tilespmem:s25+$0x2500] =	vst v15;
	v53 =	vmul.f32 v36, v33;
	v63 =	vadd.f32 v10, v61  }
0x1e8: {  	v54 =	vmul.f32 v46, v31;
	[tilespmem:s25+$0x2170] =	vst v14;
	v55 =	vmul.f32 v38, v33;
	v13 =	vadd.f32 v47, v13  }
0x1e9: {  	v56 =	vmul.f32 v48, v31;
	v58 =	vmul.f32 v40, v33;
	v57 =	vadd.f32 v53, v52;
	[tilespmem:s25+$0x2100] =	vst v63  }
0x1ea: {  	v60 =	vmul.f32 v43, v33;
	v59 =	vmul.f32 v49, v31;
	v3 =	vadd.f32 v55, v54;
	[tilespmem:s25+$0x2160] =	vst v13  }
0x1eb: {  	v62 =	vadd.f32 v58, v56;
	[tilespmem:s25+$0x3540] =	vst v57  }
0x1ec: {  	s24 =	sadd.s32 $0x1, s24;
	[tilespmem:s25+$0x3550] =	vst v3;
	v3 =	vadd.f32 v60, v59  }
0x1ed: {  	p0 =	sne.s32 s24, s10;
	[tilespmem:s25+$0x3560] =	vst v62  }
.Ltmp1:
0x1ee: {  	[tilespmem:s25+$0x3570] =	vst v3;
	(pc) =	sbr.rel @p0 .LBB2_1-.Ltmp1, $4  }
0x1ef: {  	[hbm4b:s9+s2] =	stream.linear.scatter [tilespmem:s14], [sflag:$0x3], $0xC000, $0x38;
	[tilespmem:$0x1A100] =	vst v63  }
0x1f0: {  	_ =	swait.ge [sflag:s11], $0xC000  }
0x1f1: {  	[sflag:s11] =	ssyncset.done $0x0  }
0x1f2: {  	[sflag:s11] =	ssyncadd.s32 $0xFFFF4000  }
0x1f3: {  	_ =	sfence.sel $0x180000  }
0x1f4: {  	[bflag:$0x0] =	sbarrier.arrive $0xFFFF  }
0x1f5: {  	_ =	strace $0x9000004A  }
0x1f6: {  	s0 =	stileid.u32;
	[bflag:$0x2] =	sbarrier.arrive $0xFFFF  }
0x1f7: {  	p0 =	sne.s32 s0, $0x0;
	s0 =	rddreg [dreg:$0x2]  }
0x1f8: {  	s0 =	sadd.s32 @!p0 $0x100000, s0  }
0x1f9: {  	[sflag:s0] =	ssyncadd.tile.s32 @!p0 $0x1;
	_ =	shalt  }
.Lfunc_end2:
_tile_overlayer_lowered:
.L_overlay_start_2:
0x1fa: {  	(tag) =	ssettag $0x2  }
0x1fb: {  	s0 =	rddreg [dreg:$0x0];
	s2 =	stileid.u32  }
0x1fc: {  	s1 =	rddreg [dreg:$0x1];
	p0 =	sne.s32 s2, $0x0  }
0x1fd: {  	s3 =	rddreg [dreg:$0x2];
	[bflag:$0x3] =	sbarrier.arrive $0xFFFF;
	s2 =	simm.s32 @!p0 $0x1C03  }
0x1fe: {  	[timem:s3], [sflag:s2] =	dma.local @!p0 [hbm:s0], s1  }
0x1ff: {  	s0 =	simm.s32 @!p0 $0x3  }
0x200: {  	_ =	swait.ge @!p0 [sflag:s0], s1  }
0x201: {  	s1 =	ssub.s32 @!p0 $0x0, s1;
	[sflag:s0] =	ssyncset.done @!p0 $0x0  }
0x202: {  	[sflag:s0] =	ssyncadd.s32 @!p0 s1  }
0x203: {  	[bflag:$0x3] =	sbarrier.arrive $0xFFFF  }
0x204: {  	_ =	shalt  }

</sc_bundles>
